<compile_context>
chip_gen: v7x
topology: tpu7x:2x2x1
jax: 0.10.2.dev20260603
libtpu: 0.0.44.dev20260713+nightly
codegen_flags: <defaults>
</compile_context>

<pallas_src>
import functools

import jax
import jax.numpy as jnp
from jax import lax
from jax.experimental import pallas as pl
from jax.experimental.pallas import tpu as pltpu
from jax.experimental.pallas import tpu_sc as plsc

V = 10000
E = 160000
D = 256
H = 128
NC = 2
NS = 16
B = 128
NB = 160
CH = 16
NCH = NB // CH
ROWS_PER_TILE = 624
ACC_ROWS = V + 16
RB = 1000
G = V // RB


def _mm_body(x_ref, deg_ref, w0_ref, w1_ref, b0_ref, b1_ref, out0_ref, out1_ref):
    x = x_ref[...]
    xw0 = lax.dot_general(x, w0_ref[...], (((1,), (1,)), ((), ())),
                          preferred_element_type=jnp.float32)
    out0_ref[...] = xw0 + b0_ref[0:1, :]
    xd = x * deg_ref[...]
    xw1 = lax.dot_general(xd, w1_ref[...], (((1,), (1,)), ((), ())),
                          preferred_element_type=jnp.float32)
    xw1 = xw1 + b1_ref[0:1, :]
    out1_ref[0] = xw1[:, :H]
    out1_ref[1] = xw1[:, H:]


def _combine_body(vw0_ref, ns_ref, deg_ref, out_ref):
    ns = jnp.concatenate([ns_ref[0], ns_ref[1]], axis=1)
    out_ref[...] = vw0_ref[...] + deg_ref[...] * ns


def _sc_body(vw1f, src_hbm, dst_hbm, out_hbm,
             sbuf0, sbuf1, dbuf0, dbuf1, rbuf0, rbuf1, acc,
             gsem0, gsem1, isem):
    c = lax.axis_index("c")
    s = lax.axis_index("s")
    sbufs = (sbuf0, sbuf1)
    dbufs = (dbuf0, dbuf1)
    rbufs = (rbuf0, rbuf1)

    @pl.loop(0, B)
    def _zero_rows(i):
        for k in range(H // 16):
            rbuf0[i, pl.ds(k * 16, 16)] = jnp.zeros((16,), jnp.float32)

    zbase = s * ROWS_PER_TILE
    off = 0
    for n in (128, 128, 128, 128, ROWS_PER_TILE - 512):
        pltpu.sync_copy(rbuf0.at[pl.ds(0, n)], acc.at[pl.ds(zbase + off, n)])
        off += n

    @pl.when(s == NS - 1)
    def _zero_tail():
        pltpu.sync_copy(rbuf0.at[pl.ds(0, ACC_ROWS - NS * ROWS_PER_TILE)],
                        acc.at[pl.ds(NS * ROWS_PER_TILE,
                                     ACC_ROWS - NS * ROWS_PER_TILE)])

    plsc.subcore_barrier()

    def idx_start(k, p):
        pltpu.async_copy(src_hbm.at[c, s, k], sbufs[p], isem)
        pltpu.async_copy(dst_hbm.at[s, k], dbufs[p], isem)

    def idx_wait(k, p):
        pltpu.make_async_copy(src_hbm.at[c, s, k], sbufs[p], isem).wait()
        pltpu.make_async_copy(dst_hbm.at[s, k], dbufs[p], isem).wait()

    def gstart(sb, j, buf, sem):
        pltpu.async_copy(vw1f.at[sb.at[j]], buf, sem)

    def gwait(sb, j, buf, sem):
        pltpu.make_async_copy(vw1f.at[sb.at[j]], buf, sem).wait()

    gsems = (gsem0, gsem1)

    pltpu.sync_copy(src_hbm.at[c, s, 0], sbuf0)
    pltpu.sync_copy(dst_hbm.at[s, 0], dbuf0)
    idx_start(1, 1)
    gstart(sbuf0, 0, rbuf0, gsem0)
    gstart(sbuf0, 1, rbuf1, gsem1)

    @pl.loop(0, NCH, step=2)
    def _chunks(k):
        for p in range(2):
            kp = k + p
            idx_wait(kp + 1, p ^ 1)
            for j in range(CH):
                rb = rbufs[j % 2]
                sem = gsems[j % 2]
                gwait(sbufs[p], j, rb, sem)
                pltpu.sync_copy(rb, acc.at[dbufs[p].at[j]], add=True)
                if j < CH - 2:
                    gstart(sbufs[p], j + 2, rb, sem)
                else:
                    gstart(sbufs[p ^ 1], j + 2 - CH, rb, sem)
            idx_start(kp + 2, p)

    gwait(sbufs[0], 0, rbuf0, gsem0)
    gwait(sbufs[0], 1, rbuf1, gsem1)
    idx_wait(NCH + 1, 1)
    plsc.subcore_barrier()

    obase = s * ROWS_PER_TILE
    pltpu.sync_copy(acc.at[pl.ds(obase, ROWS_PER_TILE)],
                    out_hbm.at[pl.ds(c * V + obase, ROWS_PER_TILE)])

    @pl.when(s == NS - 1)
    def _write_tail():
        tail = V - NS * ROWS_PER_TILE
        pltpu.sync_copy(acc.at[pl.ds(NS * ROWS_PER_TILE, tail)],
                        out_hbm.at[pl.ds(c * V + NS * ROWS_PER_TILE, tail)])


@functools.cache
def _sc_scatter():
    return pl.kernel(
        _sc_body,
        out_type=jax.ShapeDtypeStruct((NC * V, H), jnp.float32),
        mesh=plsc.VectorSubcoreMesh(core_axis_name="c", subcore_axis_name="s",
                                    num_cores=NC, num_subcores=NS),
        scratch_types=[
            pltpu.VMEM((CH, B), jnp.int32),
            pltpu.VMEM((CH, B), jnp.int32),
            pltpu.VMEM((CH, B), jnp.int32),
            pltpu.VMEM((CH, B), jnp.int32),
            pltpu.VMEM((B, H), jnp.float32),
            pltpu.VMEM((B, H), jnp.float32),
            pltpu.VMEM_SHARED((ACC_ROWS, H), jnp.float32),
            pltpu.SemaphoreType.DMA,
            pltpu.SemaphoreType.DMA,
            pltpu.SemaphoreType.DMA,
        ],
    )


def kernel(verts, edges, deg, W0, b0, W1, b1):
    e = edges.astype(jnp.int32)
    srcs = jnp.concatenate([e[:, 1], e[:, 0]])
    dsts = jnp.concatenate([e[:, 0], e[:, 1]])
    pad = NS * NB * B - 2 * E
    srcs_p = jnp.pad(srcs, (0, pad)).reshape(NS, NCH, CH, B)
    dsts_p = jnp.pad(dsts, (0, pad), constant_values=V).reshape(NS, NCH, CH, B)
    srcs_p = jnp.concatenate(
        [srcs_p, jnp.zeros((NS, 2, CH, B), jnp.int32)], axis=1)
    dsts_p = jnp.concatenate(
        [dsts_p, jnp.full((NS, 2, CH, B), V, jnp.int32)], axis=1)
    src2 = jnp.stack([srcs_p, srcs_p + V])

    b0b = jnp.broadcast_to(b0[None, :], (8, D))
    b1b = jnp.broadcast_to(b1[None, :], (8, D))

    vw0, vw1f3 = pl.pallas_call(
        _mm_body,
        grid=(G,),
        in_specs=[
            pl.BlockSpec((RB, D), lambda i: (i, 0)),
            pl.BlockSpec((RB, 1), lambda i: (i, 0)),
            pl.BlockSpec((D, D), lambda i: (0, 0)),
            pl.BlockSpec((D, D), lambda i: (0, 0)),
            pl.BlockSpec((8, D), lambda i: (0, 0)),
            pl.BlockSpec((8, D), lambda i: (0, 0)),
        ],
        out_specs=[
            pl.BlockSpec((RB, D), lambda i: (i, 0)),
            pl.BlockSpec((NC, RB, H), lambda i: (0, i, 0)),
        ],
        out_shape=[
            jax.ShapeDtypeStruct((V, D), jnp.float32),
            jax.ShapeDtypeStruct((NC, V, H), jnp.float32),
        ],
    )(verts, deg, W0, W1, b0b, b1b)

    nsf = _sc_scatter()(vw1f3.reshape(NC * V, H), src2, dsts_p)

    out = pl.pallas_call(
        _combine_body,
        grid=(G,),
        in_specs=[
            pl.BlockSpec((RB, D), lambda i: (i, 0)),
            pl.BlockSpec((NC, RB, H), lambda i: (0, i, 0)),
            pl.BlockSpec((RB, 1), lambda i: (i, 0)),
        ],
        out_specs=pl.BlockSpec((RB, D), lambda i: (i, 0)),
        out_shape=jax.ShapeDtypeStruct((V, D), jnp.float32),
    )(vw0, nsf.reshape(NC, V, H), deg)
    return out

# --- scband reference (transcript-rebuilt; emitter-appended) ---
"""Pipeline reference for scband-graph-conv-35862976922342 (READ-ONLY COPY).

The authoritative reference and input builder live on the scoring server;
editing this copy changes nothing except your own understanding.
"""

import jax, jax.numpy as jnp
import numpy as np

V = 10000
E = 160000
D_IN = 256
D_OUT = 256


def setup_inputs(seed: int = 0) -> dict:
    key = jax.random.key(seed)
    k1, k2, k3, k4, k5 = jax.random.split(key, 5)
    verts = jax.random.normal(k1, (V, D_IN), dtype=jnp.float32)
    edges = jax.random.randint(k2, (E, 2), 0, V, dtype=jnp.int64)
    deg = jax.random.uniform(k3, (V, 1), dtype=jnp.float32)
    # Parameters: two Linear layers, init='normal' (std=0.01 weights, zero bias)
    W0 = 0.01 * jax.random.normal(k4, (D_OUT, D_IN), dtype=jnp.float32)
    b0 = jnp.zeros((D_OUT,), dtype=jnp.float32)
    W1 = 0.01 * jax.random.normal(k5, (D_OUT, D_IN), dtype=jnp.float32)
    b1 = jnp.zeros((D_OUT,), dtype=jnp.float32)
    return {"verts": verts, "edges": edges, "deg": deg, "W0": W0, "b0": b0, "W1": W1, "b1": b1}


def _gather_scatter(x, edges, directed=False):
    # Undirected neighbor sum: out[e0] += x[e1]; out[e1] += x[e0]
    e0 = edges[:, 0]
    e1 = edges[:, 1]
    out = jnp.zeros_like(x)
    out = out.at[e0].add(x[e1])
    if not directed:
        out = out.at[e1].add(x[e0])
    return out


def reference(verts, edges, deg, W0, b0, W1, b1):
    # verts_w0 = w0(verts)
    verts_w0 = verts @ W0.T + b0
    # verts_w1 = w1(verts * deg)
    verts_w1 = (verts * deg) @ W1.T + b1
    neighbor_sums = _gather_scatter(verts_w1, edges, directed=False)
    out = verts_w0 + deg * neighbor_sums
    return out

if __name__ == "__main__":
    import jax
    _d = setup_inputs()
    print(jax.jit(kernel)(*tuple(_d.values())))

</pallas_src>

<mosaic_0001>
#map = affine_map<(d0, d1) -> (0, 0)>
#map1 = affine_map<(d0, d1) -> (0, 0, 0, 0, 0)>
#map2 = affine_map<(d0, d1) -> (0, 0, 0, 0)>
module attributes {stable_mosaic.version = 14 : i64} {
  func.func @_sc_body(%arg0: i32, %arg1: i32, %arg2: memref<20000x128xf32, #tpu.memory_space<hbm>>, %arg3: memref<2x16x12x16x128xi32, #tpu.memory_space<hbm>>, %arg4: memref<16x12x16x128xi32, #tpu.memory_space<hbm>>, %arg5: memref<20000x128xf32, #tpu.memory_space<hbm>>, %arg6: memref<16x128xi32, #tpu.memory_space<vmem>>, %arg7: memref<16x128xi32, #tpu.memory_space<vmem>>, %arg8: memref<16x128xi32, #tpu.memory_space<vmem>>, %arg9: memref<16x128xi32, #tpu.memory_space<vmem>>, %arg10: memref<128x128xf32, #tpu.memory_space<vmem>>, %arg11: memref<128x128xf32, #tpu.memory_space<vmem>>, %arg12: memref<10016x128xf32, #tpu.memory_space<vmem_shared>>, %arg13: memref<!tpu.dma_semaphore, #tpu.memory_space<semaphore_mem>>, %arg14: memref<!tpu.dma_semaphore, #tpu.memory_space<semaphore_mem>>, %arg15: memref<!tpu.dma_semaphore, #tpu.memory_space<semaphore_mem>>) attributes {dimension_semantics = [#tpu.dimension_semantics<core_parallel>, #tpu.dimension_semantics<subcore_parallel>], iteration_bounds = array<i64: 2, 16>, scalar_prefetch = 0 : i64, scratch_operands = 10 : i64, tpu.core_type = #tpu.core_type<sc_vector_subcore>, window_params = [{transform_indices = #map}, {transform_indices = #map1}, {transform_indices = #map2}, {transform_indices = #map}]} {
    %scan3A = arith.constant 0 : i32
    %scan3A_0 = arith.constant 128 : i32
    %scan3A_1 = arith.addi %scan3A, %scan3A_0 : i32
    %scan3A_2 = arith.constant 1 : i32
    scf.for %scan3A_95 = %scan3A to %scan3A_1 step %scan3A_2  : i32 {
      %mul3A_96 = arith.constant 1 : i32
      %mul3A_97 = arith.muli %scan3A_95, %mul3A_96 : i32
      %add3A_98 = arith.constant 0 : i32
      %add3A_99 = arith.addi %add3A_98, %mul3A_97 : i32
      %broadcast_in_dim3A = arith.constant 0.000000e+00 : f32
      %broadcast_in_dim3A_100 = vector.broadcast %broadcast_in_dim3A : f32 to vector<16xf32>
      %swap3A = arith.index_cast %add3A_99 : i32 to index
      %swap3A_101 = arith.constant 0 : index
      %swap3A_102 = tpu.vector_load %arg10[%swap3A, %swap3A_101] {strides = array<i32>} : memref<128x128xf32, #tpu.memory_space<vmem>>, vector<1x16xf32>,
      %swap3A_103 = vector.shape_cast %swap3A_102 : vector<1x16xf32> to vector<16xf32>
      %swap3A_104 = vector.shape_cast %broadcast_in_dim3A_100 : vector<16xf32> to vector<1x16xf32>
      tpu.vector_store %arg10[%swap3A, %swap3A_101], %swap3A_104 {strides = array<i32>} : memref<128x128xf32, #tpu.memory_space<vmem>>, vector<1x16xf32>,
      %broadcast_in_dim3A_105 = arith.constant 0.000000e+00 : f32
      %broadcast_in_dim3A_106 = vector.broadcast %broadcast_in_dim3A_105 : f32 to vector<16xf32>
      %swap3A_107 = arith.index_cast %add3A_99 : i32 to index
      %swap3A_108 = arith.constant 16 : index
      %swap3A_109 = tpu.vector_load %arg10[%swap3A_107, %swap3A_108] {strides = array<i32>} : memref<128x128xf32, #tpu.memory_space<vmem>>, vector<1x16xf32>,
      %swap3A_110 = vector.shape_cast %swap3A_109 : vector<1x16xf32> to vector<16xf32>
      %swap3A_111 = vector.shape_cast %broadcast_in_dim3A_106 : vector<16xf32> to vector<1x16xf32>
      tpu.vector_store %arg10[%swap3A_107, %swap3A_108], %swap3A_111 {strides = array<i32>} : memref<128x128xf32, #tpu.memory_space<vmem>>, vector<1x16xf32>,
      %broadcast_in_dim3A_112 = arith.constant 0.000000e+00 : f32
      %broadcast_in_dim3A_113 = vector.broadcast %broadcast_in_dim3A_112 : f32 to vector<16xf32>
      %swap3A_114 = arith.index_cast %add3A_99 : i32 to index
      %swap3A_115 = arith.constant 32 : index
      %swap3A_116 = tpu.vector_load %arg10[%swap3A_114, %swap3A_115] {strides = array<i32>} : memref<128x128xf32, #tpu.memory_space<vmem>>, vector<1x16xf32>,
      %swap3A_117 = vector.shape_cast %swap3A_116 : vector<1x16xf32> to vector<16xf32>
      %swap3A_118 = vector.shape_cast %broadcast_in_dim3A_113 : vector<16xf32> to vector<1x16xf32>
      tpu.vector_store %arg10[%swap3A_114, %swap3A_115], %swap3A_118 {strides = array<i32>} : memref<128x128xf32, #tpu.memory_space<vmem>>, vector<1x16xf32>,
      %broadcast_in_dim3A_119 = arith.constant 0.000000e+00 : f32
      %broadcast_in_dim3A_120 = vector.broadcast %broadcast_in_dim3A_119 : f32 to vector<16xf32>
      %swap3A_121 = arith.index_cast %add3A_99 : i32 to index
      %swap3A_122 = arith.constant 48 : index
      %swap3A_123 = tpu.vector_load %arg10[%swap3A_121, %swap3A_122] {strides = array<i32>} : memref<128x128xf32, #tpu.memory_space<vmem>>, vector<1x16xf32>,
      %swap3A_124 = vector.shape_cast %swap3A_123 : vector<1x16xf32> to vector<16xf32>
      %swap3A_125 = vector.shape_cast %broadcast_in_dim3A_120 : vector<16xf32> to vector<1x16xf32>
      tpu.vector_store %arg10[%swap3A_121, %swap3A_122], %swap3A_125 {strides = array<i32>} : memref<128x128xf32, #tpu.memory_space<vmem>>, vector<1x16xf32>,
      %broadcast_in_dim3A_126 = arith.constant 0.000000e+00 : f32
      %broadcast_in_dim3A_127 = vector.broadcast %broadcast_in_dim3A_126 : f32 to vector<16xf32>
      %swap3A_128 = arith.index_cast %add3A_99 : i32 to index
      %swap3A_129 = arith.constant 64 : index
      %swap3A_130 = tpu.vector_load %arg10[%swap3A_128, %swap3A_129] {strides = array<i32>} : memref<128x128xf32, #tpu.memory_space<vmem>>, vector<1x16xf32>,
      %swap3A_131 = vector.shape_cast %swap3A_130 : vector<1x16xf32> to vector<16xf32>
      %swap3A_132 = vector.shape_cast %broadcast_in_dim3A_127 : vector<16xf32> to vector<1x16xf32>
      tpu.vector_store %arg10[%swap3A_128, %swap3A_129], %swap3A_132 {strides = array<i32>} : memref<128x128xf32, #tpu.memory_space<vmem>>, vector<1x16xf32>,
      %broadcast_in_dim3A_133 = arith.constant 0.000000e+00 : f32
      %broadcast_in_dim3A_134 = vector.broadcast %broadcast_in_dim3A_133 : f32 to vector<16xf32>
      %swap3A_135 = arith.index_cast %add3A_99 : i32 to index
      %swap3A_136 = arith.constant 80 : index
      %swap3A_137 = tpu.vector_load %arg10[%swap3A_135, %swap3A_136] {strides = array<i32>} : memref<128x128xf32, #tpu.memory_space<vmem>>, vector<1x16xf32>,
      %swap3A_138 = vector.shape_cast %swap3A_137 : vector<1x16xf32> to vector<16xf32>
      %swap3A_139 = vector.shape_cast %broadcast_in_dim3A_134 : vector<16xf32> to vector<1x16xf32>
      tpu.vector_store %arg10[%swap3A_135, %swap3A_136], %swap3A_139 {strides = array<i32>} : memref<128x128xf32, #tpu.memory_space<vmem>>, vector<1x16xf32>,
      %broadcast_in_dim3A_140 = arith.constant 0.000000e+00 : f32
      %broadcast_in_dim3A_141 = vector.broadcast %broadcast_in_dim3A_140 : f32 to vector<16xf32>
      %swap3A_142 = arith.index_cast %add3A_99 : i32 to index
      %swap3A_143 = arith.constant 96 : index
      %swap3A_144 = tpu.vector_load %arg10[%swap3A_142, %swap3A_143] {strides = array<i32>} : memref<128x128xf32, #tpu.memory_space<vmem>>, vector<1x16xf32>,
      %swap3A_145 = vector.shape_cast %swap3A_144 : vector<1x16xf32> to vector<16xf32>
      %swap3A_146 = vector.shape_cast %broadcast_in_dim3A_141 : vector<16xf32> to vector<1x16xf32>
      tpu.vector_store %arg10[%swap3A_142, %swap3A_143], %swap3A_146 {strides = array<i32>} : memref<128x128xf32, #tpu.memory_space<vmem>>, vector<1x16xf32>,
      %broadcast_in_dim3A_147 = arith.constant 0.000000e+00 : f32
      %broadcast_in_dim3A_148 = vector.broadcast %broadcast_in_dim3A_147 : f32 to vector<16xf32>
      %swap3A_149 = arith.index_cast %add3A_99 : i32 to index
      %swap3A_150 = arith.constant 112 : index
      %swap3A_151 = tpu.vector_load %arg10[%swap3A_149, %swap3A_150] {strides = array<i32>} : memref<128x128xf32, #tpu.memory_space<vmem>>, vector<1x16xf32>,
      %swap3A_152 = vector.shape_cast %swap3A_151 : vector<1x16xf32> to vector<16xf32>
      %swap3A_153 = vector.shape_cast %broadcast_in_dim3A_148 : vector<16xf32> to vector<1x16xf32>
      tpu.vector_store %arg10[%swap3A_149, %swap3A_150], %swap3A_153 {strides = array<i32>} : memref<128x128xf32, #tpu.memory_space<vmem>>, vector<1x16xf32>,
    }
    %scan3A_3 = arith.constant 128 : i32
    %mul3A = arith.constant 624 : i32
    %mul3A_4 = arith.muli %arg1, %mul3A : i32
    %add3A = arith.constant 0 : i32
    %add3A_5 = arith.addi %mul3A_4, %add3A : i32
    "tpu.region"() ({
      %run_scoped3A_95 = tpu.sem_alloc : memref<!tpu.dma_semaphore, #tpu.memory_space<semaphore_mem>>
      %dma_start3A_96 = arith.constant 0 : i32
      %dma_start3A_97 = arith.constant 0 : i32
      %dma_start3A_98 = tpu.memref_slice %arg10[%dma_start3A_96, %dma_start3A_97] : memref<128x128xf32, #tpu.memory_space<vmem>> -> memref<128x128xf32, #tpu.memory_space<vmem>>
      %dma_start3A_99 = arith.constant 0 : i32
      %dma_start3A_100 = tpu.memref_slice %arg12[%add3A_5, %dma_start3A_99] : memref<10016x128xf32, #tpu.memory_space<vmem_shared>> -> memref<128x128xf32, #tpu.memory_space<vmem_shared>>
      %dma_start3A_101 = arith.constant 0 : i32
      %dma_start3A_102 = tpu.memref_slice %arg12[%add3A_5, %dma_start3A_101] : memref<10016x128xf32, #tpu.memory_space<vmem_shared>> -> memref<128x128xf32, #tpu.memory_space<vmem_shared>>
      %dma_start3A_103 = arith.constant 0 : i32
      %dma_start3A_104 = arith.constant 0 : i32
      %dma_start3A_105 = tpu.memref_slice %arg10[%dma_start3A_103, %dma_start3A_104] : memref<128x128xf32, #tpu.memory_space<vmem>> -> memref<128x128xf32, #tpu.memory_space<vmem>>
      tpu.enqueue_dma source(%dma_start3A_105 : memref<128x128xf32, #tpu.memory_space<vmem>>) target(%dma_start3A_102 : memref<128x128xf32, #tpu.memory_space<vmem_shared>>) target_semaphore(%run_scoped3A_95 : memref<!tpu.dma_semaphore, #tpu.memory_space<semaphore_mem>>)
      %dma_wait3A_106 = arith.constant 0 : i32
      %dma_wait3A_107 = arith.constant 0 : i32
      %dma_wait3A_108 = tpu.memref_slice %arg10[%dma_wait3A_106, %dma_wait3A_107] : memref<128x128xf32, #tpu.memory_space<vmem>> -> memref<128x128xf32, #tpu.memory_space<vmem>>
      %dma_wait3A_109 = arith.constant 0 : i32
      %dma_wait3A_110 = tpu.memref_slice %arg12[%add3A_5, %dma_wait3A_109] : memref<10016x128xf32, #tpu.memory_space<vmem_shared>> -> memref<128x128xf32, #tpu.memory_space<vmem_shared>>
      %dma_wait3A_111 = arith.constant 0 : i32
      %dma_wait3A_112 = tpu.memref_slice %arg12[%add3A_5, %dma_wait3A_111] : memref<10016x128xf32, #tpu.memory_space<vmem_shared>> -> memref<128x128xf32, #tpu.memory_space<vmem_shared>>
      %dma_wait3A_113 = arith.constant 0 : i32
      %dma_wait3A_114 = arith.constant 0 : i32
      %dma_wait3A_115 = tpu.memref_slice %arg10[%dma_wait3A_113, %dma_wait3A_114] : memref<128x128xf32, #tpu.memory_space<vmem>> -> memref<128x128xf32, #tpu.memory_space<vmem>>
      tpu.wait_dma2 semaphore(%run_scoped3A_95 : memref<!tpu.dma_semaphore, #tpu.memory_space<semaphore_mem>>) src(%dma_wait3A_115 : memref<128x128xf32, #tpu.memory_space<vmem>>) dst(%dma_wait3A_112 : memref<128x128xf32, #tpu.memory_space<vmem_shared>>)
      tpu.yield
    }) : () -> ()
    %add3A_6 = arith.constant 128 : i32
    %add3A_7 = arith.addi %mul3A_4, %add3A_6 : i32
    "tpu.region"() ({
      %run_scoped3A_95 = tpu.sem_alloc : memref<!tpu.dma_semaphore, #tpu.memory_space<semaphore_mem>>
      %dma_start3A_96 = arith.constant 0 : i32
      %dma_start3A_97 = arith.constant 0 : i32
      %dma_start3A_98 = tpu.memref_slice %arg10[%dma_start3A_96, %dma_start3A_97] : memref<128x128xf32, #tpu.memory_space<vmem>> -> memref<128x128xf32, #tpu.memory_space<vmem>>
      %dma_start3A_99 = arith.constant 0 : i32
      %dma_start3A_100 = tpu.memref_slice %arg12[%add3A_7, %dma_start3A_99] : memref<10016x128xf32, #tpu.memory_space<vmem_shared>> -> memref<128x128xf32, #tpu.memory_space<vmem_shared>>
      %dma_start3A_101 = arith.constant 0 : i32
      %dma_start3A_102 = tpu.memref_slice %arg12[%add3A_7, %dma_start3A_101] : memref<10016x128xf32, #tpu.memory_space<vmem_shared>> -> memref<128x128xf32, #tpu.memory_space<vmem_shared>>
      %dma_start3A_103 = arith.constant 0 : i32
      %dma_start3A_104 = arith.constant 0 : i32
      %dma_start3A_105 = tpu.memref_slice %arg10[%dma_start3A_103, %dma_start3A_104] : memref<128x128xf32, #tpu.memory_space<vmem>> -> memref<128x128xf32, #tpu.memory_space<vmem>>
      tpu.enqueue_dma source(%dma_start3A_105 : memref<128x128xf32, #tpu.memory_space<vmem>>) target(%dma_start3A_102 : memref<128x128xf32, #tpu.memory_space<vmem_shared>>) target_semaphore(%run_scoped3A_95 : memref<!tpu.dma_semaphore, #tpu.memory_space<semaphore_mem>>)
      %dma_wait3A_106 = arith.constant 0 : i32
      %dma_wait3A_107 = arith.constant 0 : i32
      %dma_wait3A_108 = tpu.memref_slice %arg10[%dma_wait3A_106, %dma_wait3A_107] : memref<128x128xf32, #tpu.memory_space<vmem>> -> memref<128x128xf32, #tpu.memory_space<vmem>>
      %dma_wait3A_109 = arith.constant 0 : i32
      %dma_wait3A_110 = tpu.memref_slice %arg12[%add3A_7, %dma_wait3A_109] : memref<10016x128xf32, #tpu.memory_space<vmem_shared>> -> memref<128x128xf32, #tpu.memory_space<vmem_shared>>
      %dma_wait3A_111 = arith.constant 0 : i32
      %dma_wait3A_112 = tpu.memref_slice %arg12[%add3A_7, %dma_wait3A_111] : memref<10016x128xf32, #tpu.memory_space<vmem_shared>> -> memref<128x128xf32, #tpu.memory_space<vmem_shared>>
      %dma_wait3A_113 = arith.constant 0 : i32
      %dma_wait3A_114 = arith.constant 0 : i32
      %dma_wait3A_115 = tpu.memref_slice %arg10[%dma_wait3A_113, %dma_wait3A_114] : memref<128x128xf32, #tpu.memory_space<vmem>> -> memref<128x128xf32, #tpu.memory_space<vmem>>
      tpu.wait_dma2 semaphore(%run_scoped3A_95 : memref<!tpu.dma_semaphore, #tpu.memory_space<semaphore_mem>>) src(%dma_wait3A_115 : memref<128x128xf32, #tpu.memory_space<vmem>>) dst(%dma_wait3A_112 : memref<128x128xf32, #tpu.memory_space<vmem_shared>>)
      tpu.yield
    }) : () -> ()
    %add3A_8 = arith.constant 256 : i32
    %add3A_9 = arith.addi %mul3A_4, %add3A_8 : i32
    "tpu.region"() ({
      %run_scoped3A_95 = tpu.sem_alloc : memref<!tpu.dma_semaphore, #tpu.memory_space<semaphore_mem>>
      %dma_start3A_96 = arith.constant 0 : i32
      %dma_start3A_97 = arith.constant 0 : i32
      %dma_start3A_98 = tpu.memref_slice %arg10[%dma_start3A_96, %dma_start3A_97] : memref<128x128xf32, #tpu.memory_space<vmem>> -> memref<128x128xf32, #tpu.memory_space<vmem>>
      %dma_start3A_99 = arith.constant 0 : i32
      %dma_start3A_100 = tpu.memref_slice %arg12[%add3A_9, %dma_start3A_99] : memref<10016x128xf32, #tpu.memory_space<vmem_shared>> -> memref<128x128xf32, #tpu.memory_space<vmem_shared>>
      %dma_start3A_101 = arith.constant 0 : i32
      %dma_start3A_102 = tpu.memref_slice %arg12[%add3A_9, %dma_start3A_101] : memref<10016x128xf32, #tpu.memory_space<vmem_shared>> -> memref<128x128xf32, #tpu.memory_space<vmem_shared>>
      %dma_start3A_103 = arith.constant 0 : i32
      %dma_start3A_104 = arith.constant 0 : i32
      %dma_start3A_105 = tpu.memref_slice %arg10[%dma_start3A_103, %dma_start3A_104] : memref<128x128xf32, #tpu.memory_space<vmem>> -> memref<128x128xf32, #tpu.memory_space<vmem>>
      tpu.enqueue_dma source(%dma_start3A_105 : memref<128x128xf32, #tpu.memory_space<vmem>>) target(%dma_start3A_102 : memref<128x128xf32, #tpu.memory_space<vmem_shared>>) target_semaphore(%run_scoped3A_95 : memref<!tpu.dma_semaphore, #tpu.memory_space<semaphore_mem>>)
      %dma_wait3A_106 = arith.constant 0 : i32
      %dma_wait3A_107 = arith.constant 0 : i32
      %dma_wait3A_108 = tpu.memref_slice %arg10[%dma_wait3A_106, %dma_wait3A_107] : memref<128x128xf32, #tpu.memory_space<vmem>> -> memref<128x128xf32, #tpu.memory_space<vmem>>
      %dma_wait3A_109 = arith.constant 0 : i32
      %dma_wait3A_110 = tpu.memref_slice %arg12[%add3A_9, %dma_wait3A_109] : memref<10016x128xf32, #tpu.memory_space<vmem_shared>> -> memref<128x128xf32, #tpu.memory_space<vmem_shared>>
      %dma_wait3A_111 = arith.constant 0 : i32
      %dma_wait3A_112 = tpu.memref_slice %arg12[%add3A_9, %dma_wait3A_111] : memref<10016x128xf32, #tpu.memory_space<vmem_shared>> -> memref<128x128xf32, #tpu.memory_space<vmem_shared>>
      %dma_wait3A_113 = arith.constant 0 : i32
      %dma_wait3A_114 = arith.constant 0 : i32
      %dma_wait3A_115 = tpu.memref_slice %arg10[%dma_wait3A_113, %dma_wait3A_114] : memref<128x128xf32, #tpu.memory_space<vmem>> -> memref<128x128xf32, #tpu.memory_space<vmem>>
      tpu.wait_dma2 semaphore(%run_scoped3A_95 : memref<!tpu.dma_semaphore, #tpu.memory_space<semaphore_mem>>) src(%dma_wait3A_115 : memref<128x128xf32, #tpu.memory_space<vmem>>) dst(%dma_wait3A_112 : memref<128x128xf32, #tpu.memory_space<vmem_shared>>)
      tpu.yield
    }) : () -> ()
    %add3A_10 = arith.constant 384 : i32
    %add3A_11 = arith.addi %mul3A_4, %add3A_10 : i32
    "tpu.region"() ({
      %run_scoped3A_95 = tpu.sem_alloc : memref<!tpu.dma_semaphore, #tpu.memory_space<semaphore_mem>>
      %dma_start3A_96 = arith.constant 0 : i32
      %dma_start3A_97 = arith.constant 0 : i32
      %dma_start3A_98 = tpu.memref_slice %arg10[%dma_start3A_96, %dma_start3A_97] : memref<128x128xf32, #tpu.memory_space<vmem>> -> memref<128x128xf32, #tpu.memory_space<vmem>>
      %dma_start3A_99 = arith.constant 0 : i32
      %dma_start3A_100 = tpu.memref_slice %arg12[%add3A_11, %dma_start3A_99] : memref<10016x128xf32, #tpu.memory_space<vmem_shared>> -> memref<128x128xf32, #tpu.memory_space<vmem_shared>>
      %dma_start3A_101 = arith.constant 0 : i32
      %dma_start3A_102 = tpu.memref_slice %arg12[%add3A_11, %dma_start3A_101] : memref<10016x128xf32, #tpu.memory_space<vmem_shared>> -> memref<128x128xf32, #tpu.memory_space<vmem_shared>>
      %dma_start3A_103 = arith.constant 0 : i32
      %dma_start3A_104 = arith.constant 0 : i32
      %dma_start3A_105 = tpu.memref_slice %arg10[%dma_start3A_103, %dma_start3A_104] : memref<128x128xf32, #tpu.memory_space<vmem>> -> memref<128x128xf32, #tpu.memory_space<vmem>>
      tpu.enqueue_dma source(%dma_start3A_105 : memref<128x128xf32, #tpu.memory_space<vmem>>) target(%dma_start3A_102 : memref<128x128xf32, #tpu.memory_space<vmem_shared>>) target_semaphore(%run_scoped3A_95 : memref<!tpu.dma_semaphore, #tpu.memory_space<semaphore_mem>>)
      %dma_wait3A_106 = arith.constant 0 : i32
      %dma_wait3A_107 = arith.constant 0 : i32
      %dma_wait3A_108 = tpu.memref_slice %arg10[%dma_wait3A_106, %dma_wait3A_107] : memref<128x128xf32, #tpu.memory_space<vmem>> -> memref<128x128xf32, #tpu.memory_space<vmem>>
      %dma_wait3A_109 = arith.constant 0 : i32
      %dma_wait3A_110 = tpu.memref_slice %arg12[%add3A_11, %dma_wait3A_109] : memref<10016x128xf32, #tpu.memory_space<vmem_shared>> -> memref<128x128xf32, #tpu.memory_space<vmem_shared>>
      %dma_wait3A_111 = arith.constant 0 : i32
      %dma_wait3A_112 = tpu.memref_slice %arg12[%add3A_11, %dma_wait3A_111] : memref<10016x128xf32, #tpu.memory_space<vmem_shared>> -> memref<128x128xf32, #tpu.memory_space<vmem_shared>>
      %dma_wait3A_113 = arith.constant 0 : i32
      %dma_wait3A_114 = arith.constant 0 : i32
      %dma_wait3A_115 = tpu.memref_slice %arg10[%dma_wait3A_113, %dma_wait3A_114] : memref<128x128xf32, #tpu.memory_space<vmem>> -> memref<128x128xf32, #tpu.memory_space<vmem>>
      tpu.wait_dma2 semaphore(%run_scoped3A_95 : memref<!tpu.dma_semaphore, #tpu.memory_space<semaphore_mem>>) src(%dma_wait3A_115 : memref<128x128xf32, #tpu.memory_space<vmem>>) dst(%dma_wait3A_112 : memref<128x128xf32, #tpu.memory_space<vmem_shared>>)
      tpu.yield
    }) : () -> ()
    %add3A_12 = arith.constant 512 : i32
    %add3A_13 = arith.addi %mul3A_4, %add3A_12 : i32
    "tpu.region"() ({
      %run_scoped3A_95 = tpu.sem_alloc : memref<!tpu.dma_semaphore, #tpu.memory_space<semaphore_mem>>
      %dma_start3A_96 = arith.constant 0 : i32
      %dma_start3A_97 = arith.constant 0 : i32
      %dma_start3A_98 = tpu.memref_slice %arg10[%dma_start3A_96, %dma_start3A_97] : memref<128x128xf32, #tpu.memory_space<vmem>> -> memref<112x128xf32, #tpu.memory_space<vmem>>
      %dma_start3A_99 = arith.constant 0 : i32
      %dma_start3A_100 = tpu.memref_slice %arg12[%add3A_13, %dma_start3A_99] : memref<10016x128xf32, #tpu.memory_space<vmem_shared>> -> memref<112x128xf32, #tpu.memory_space<vmem_shared>>
      %dma_start3A_101 = arith.constant 0 : i32
      %dma_start3A_102 = tpu.memref_slice %arg12[%add3A_13, %dma_start3A_101] : memref<10016x128xf32, #tpu.memory_space<vmem_shared>> -> memref<112x128xf32, #tpu.memory_space<vmem_shared>>
      %dma_start3A_103 = arith.constant 0 : i32
      %dma_start3A_104 = arith.constant 0 : i32
      %dma_start3A_105 = tpu.memref_slice %arg10[%dma_start3A_103, %dma_start3A_104] : memref<128x128xf32, #tpu.memory_space<vmem>> -> memref<112x128xf32, #tpu.memory_space<vmem>>
      tpu.enqueue_dma source(%dma_start3A_105 : memref<112x128xf32, #tpu.memory_space<vmem>>) target(%dma_start3A_102 : memref<112x128xf32, #tpu.memory_space<vmem_shared>>) target_semaphore(%run_scoped3A_95 : memref<!tpu.dma_semaphore, #tpu.memory_space<semaphore_mem>>)
      %dma_wait3A_106 = arith.constant 0 : i32
      %dma_wait3A_107 = arith.constant 0 : i32
      %dma_wait3A_108 = tpu.memref_slice %arg10[%dma_wait3A_106, %dma_wait3A_107] : memref<128x128xf32, #tpu.memory_space<vmem>> -> memref<112x128xf32, #tpu.memory_space<vmem>>
      %dma_wait3A_109 = arith.constant 0 : i32
      %dma_wait3A_110 = tpu.memref_slice %arg12[%add3A_13, %dma_wait3A_109] : memref<10016x128xf32, #tpu.memory_space<vmem_shared>> -> memref<112x128xf32, #tpu.memory_space<vmem_shared>>
      %dma_wait3A_111 = arith.constant 0 : i32
      %dma_wait3A_112 = tpu.memref_slice %arg12[%add3A_13, %dma_wait3A_111] : memref<10016x128xf32, #tpu.memory_space<vmem_shared>> -> memref<112x128xf32, #tpu.memory_space<vmem_shared>>
      %dma_wait3A_113 = arith.constant 0 : i32
      %dma_wait3A_114 = arith.constant 0 : i32
      %dma_wait3A_115 = tpu.memref_slice %arg10[%dma_wait3A_113, %dma_wait3A_114] : memref<128x128xf32, #tpu.memory_space<vmem>> -> memref<112x128xf32, #tpu.memory_space<vmem>>
      tpu.wait_dma2 semaphore(%run_scoped3A_95 : memref<!tpu.dma_semaphore, #tpu.memory_space<semaphore_mem>>) src(%dma_wait3A_115 : memref<112x128xf32, #tpu.memory_space<vmem>>) dst(%dma_wait3A_112 : memref<112x128xf32, #tpu.memory_space<vmem_shared>>)
      tpu.yield
    }) : () -> ()
    %eq3A = arith.constant 15 : i32
    %eq3A_14 = arith.cmpi eq, %arg1, %eq3A : i32
    %convert_element_type3A = arith.extui %eq3A_14 : i1 to i32
    %cond3A = arith.constant 0 : i32
    %cond3A_15 = arith.cmpi ne, %convert_element_type3A, %cond3A : i32
    scf.if %cond3A_15 {
      "tpu.region"() ({
        %run_scoped3A_95 = tpu.sem_alloc : memref<!tpu.dma_semaphore, #tpu.memory_space<semaphore_mem>>
        %dma_start3A_96 = arith.constant 0 : i32
        %dma_start3A_97 = arith.constant 0 : i32
        %dma_start3A_98 = tpu.memref_slice %arg10[%dma_start3A_96, %dma_start3A_97] : memref<128x128xf32, #tpu.memory_space<vmem>> -> memref<32x128xf32, #tpu.memory_space<vmem>>
        %dma_start3A_99 = arith.constant 9984 : i32
        %dma_start3A_100 = arith.constant 0 : i32
        %dma_start3A_101 = tpu.memref_slice %arg12[%dma_start3A_99, %dma_start3A_100] : memref<10016x128xf32, #tpu.memory_space<vmem_shared>> -> memref<32x128xf32, #tpu.memory_space<vmem_shared>>
        %dma_start3A_102 = arith.constant 9984 : i32
        %dma_start3A_103 = arith.constant 0 : i32
        %dma_start3A_104 = tpu.memref_slice %arg12[%dma_start3A_102, %dma_start3A_103] : memref<10016x128xf32, #tpu.memory_space<vmem_shared>> -> memref<32x128xf32, #tpu.memory_space<vmem_shared>>
        %dma_start3A_105 = arith.constant 0 : i32
        %dma_start3A_106 = arith.constant 0 : i32
        %dma_start3A_107 = tpu.memref_slice %arg10[%dma_start3A_105, %dma_start3A_106] : memref<128x128xf32, #tpu.memory_space<vmem>> -> memref<32x128xf32, #tpu.memory_space<vmem>>
        tpu.enqueue_dma source(%dma_start3A_107 : memref<32x128xf32, #tpu.memory_space<vmem>>) target(%dma_start3A_104 : memref<32x128xf32, #tpu.memory_space<vmem_shared>>) target_semaphore(%run_scoped3A_95 : memref<!tpu.dma_semaphore, #tpu.memory_space<semaphore_mem>>)
        %dma_wait3A_108 = arith.constant 0 : i32
        %dma_wait3A_109 = arith.constant 0 : i32
        %dma_wait3A_110 = tpu.memref_slice %arg10[%dma_wait3A_108, %dma_wait3A_109] : memref<128x128xf32, #tpu.memory_space<vmem>> -> memref<32x128xf32, #tpu.memory_space<vmem>>
        %dma_wait3A_111 = arith.constant 9984 : i32
        %dma_wait3A_112 = arith.constant 0 : i32
        %dma_wait3A_113 = tpu.memref_slice %arg12[%dma_wait3A_111, %dma_wait3A_112] : memref<10016x128xf32, #tpu.memory_space<vmem_shared>> -> memref<32x128xf32, #tpu.memory_space<vmem_shared>>
        %dma_wait3A_114 = arith.constant 9984 : i32
        %dma_wait3A_115 = arith.constant 0 : i32
        %dma_wait3A_116 = tpu.memref_slice %arg12[%dma_wait3A_114, %dma_wait3A_115] : memref<10016x128xf32, #tpu.memory_space<vmem_shared>> -> memref<32x128xf32, #tpu.memory_space<vmem_shared>>
        %dma_wait3A_117 = arith.constant 0 : i32
        %dma_wait3A_118 = arith.constant 0 : i32
        %dma_wait3A_119 = tpu.memref_slice %arg10[%dma_wait3A_117, %dma_wait3A_118] : memref<128x128xf32, #tpu.memory_space<vmem>> -> memref<32x128xf32, #tpu.memory_space<vmem>>
        tpu.wait_dma2 semaphore(%run_scoped3A_95 : memref<!tpu.dma_semaphore, #tpu.memory_space<semaphore_mem>>) src(%dma_wait3A_119 : memref<32x128xf32, #tpu.memory_space<vmem>>) dst(%dma_wait3A_116 : memref<32x128xf32, #tpu.memory_space<vmem_shared>>)
        tpu.yield
      }) : () -> ()
    } else {
    }
    %barrier3A = arith.constant 0 : index
    tpu.barrier barrier_id(%barrier3A)
    %run_scoped3A = arith.constant 0 : i32
    "tpu.region"() ({
      %run_scoped3A_95 = tpu.sem_alloc : memref<!tpu.dma_semaphore, #tpu.memory_space<semaphore_mem>>
      %dma_start3A_96 = arith.constant 0 : i32
      %dma_start3A_97 = arith.constant 0 : i32
      %dma_start3A_98 = tpu.memref_slice %arg3[%arg0, %arg1, %run_scoped3A, %dma_start3A_96, %dma_start3A_97] : memref<2x16x12x16x128xi32, #tpu.memory_space<hbm>> -> memref<1x1x1x16x128xi32, #tpu.memory_space<hbm>>
      %dma_start3A_99 = tpu.memref_squeeze %dma_start3A_98 : memref<1x1x1x16x128xi32, #tpu.memory_space<hbm>> -> memref<16x128xi32, #tpu.memory_space<hbm>>
      %dma_start3A_100 = arith.constant 0 : i32
      %dma_start3A_101 = arith.constant 0 : i32
      %dma_start3A_102 = tpu.memref_slice %arg3[%arg0, %arg1, %run_scoped3A, %dma_start3A_100, %dma_start3A_101] : memref<2x16x12x16x128xi32, #tpu.memory_space<hbm>> -> memref<1x1x1x16x128xi32, #tpu.memory_space<hbm>>
      %dma_start3A_103 = tpu.memref_squeeze %dma_start3A_102 : memref<1x1x1x16x128xi32, #tpu.memory_space<hbm>> -> memref<16x128xi32, #tpu.memory_space<hbm>>
      tpu.enqueue_dma source(%dma_start3A_103 : memref<16x128xi32, #tpu.memory_space<hbm>>) target(%arg6 : memref<16x128xi32, #tpu.memory_space<vmem>>) target_semaphore(%run_scoped3A_95 : memref<!tpu.dma_semaphore, #tpu.memory_space<semaphore_mem>>)
      %dma_wait3A_104 = arith.constant 0 : i32
      %dma_wait3A_105 = arith.constant 0 : i32
      %dma_wait3A_106 = tpu.memref_slice %arg3[%arg0, %arg1, %run_scoped3A, %dma_wait3A_104, %dma_wait3A_105] : memref<2x16x12x16x128xi32, #tpu.memory_space<hbm>> -> memref<1x1x1x16x128xi32, #tpu.memory_space<hbm>>
      %dma_wait3A_107 = tpu.memref_squeeze %dma_wait3A_106 : memref<1x1x1x16x128xi32, #tpu.memory_space<hbm>> -> memref<16x128xi32, #tpu.memory_space<hbm>>
      %dma_wait3A_108 = arith.constant 0 : i32
      %dma_wait3A_109 = arith.constant 0 : i32
      %dma_wait3A_110 = tpu.memref_slice %arg3[%arg0, %arg1, %run_scoped3A, %dma_wait3A_108, %dma_wait3A_109] : memref<2x16x12x16x128xi32, #tpu.memory_space<hbm>> -> memref<1x1x1x16x128xi32, #tpu.memory_space<hbm>>
      %dma_wait3A_111 = tpu.memref_squeeze %dma_wait3A_110 : memref<1x1x1x16x128xi32, #tpu.memory_space<hbm>> -> memref<16x128xi32, #tpu.memory_space<hbm>>
      tpu.wait_dma2 semaphore(%run_scoped3A_95 : memref<!tpu.dma_semaphore, #tpu.memory_space<semaphore_mem>>) src(%dma_wait3A_111 : memref<16x128xi32, #tpu.memory_space<hbm>>) dst(%arg6 : memref<16x128xi32, #tpu.memory_space<vmem>>)
      tpu.yield
    }) : () -> ()
    %run_scoped3A_16 = arith.constant 0 : i32
    "tpu.region"() ({
      %run_scoped3A_95 = tpu.sem_alloc : memref<!tpu.dma_semaphore, #tpu.memory_space<semaphore_mem>>
      %dma_start3A_96 = arith.constant 0 : i32
      %dma_start3A_97 = arith.constant 0 : i32
      %dma_start3A_98 = tpu.memref_slice %arg4[%arg1, %run_scoped3A_16, %dma_start3A_96, %dma_start3A_97] : memref<16x12x16x128xi32, #tpu.memory_space<hbm>> -> memref<1x1x16x128xi32, #tpu.memory_space<hbm>>
      %dma_start3A_99 = tpu.memref_squeeze %dma_start3A_98 : memref<1x1x16x128xi32, #tpu.memory_space<hbm>> -> memref<16x128xi32, #tpu.memory_space<hbm>>
      %dma_start3A_100 = arith.constant 0 : i32
      %dma_start3A_101 = arith.constant 0 : i32
      %dma_start3A_102 = tpu.memref_slice %arg4[%arg1, %run_scoped3A_16, %dma_start3A_100, %dma_start3A_101] : memref<16x12x16x128xi32, #tpu.memory_space<hbm>> -> memref<1x1x16x128xi32, #tpu.memory_space<hbm>>
      %dma_start3A_103 = tpu.memref_squeeze %dma_start3A_102 : memref<1x1x16x128xi32, #tpu.memory_space<hbm>> -> memref<16x128xi32, #tpu.memory_space<hbm>>
      tpu.enqueue_dma source(%dma_start3A_103 : memref<16x128xi32, #tpu.memory_space<hbm>>) target(%arg8 : memref<16x128xi32, #tpu.memory_space<vmem>>) target_semaphore(%run_scoped3A_95 : memref<!tpu.dma_semaphore, #tpu.memory_space<semaphore_mem>>)
      %dma_wait3A_104 = arith.constant 0 : i32
      %dma_wait3A_105 = arith.constant 0 : i32
      %dma_wait3A_106 = tpu.memref_slice %arg4[%arg1, %run_scoped3A_16, %dma_wait3A_104, %dma_wait3A_105] : memref<16x12x16x128xi32, #tpu.memory_space<hbm>> -> memref<1x1x16x128xi32, #tpu.memory_space<hbm>>
      %dma_wait3A_107 = tpu.memref_squeeze %dma_wait3A_106 : memref<1x1x16x128xi32, #tpu.memory_space<hbm>> -> memref<16x128xi32, #tpu.memory_space<hbm>>
      %dma_wait3A_108 = arith.constant 0 : i32
      %dma_wait3A_109 = arith.constant 0 : i32
      %dma_wait3A_110 = tpu.memref_slice %arg4[%arg1, %run_scoped3A_16, %dma_wait3A_108, %dma_wait3A_109] : memref<16x12x16x128xi32, #tpu.memory_space<hbm>> -> memref<1x1x16x128xi32, #tpu.memory_space<hbm>>
      %dma_wait3A_111 = tpu.memref_squeeze %dma_wait3A_110 : memref<1x1x16x128xi32, #tpu.memory_space<hbm>> -> memref<16x128xi32, #tpu.memory_space<hbm>>
      tpu.wait_dma2 semaphore(%run_scoped3A_95 : memref<!tpu.dma_semaphore, #tpu.memory_space<semaphore_mem>>) src(%dma_wait3A_111 : memref<16x128xi32, #tpu.memory_space<hbm>>) dst(%arg8 : memref<16x128xi32, #tpu.memory_space<vmem>>)
      tpu.yield
    }) : () -> ()
    %dma_start3A = arith.constant 1 : i32
    %dma_start3A_17 = arith.constant 0 : i32
    %dma_start3A_18 = arith.constant 0 : i32
    %dma_start3A_19 = tpu.memref_slice %arg3[%arg0, %arg1, %dma_start3A, %dma_start3A_17, %dma_start3A_18] : memref<2x16x12x16x128xi32, #tpu.memory_space<hbm>> -> memref<1x1x1x16x128xi32, #tpu.memory_space<hbm>>
    %dma_start3A_20 = tpu.memref_squeeze %dma_start3A_19 : memref<1x1x1x16x128xi32, #tpu.memory_space<hbm>> -> memref<16x128xi32, #tpu.memory_space<hbm>>
    %dma_start3A_21 = arith.constant 0 : i32
    %dma_start3A_22 = arith.constant 0 : i32
    %dma_start3A_23 = tpu.memref_slice %arg3[%arg0, %arg1, %dma_start3A, %dma_start3A_21, %dma_start3A_22] : memref<2x16x12x16x128xi32, #tpu.memory_space<hbm>> -> memref<1x1x1x16x128xi32, #tpu.memory_space<hbm>>
    %dma_start3A_24 = tpu.memref_squeeze %dma_start3A_23 : memref<1x1x1x16x128xi32, #tpu.memory_space<hbm>> -> memref<16x128xi32, #tpu.memory_space<hbm>>
    tpu.enqueue_dma source(%dma_start3A_24 : memref<16x128xi32, #tpu.memory_space<hbm>>) target(%arg7 : memref<16x128xi32, #tpu.memory_space<vmem>>) target_semaphore(%arg15 : memref<!tpu.dma_semaphore, #tpu.memory_space<semaphore_mem>>)
    %dma_start3A_25 = arith.constant 1 : i32
    %dma_start3A_26 = arith.constant 0 : i32
    %dma_start3A_27 = arith.constant 0 : i32
    %dma_start3A_28 = tpu.memref_slice %arg4[%arg1, %dma_start3A_25, %dma_start3A_26, %dma_start3A_27] : memref<16x12x16x128xi32, #tpu.memory_space<hbm>> -> memref<1x1x16x128xi32, #tpu.memory_space<hbm>>
    %dma_start3A_29 = tpu.memref_squeeze %dma_start3A_28 : memref<1x1x16x128xi32, #tpu.memory_space<hbm>> -> memref<16x128xi32, #tpu.memory_space<hbm>>
    %dma_start3A_30 = arith.constant 0 : i32
    %dma_start3A_31 = arith.constant 0 : i32
    %dma_start3A_32 = tpu.memref_slice %arg4[%arg1, %dma_start3A_25, %dma_start3A_30, %dma_start3A_31] : memref<16x12x16x128xi32, #tpu.memory_space<hbm>> -> memref<1x1x16x128xi32, #tpu.memory_space<hbm>>
    %dma_start3A_33 = tpu.memref_squeeze %dma_start3A_32 : memref<1x1x16x128xi32, #tpu.memory_space<hbm>> -> memref<16x128xi32, #tpu.memory_space<hbm>>
    tpu.enqueue_dma source(%dma_start3A_33 : memref<16x128xi32, #tpu.memory_space<hbm>>) target(%arg9 : memref<16x128xi32, #tpu.memory_space<vmem>>) target_semaphore(%arg15 : memref<!tpu.dma_semaphore, #tpu.memory_space<semaphore_mem>>)
    %dma_start3A_34 = arith.constant 0 : i32
    %dma_start3A_35 = arith.constant 0 : i32
    %dma_start3A_36 = tpu.memref_slice %arg6[%dma_start3A_34, %dma_start3A_35] : memref<16x128xi32, #tpu.memory_space<vmem>> -> memref<1x128xi32, #tpu.memory_space<vmem>>
    %dma_start3A_37 = tpu.memref_squeeze %dma_start3A_36 : memref<1x128xi32, #tpu.memory_space<vmem>> -> memref<128xi32, #tpu.memory_space<vmem>>
    %dma_start3A_38 = arith.constant 0 : i32
    %dma_start3A_39 = arith.constant 0 : i32
    %dma_start3A_40 = tpu.memref_slice %arg2[%dma_start3A_38, %dma_start3A_39] : memref<20000x128xf32, #tpu.memory_space<hbm>> -> memref<20000x128xf32, #tpu.memory_space<hbm>>
    tpu.enqueue_indirect_dma source(%dma_start3A_40 : memref<20000x128xf32, #tpu.memory_space<hbm>>) target(%arg10 : memref<128x128xf32, #tpu.memory_space<vmem>>) offsets(%dma_start3A_37 : memref<128xi32, #tpu.memory_space<vmem>>) semaphore(%arg13 : memref<!tpu.dma_semaphore, #tpu.memory_space<semaphore_mem>>)
    %dma_start3A_41 = arith.constant 1 : i32
    %dma_start3A_42 = arith.constant 0 : i32
    %dma_start3A_43 = tpu.memref_slice %arg6[%dma_start3A_41, %dma_start3A_42] : memref<16x128xi32, #tpu.memory_space<vmem>> -> memref<1x128xi32, #tpu.memory_space<vmem>>
    %dma_start3A_44 = tpu.memref_squeeze %dma_start3A_43 : memref<1x128xi32, #tpu.memory_space<vmem>> -> memref<128xi32, #tpu.memory_space<vmem>>
    %dma_start3A_45 = arith.constant 0 : i32
    %dma_start3A_46 = arith.constant 0 : i32
    %dma_start3A_47 = tpu.memref_slice %arg2[%dma_start3A_45, %dma_start3A_46] : memref<20000x128xf32, #tpu.memory_space<hbm>> -> memref<20000x128xf32, #tpu.memory_space<hbm>>
    tpu.enqueue_indirect_dma source(%dma_start3A_47 : memref<20000x128xf32, #tpu.memory_space<hbm>>) target(%arg11 : memref<128x128xf32, #tpu.memory_space<vmem>>) offsets(%dma_start3A_44 : memref<128xi32, #tpu.memory_space<vmem>>) semaphore(%arg14 : memref<!tpu.dma_semaphore, #tpu.memory_space<semaphore_mem>>)
    %scan3A_48 = arith.constant 0 : i32
    %scan3A_49 = arith.constant 5 : i32
    %scan3A_50 = arith.addi %scan3A_48, %scan3A_49 : i32
    %scan3A_51 = arith.constant 1 : i32
    scf.for %scan3A_95 = %scan3A_48 to %scan3A_50 step %scan3A_51  : i32 {
      %mul3A_96 = arith.constant 2 : i32
      %mul3A_97 = arith.muli %scan3A_95, %mul3A_96 : i32
      %add3A_98 = arith.constant 0 : i32
      %add3A_99 = arith.addi %add3A_98, %mul3A_97 : i32
      %add3A_100 = arith.constant 0 : i32
      %add3A_101 = arith.addi %add3A_99, %add3A_100 : i32
      %add3A_102 = arith.constant 1 : i32
      %add3A_103 = arith.addi %add3A_101, %add3A_102 : i32
      %dma_wait3A_104 = arith.constant 0 : i32
      %dma_wait3A_105 = arith.constant 0 : i32
      %dma_wait3A_106 = tpu.memref_slice %arg3[%arg0, %arg1, %add3A_103, %dma_wait3A_104, %dma_wait3A_105] : memref<2x16x12x16x128xi32, #tpu.memory_space<hbm>> -> memref<1x1x1x16x128xi32, #tpu.memory_space<hbm>>
      %dma_wait3A_107 = tpu.memref_squeeze %dma_wait3A_106 : memref<1x1x1x16x128xi32, #tpu.memory_space<hbm>> -> memref<16x128xi32, #tpu.memory_space<hbm>>
      %dma_wait3A_108 = arith.constant 0 : i32
      %dma_wait3A_109 = arith.constant 0 : i32
      %dma_wait3A_110 = tpu.memref_slice %arg3[%arg0, %arg1, %add3A_103, %dma_wait3A_108, %dma_wait3A_109] : memref<2x16x12x16x128xi32, #tpu.memory_space<hbm>> -> memref<1x1x1x16x128xi32, #tpu.memory_space<hbm>>
      %dma_wait3A_111 = tpu.memref_squeeze %dma_wait3A_110 : memref<1x1x1x16x128xi32, #tpu.memory_space<hbm>> -> memref<16x128xi32, #tpu.memory_space<hbm>>
      tpu.wait_dma2 semaphore(%arg15 : memref<!tpu.dma_semaphore, #tpu.memory_space<semaphore_mem>>) src(%dma_wait3A_111 : memref<16x128xi32, #tpu.memory_space<hbm>>) dst(%arg7 : memref<16x128xi32, #tpu.memory_space<vmem>>)
      %dma_wait3A_112 = arith.constant 0 : i32
      %dma_wait3A_113 = arith.constant 0 : i32
      %dma_wait3A_114 = tpu.memref_slice %arg4[%arg1, %add3A_103, %dma_wait3A_112, %dma_wait3A_113] : memref<16x12x16x128xi32, #tpu.memory_space<hbm>> -> memref<1x1x16x128xi32, #tpu.memory_space<hbm>>
      %dma_wait3A_115 = tpu.memref_squeeze %dma_wait3A_114 : memref<1x1x16x128xi32, #tpu.memory_space<hbm>> -> memref<16x128xi32, #tpu.memory_space<hbm>>
      %dma_wait3A_116 = arith.constant 0 : i32
      %dma_wait3A_117 = arith.constant 0 : i32
      %dma_wait3A_118 = tpu.memref_slice %arg4[%arg1, %add3A_103, %dma_wait3A_116, %dma_wait3A_117] : memref<16x12x16x128xi32, #tpu.memory_space<hbm>> -> memref<1x1x16x128xi32, #tpu.memory_space<hbm>>
      %dma_wait3A_119 = tpu.memref_squeeze %dma_wait3A_118 : memref<1x1x16x128xi32, #tpu.memory_space<hbm>> -> memref<16x128xi32, #tpu.memory_space<hbm>>
      tpu.wait_dma2 semaphore(%arg15 : memref<!tpu.dma_semaphore, #tpu.memory_space<semaphore_mem>>) src(%dma_wait3A_119 : memref<16x128xi32, #tpu.memory_space<hbm>>) dst(%arg9 : memref<16x128xi32, #tpu.memory_space<vmem>>)
      %dma_wait3A_120 = arith.constant 0 : i32
      %dma_wait3A_121 = arith.constant 0 : i32
      %dma_wait3A_122 = tpu.memref_slice %arg6[%dma_wait3A_120, %dma_wait3A_121] : memref<16x128xi32, #tpu.memory_space<vmem>> -> memref<1x128xi32, #tpu.memory_space<vmem>>
      %dma_wait3A_123 = tpu.memref_squeeze %dma_wait3A_122 : memref<1x128xi32, #tpu.memory_space<vmem>> -> memref<128xi32, #tpu.memory_space<vmem>>
      %dma_wait3A_124 = arith.constant 0 : i32
      %dma_wait3A_125 = arith.constant 0 : i32
      %dma_wait3A_126 = tpu.memref_slice %arg2[%dma_wait3A_124, %dma_wait3A_125] : memref<20000x128xf32, #tpu.memory_space<hbm>> -> memref<20000x128xf32, #tpu.memory_space<hbm>>
      tpu.wait_indirect_dma semaphore(%arg13 : memref<!tpu.dma_semaphore, #tpu.memory_space<semaphore_mem>>) src(%dma_wait3A_126 : memref<20000x128xf32, #tpu.memory_space<hbm>>) dst(%arg10 : memref<128x128xf32, #tpu.memory_space<vmem>>)
      %run_scoped3A_127 = arith.constant 0 : i32
      "tpu.region"() ({
        %run_scoped3A_656 = tpu.sem_alloc : memref<!tpu.dma_semaphore, #tpu.memory_space<semaphore_mem>>
        %dma_start3A_657 = arith.constant 0 : i32
        %dma_start3A_658 = tpu.memref_slice %arg8[%run_scoped3A_127, %dma_start3A_657] : memref<16x128xi32, #tpu.memory_space<vmem>> -> memref<1x128xi32, #tpu.memory_space<vmem>>
        %dma_start3A_659 = tpu.memref_squeeze %dma_start3A_658 : memref<1x128xi32, #tpu.memory_space<vmem>> -> memref<128xi32, #tpu.memory_space<vmem>>
        %dma_start3A_660 = arith.constant 0 : i32
        %dma_start3A_661 = arith.constant 0 : i32
        %dma_start3A_662 = tpu.memref_slice %arg12[%dma_start3A_660, %dma_start3A_661] : memref<10016x128xf32, #tpu.memory_space<vmem_shared>> -> memref<10016x128xf32, #tpu.memory_space<vmem_shared>>
        tpu.enqueue_indirect_dma source(%arg10 : memref<128x128xf32, #tpu.memory_space<vmem>>) target(%dma_start3A_662 : memref<10016x128xf32, #tpu.memory_space<vmem_shared>>) offsets(%dma_start3A_659 : memref<128xi32, #tpu.memory_space<vmem>>) semaphore(%run_scoped3A_656 : memref<!tpu.dma_semaphore, #tpu.memory_space<semaphore_mem>>) {add = true}
        %dma_wait3A_663 = arith.constant 0 : i32
        %dma_wait3A_664 = tpu.memref_slice %arg8[%run_scoped3A_127, %dma_wait3A_663] : memref<16x128xi32, #tpu.memory_space<vmem>> -> memref<1x128xi32, #tpu.memory_space<vmem>>
        %dma_wait3A_665 = tpu.memref_squeeze %dma_wait3A_664 : memref<1x128xi32, #tpu.memory_space<vmem>> -> memref<128xi32, #tpu.memory_space<vmem>>
        %dma_wait3A_666 = arith.constant 0 : i32
        %dma_wait3A_667 = arith.constant 0 : i32
        %dma_wait3A_668 = tpu.memref_slice %arg12[%dma_wait3A_666, %dma_wait3A_667] : memref<10016x128xf32, #tpu.memory_space<vmem_shared>> -> memref<10016x128xf32, #tpu.memory_space<vmem_shared>>
        tpu.wait_indirect_dma semaphore(%run_scoped3A_656 : memref<!tpu.dma_semaphore, #tpu.memory_space<semaphore_mem>>) src(%arg10 : memref<128x128xf32, #tpu.memory_space<vmem>>) dst(%dma_wait3A_668 : memref<10016x128xf32, #tpu.memory_space<vmem_shared>>)
        tpu.yield
      }) : () -> ()
      %dma_start3A_128 = arith.constant 2 : i32
      %dma_start3A_129 = arith.constant 0 : i32
      %dma_start3A_130 = tpu.memref_slice %arg6[%dma_start3A_128, %dma_start3A_129] : memref<16x128xi32, #tpu.memory_space<vmem>> -> memref<1x128xi32, #tpu.memory_space<vmem>>
      %dma_start3A_131 = tpu.memref_squeeze %dma_start3A_130 : memref<1x128xi32, #tpu.memory_space<vmem>> -> memref<128xi32, #tpu.memory_space<vmem>>
      %dma_start3A_132 = arith.constant 0 : i32
      %dma_start3A_133 = arith.constant 0 : i32
      %dma_start3A_134 = tpu.memref_slice %arg2[%dma_start3A_132, %dma_start3A_133] : memref<20000x128xf32, #tpu.memory_space<hbm>> -> memref<20000x128xf32, #tpu.memory_space<hbm>>
      tpu.enqueue_indirect_dma source(%dma_start3A_134 : memref<20000x128xf32, #tpu.memory_space<hbm>>) target(%arg10 : memref<128x128xf32, #tpu.memory_space<vmem>>) offsets(%dma_start3A_131 : memref<128xi32, #tpu.memory_space<vmem>>) semaphore(%arg13 : memref<!tpu.dma_semaphore, #tpu.memory_space<semaphore_mem>>)
      %dma_wait3A_135 = arith.constant 1 : i32
      %dma_wait3A_136 = arith.constant 0 : i32
      %dma_wait3A_137 = tpu.memref_slice %arg6[%dma_wait3A_135, %dma_wait3A_136] : memref<16x128xi32, #tpu.memory_space<vmem>> -> memref<1x128xi32, #tpu.memory_space<vmem>>
      %dma_wait3A_138 = tpu.memref_squeeze %dma_wait3A_137 : memref<1x128xi32, #tpu.memory_space<vmem>> -> memref<128xi32, #tpu.memory_space<vmem>>
      %dma_wait3A_139 = arith.constant 0 : i32
      %dma_wait3A_140 = arith.constant 0 : i32
      %dma_wait3A_141 = tpu.memref_slice %arg2[%dma_wait3A_139, %dma_wait3A_140] : memref<20000x128xf32, #tpu.memory_space<hbm>> -> memref<20000x128xf32, #tpu.memory_space<hbm>>
      tpu.wait_indirect_dma semaphore(%arg14 : memref<!tpu.dma_semaphore, #tpu.memory_space<semaphore_mem>>) src(%dma_wait3A_141 : memref<20000x128xf32, #tpu.memory_space<hbm>>) dst(%arg11 : memref<128x128xf32, #tpu.memory_space<vmem>>)
      %run_scoped3A_142 = arith.constant 1 : i32
      "tpu.region"() ({
        %run_scoped3A_656 = tpu.sem_alloc : memref<!tpu.dma_semaphore, #tpu.memory_space<semaphore_mem>>
        %dma_start3A_657 = arith.constant 0 : i32
        %dma_start3A_658 = tpu.memref_slice %arg8[%run_scoped3A_142, %dma_start3A_657] : memref<16x128xi32, #tpu.memory_space<vmem>> -> memref<1x128xi32, #tpu.memory_space<vmem>>
        %dma_start3A_659 = tpu.memref_squeeze %dma_start3A_658 : memref<1x128xi32, #tpu.memory_space<vmem>> -> memref<128xi32, #tpu.memory_space<vmem>>
        %dma_start3A_660 = arith.constant 0 : i32
        %dma_start3A_661 = arith.constant 0 : i32
        %dma_start3A_662 = tpu.memref_slice %arg12[%dma_start3A_660, %dma_start3A_661] : memref<10016x128xf32, #tpu.memory_space<vmem_shared>> -> memref<10016x128xf32, #tpu.memory_space<vmem_shared>>
        tpu.enqueue_indirect_dma source(%arg11 : memref<128x128xf32, #tpu.memory_space<vmem>>) target(%dma_start3A_662 : memref<10016x128xf32, #tpu.memory_space<vmem_shared>>) offsets(%dma_start3A_659 : memref<128xi32, #tpu.memory_space<vmem>>) semaphore(%run_scoped3A_656 : memref<!tpu.dma_semaphore, #tpu.memory_space<semaphore_mem>>) {add = true}
        %dma_wait3A_663 = arith.constant 0 : i32
        %dma_wait3A_664 = tpu.memref_slice %arg8[%run_scoped3A_142, %dma_wait3A_663] : memref<16x128xi32, #tpu.memory_space<vmem>> -> memref<1x128xi32, #tpu.memory_space<vmem>>
        %dma_wait3A_665 = tpu.memref_squeeze %dma_wait3A_664 : memref<1x128xi32, #tpu.memory_space<vmem>> -> memref<128xi32, #tpu.memory_space<vmem>>
        %dma_wait3A_666 = arith.constant 0 : i32
        %dma_wait3A_667 = arith.constant 0 : i32
        %dma_wait3A_668 = tpu.memref_slice %arg12[%dma_wait3A_666, %dma_wait3A_667] : memref<10016x128xf32, #tpu.memory_space<vmem_shared>> -> memref<10016x128xf32, #tpu.memory_space<vmem_shared>>
        tpu.wait_indirect_dma semaphore(%run_scoped3A_656 : memref<!tpu.dma_semaphore, #tpu.memory_space<semaphore_mem>>) src(%arg11 : memref<128x128xf32, #tpu.memory_space<vmem>>) dst(%dma_wait3A_668 : memref<10016x128xf32, #tpu.memory_space<vmem_shared>>)
        tpu.yield
      }) : () -> ()
      %dma_start3A_143 = arith.constant 3 : i32
      %dma_start3A_144 = arith.constant 0 : i32
      %dma_start3A_145 = tpu.memref_slice %arg6[%dma_start3A_143, %dma_start3A_144] : memref<16x128xi32, #tpu.memory_space<vmem>> -> memref<1x128xi32, #tpu.memory_space<vmem>>
      %dma_start3A_146 = tpu.memref_squeeze %dma_start3A_145 : memref<1x128xi32, #tpu.memory_space<vmem>> -> memref<128xi32, #tpu.memory_space<vmem>>
      %dma_start3A_147 = arith.constant 0 : i32
      %dma_start3A_148 = arith.constant 0 : i32
      %dma_start3A_149 = tpu.memref_slice %arg2[%dma_start3A_147, %dma_start3A_148] : memref<20000x128xf32, #tpu.memory_space<hbm>> -> memref<20000x128xf32, #tpu.memory_space<hbm>>
      tpu.enqueue_indirect_dma source(%dma_start3A_149 : memref<20000x128xf32, #tpu.memory_space<hbm>>) target(%arg11 : memref<128x128xf32, #tpu.memory_space<vmem>>) offsets(%dma_start3A_146 : memref<128xi32, #tpu.memory_space<vmem>>) semaphore(%arg14 : memref<!tpu.dma_semaphore, #tpu.memory_space<semaphore_mem>>)
      %dma_wait3A_150 = arith.constant 2 : i32
      %dma_wait3A_151 = arith.constant 0 : i32
      %dma_wait3A_152 = tpu.memref_slice %arg6[%dma_wait3A_150, %dma_wait3A_151] : memref<16x128xi32, #tpu.memory_space<vmem>> -> memref<1x128xi32, #tpu.memory_space<vmem>>
      %dma_wait3A_153 = tpu.memref_squeeze %dma_wait3A_152 : memref<1x128xi32, #tpu.memory_space<vmem>> -> memref<128xi32, #tpu.memory_space<vmem>>
      %dma_wait3A_154 = arith.constant 0 : i32
      %dma_wait3A_155 = arith.constant 0 : i32
      %dma_wait3A_156 = tpu.memref_slice %arg2[%dma_wait3A_154, %dma_wait3A_155] : memref<20000x128xf32, #tpu.memory_space<hbm>> -> memref<20000x128xf32, #tpu.memory_space<hbm>>
      tpu.wait_indirect_dma semaphore(%arg13 : memref<!tpu.dma_semaphore, #tpu.memory_space<semaphore_mem>>) src(%dma_wait3A_156 : memref<20000x128xf32, #tpu.memory_space<hbm>>) dst(%arg10 : memref<128x128xf32, #tpu.memory_space<vmem>>)
      %run_scoped3A_157 = arith.constant 2 : i32
      "tpu.region"() ({
        %run_scoped3A_656 = tpu.sem_alloc : memref<!tpu.dma_semaphore, #tpu.memory_space<semaphore_mem>>
        %dma_start3A_657 = arith.constant 0 : i32
        %dma_start3A_658 = tpu.memref_slice %arg8[%run_scoped3A_157, %dma_start3A_657] : memref<16x128xi32, #tpu.memory_space<vmem>> -> memref<1x128xi32, #tpu.memory_space<vmem>>
        %dma_start3A_659 = tpu.memref_squeeze %dma_start3A_658 : memref<1x128xi32, #tpu.memory_space<vmem>> -> memref<128xi32, #tpu.memory_space<vmem>>
        %dma_start3A_660 = arith.constant 0 : i32
        %dma_start3A_661 = arith.constant 0 : i32
        %dma_start3A_662 = tpu.memref_slice %arg12[%dma_start3A_660, %dma_start3A_661] : memref<10016x128xf32, #tpu.memory_space<vmem_shared>> -> memref<10016x128xf32, #tpu.memory_space<vmem_shared>>
        tpu.enqueue_indirect_dma source(%arg10 : memref<128x128xf32, #tpu.memory_space<vmem>>) target(%dma_start3A_662 : memref<10016x128xf32, #tpu.memory_space<vmem_shared>>) offsets(%dma_start3A_659 : memref<128xi32, #tpu.memory_space<vmem>>) semaphore(%run_scoped3A_656 : memref<!tpu.dma_semaphore, #tpu.memory_space<semaphore_mem>>) {add = true}
        %dma_wait3A_663 = arith.constant 0 : i32
        %dma_wait3A_664 = tpu.memref_slice %arg8[%run_scoped3A_157, %dma_wait3A_663] : memref<16x128xi32, #tpu.memory_space<vmem>> -> memref<1x128xi32, #tpu.memory_space<vmem>>
        %dma_wait3A_665 = tpu.memref_squeeze %dma_wait3A_664 : memref<1x128xi32, #tpu.memory_space<vmem>> -> memref<128xi32, #tpu.memory_space<vmem>>
        %dma_wait3A_666 = arith.constant 0 : i32
        %dma_wait3A_667 = arith.constant 0 : i32
        %dma_wait3A_668 = tpu.memref_slice %arg12[%dma_wait3A_666, %dma_wait3A_667] : memref<10016x128xf32, #tpu.memory_space<vmem_shared>> -> memref<10016x128xf32, #tpu.memory_space<vmem_shared>>
        tpu.wait_indirect_dma semaphore(%run_scoped3A_656 : memref<!tpu.dma_semaphore, #tpu.memory_space<semaphore_mem>>) src(%arg10 : memref<128x128xf32, #tpu.memory_space<vmem>>) dst(%dma_wait3A_668 : memref<10016x128xf32, #tpu.memory_space<vmem_shared>>)
        tpu.yield
      }) : () -> ()
      %dma_start3A_158 = arith.constant 4 : i32
      %dma_start3A_159 = arith.constant 0 : i32
      %dma_start3A_160 = tpu.memref_slice %arg6[%dma_start3A_158, %dma_start3A_159] : memref<16x128xi32, #tpu.memory_space<vmem>> -> memref<1x128xi32, #tpu.memory_space<vmem>>
      %dma_start3A_161 = tpu.memref_squeeze %dma_start3A_160 : memref<1x128xi32, #tpu.memory_space<vmem>> -> memref<128xi32, #tpu.memory_space<vmem>>
      %dma_start3A_162 = arith.constant 0 : i32
      %dma_start3A_163 = arith.constant 0 : i32
      %dma_start3A_164 = tpu.memref_slice %arg2[%dma_start3A_162, %dma_start3A_163] : memref<20000x128xf32, #tpu.memory_space<hbm>> -> memref<20000x128xf32, #tpu.memory_space<hbm>>
      tpu.enqueue_indirect_dma source(%dma_start3A_164 : memref<20000x128xf32, #tpu.memory_space<hbm>>) target(%arg10 : memref<128x128xf32, #tpu.memory_space<vmem>>) offsets(%dma_start3A_161 : memref<128xi32, #tpu.memory_space<vmem>>) semaphore(%arg13 : memref<!tpu.dma_semaphore, #tpu.memory_space<semaphore_mem>>)
      %dma_wait3A_165 = arith.constant 3 : i32
      %dma_wait3A_166 = arith.constant 0 : i32
      %dma_wait3A_167 = tpu.memref_slice %arg6[%dma_wait3A_165, %dma_wait3A_166] : memref<16x128xi32, #tpu.memory_space<vmem>> -> memref<1x128xi32, #tpu.memory_space<vmem>>
      %dma_wait3A_168 = tpu.memref_squeeze %dma_wait3A_167 : memref<1x128xi32, #tpu.memory_space<vmem>> -> memref<128xi32, #tpu.memory_space<vmem>>
      %dma_wait3A_169 = arith.constant 0 : i32
      %dma_wait3A_170 = arith.constant 0 : i32
      %dma_wait3A_171 = tpu.memref_slice %arg2[%dma_wait3A_169, %dma_wait3A_170] : memref<20000x128xf32, #tpu.memory_space<hbm>> -> memref<20000x128xf32, #tpu.memory_space<hbm>>
      tpu.wait_indirect_dma semaphore(%arg14 : memref<!tpu.dma_semaphore, #tpu.memory_space<semaphore_mem>>) src(%dma_wait3A_171 : memref<20000x128xf32, #tpu.memory_space<hbm>>) dst(%arg11 : memref<128x128xf32, #tpu.memory_space<vmem>>)
      %run_scoped3A_172 = arith.constant 3 : i32
      "tpu.region"() ({
        %run_scoped3A_656 = tpu.sem_alloc : memref<!tpu.dma_semaphore, #tpu.memory_space<semaphore_mem>>
        %dma_start3A_657 = arith.constant 0 : i32
        %dma_start3A_658 = tpu.memref_slice %arg8[%run_scoped3A_172, %dma_start3A_657] : memref<16x128xi32, #tpu.memory_space<vmem>> -> memref<1x128xi32, #tpu.memory_space<vmem>>
        %dma_start3A_659 = tpu.memref_squeeze %dma_start3A_658 : memref<1x128xi32, #tpu.memory_space<vmem>> -> memref<128xi32, #tpu.memory_space<vmem>>
        %dma_start3A_660 = arith.constant 0 : i32
        %dma_start3A_661 = arith.constant 0 : i32
        %dma_start3A_662 = tpu.memref_slice %arg12[%dma_start3A_660, %dma_start3A_661] : memref<10016x128xf32, #tpu.memory_space<vmem_shared>> -> memref<10016x128xf32, #tpu.memory_space<vmem_shared>>
        tpu.enqueue_indirect_dma source(%arg11 : memref<128x128xf32, #tpu.memory_space<vmem>>) target(%dma_start3A_662 : memref<10016x128xf32, #tpu.memory_space<vmem_shared>>) offsets(%dma_start3A_659 : memref<128xi32, #tpu.memory_space<vmem>>) semaphore(%run_scoped3A_656 : memref<!tpu.dma_semaphore, #tpu.memory_space<semaphore_mem>>) {add = true}
        %dma_wait3A_663 = arith.constant 0 : i32
        %dma_wait3A_664 = tpu.memref_slice %arg8[%run_scoped3A_172, %dma_wait3A_663] : memref<16x128xi32, #tpu.memory_space<vmem>> -> memref<1x128xi32, #tpu.memory_space<vmem>>
        %dma_wait3A_665 = tpu.memref_squeeze %dma_wait3A_664 : memref<1x128xi32, #tpu.memory_space<vmem>> -> memref<128xi32, #tpu.memory_space<vmem>>
        %dma_wait3A_666 = arith.constant 0 : i32
        %dma_wait3A_667 = arith.constant 0 : i32
        %dma_wait3A_668 = tpu.memref_slice %arg12[%dma_wait3A_666, %dma_wait3A_667] : memref<10016x128xf32, #tpu.memory_space<vmem_shared>> -> memref<10016x128xf32, #tpu.memory_space<vmem_shared>>
        tpu.wait_indirect_dma semaphore(%run_scoped3A_656 : memref<!tpu.dma_semaphore, #tpu.memory_space<semaphore_mem>>) src(%arg11 : memref<128x128xf32, #tpu.memory_space<vmem>>) dst(%dma_wait3A_668 : memref<10016x128xf32, #tpu.memory_space<vmem_shared>>)
        tpu.yield
      }) : () -> ()
      %dma_start3A_173 = arith.constant 5 : i32
      %dma_start3A_174 = arith.constant 0 : i32
      %dma_start3A_175 = tpu.memref_slice %arg6[%dma_start3A_173, %dma_start3A_174] : memref<16x128xi32, #tpu.memory_space<vmem>> -> memref<1x128xi32, #tpu.memory_space<vmem>>
      %dma_start3A_176 = tpu.memref_squeeze %dma_start3A_175 : memref<1x128xi32, #tpu.memory_space<vmem>> -> memref<128xi32, #tpu.memory_space<vmem>>
      %dma_start3A_177 = arith.constant 0 : i32
      %dma_start3A_178 = arith.constant 0 : i32
      %dma_start3A_179 = tpu.memref_slice %arg2[%dma_start3A_177, %dma_start3A_178] : memref<20000x128xf32, #tpu.memory_space<hbm>> -> memref<20000x128xf32, #tpu.memory_space<hbm>>
      tpu.enqueue_indirect_dma source(%dma_start3A_179 : memref<20000x128xf32, #tpu.memory_space<hbm>>) target(%arg11 : memref<128x128xf32, #tpu.memory_space<vmem>>) offsets(%dma_start3A_176 : memref<128xi32, #tpu.memory_space<vmem>>) semaphore(%arg14 : memref<!tpu.dma_semaphore, #tpu.memory_space<semaphore_mem>>)
      %dma_wait3A_180 = arith.constant 4 : i32
      %dma_wait3A_181 = arith.constant 0 : i32
      %dma_wait3A_182 = tpu.memref_slice %arg6[%dma_wait3A_180, %dma_wait3A_181] : memref<16x128xi32, #tpu.memory_space<vmem>> -> memref<1x128xi32, #tpu.memory_space<vmem>>
      %dma_wait3A_183 = tpu.memref_squeeze %dma_wait3A_182 : memref<1x128xi32, #tpu.memory_space<vmem>> -> memref<128xi32, #tpu.memory_space<vmem>>
      %dma_wait3A_184 = arith.constant 0 : i32
      %dma_wait3A_185 = arith.constant 0 : i32
      %dma_wait3A_186 = tpu.memref_slice %arg2[%dma_wait3A_184, %dma_wait3A_185] : memref<20000x128xf32, #tpu.memory_space<hbm>> -> memref<20000x128xf32, #tpu.memory_space<hbm>>
      tpu.wait_indirect_dma semaphore(%arg13 : memref<!tpu.dma_semaphore, #tpu.memory_space<semaphore_mem>>) src(%dma_wait3A_186 : memref<20000x128xf32, #tpu.memory_space<hbm>>) dst(%arg10 : memref<128x128xf32, #tpu.memory_space<vmem>>)
      %run_scoped3A_187 = arith.constant 4 : i32
      "tpu.region"() ({
        %run_scoped3A_656 = tpu.sem_alloc : memref<!tpu.dma_semaphore, #tpu.memory_space<semaphore_mem>>
        %dma_start3A_657 = arith.constant 0 : i32
        %dma_start3A_658 = tpu.memref_slice %arg8[%run_scoped3A_187, %dma_start3A_657] : memref<16x128xi32, #tpu.memory_space<vmem>> -> memref<1x128xi32, #tpu.memory_space<vmem>>
        %dma_start3A_659 = tpu.memref_squeeze %dma_start3A_658 : memref<1x128xi32, #tpu.memory_space<vmem>> -> memref<128xi32, #tpu.memory_space<vmem>>
        %dma_start3A_660 = arith.constant 0 : i32
        %dma_start3A_661 = arith.constant 0 : i32
        %dma_start3A_662 = tpu.memref_slice %arg12[%dma_start3A_660, %dma_start3A_661] : memref<10016x128xf32, #tpu.memory_space<vmem_shared>> -> memref<10016x128xf32, #tpu.memory_space<vmem_shared>>
        tpu.enqueue_indirect_dma source(%arg10 : memref<128x128xf32, #tpu.memory_space<vmem>>) target(%dma_start3A_662 : memref<10016x128xf32, #tpu.memory_space<vmem_shared>>) offsets(%dma_start3A_659 : memref<128xi32, #tpu.memory_space<vmem>>) semaphore(%run_scoped3A_656 : memref<!tpu.dma_semaphore, #tpu.memory_space<semaphore_mem>>) {add = true}
        %dma_wait3A_663 = arith.constant 0 : i32
        %dma_wait3A_664 = tpu.memref_slice %arg8[%run_scoped3A_187, %dma_wait3A_663] : memref<16x128xi32, #tpu.memory_space<vmem>> -> memref<1x128xi32, #tpu.memory_space<vmem>>
        %dma_wait3A_665 = tpu.memref_squeeze %dma_wait3A_664 : memref<1x128xi32, #tpu.memory_space<vmem>> -> memref<128xi32, #tpu.memory_space<vmem>>
        %dma_wait3A_666 = arith.constant 0 : i32
        %dma_wait3A_667 = arith.constant 0 : i32
        %dma_wait3A_668 = tpu.memref_slice %arg12[%dma_wait3A_666, %dma_wait3A_667] : memref<10016x128xf32, #tpu.memory_space<vmem_shared>> -> memref<10016x128xf32, #tpu.memory_space<vmem_shared>>
        tpu.wait_indirect_dma semaphore(%run_scoped3A_656 : memref<!tpu.dma_semaphore, #tpu.memory_space<semaphore_mem>>) src(%arg10 : memref<128x128xf32, #tpu.memory_space<vmem>>) dst(%dma_wait3A_668 : memref<10016x128xf32, #tpu.memory_space<vmem_shared>>)
        tpu.yield
      }) : () -> ()
      %dma_start3A_188 = arith.constant 6 : i32
      %dma_start3A_189 = arith.constant 0 : i32
      %dma_start3A_190 = tpu.memref_slice %arg6[%dma_start3A_188, %dma_start3A_189] : memref<16x128xi32, #tpu.memory_space<vmem>> -> memref<1x128xi32, #tpu.memory_space<vmem>>
      %dma_start3A_191 = tpu.memref_squeeze %dma_start3A_190 : memref<1x128xi32, #tpu.memory_space<vmem>> -> memref<128xi32, #tpu.memory_space<vmem>>
      %dma_start3A_192 = arith.constant 0 : i32
      %dma_start3A_193 = arith.constant 0 : i32
      %dma_start3A_194 = tpu.memref_slice %arg2[%dma_start3A_192, %dma_start3A_193] : memref<20000x128xf32, #tpu.memory_space<hbm>> -> memref<20000x128xf32, #tpu.memory_space<hbm>>
      tpu.enqueue_indirect_dma source(%dma_start3A_194 : memref<20000x128xf32, #tpu.memory_space<hbm>>) target(%arg10 : memref<128x128xf32, #tpu.memory_space<vmem>>) offsets(%dma_start3A_191 : memref<128xi32, #tpu.memory_space<vmem>>) semaphore(%arg13 : memref<!tpu.dma_semaphore, #tpu.memory_space<semaphore_mem>>)
      %dma_wait3A_195 = arith.constant 5 : i32
      %dma_wait3A_196 = arith.constant 0 : i32
      %dma_wait3A_197 = tpu.memref_slice %arg6[%dma_wait3A_195, %dma_wait3A_196] : memref<16x128xi32, #tpu.memory_space<vmem>> -> memref<1x128xi32, #tpu.memory_space<vmem>>
      %dma_wait3A_198 = tpu.memref_squeeze %dma_wait3A_197 : memref<1x128xi32, #tpu.memory_space<vmem>> -> memref<128xi32, #tpu.memory_space<vmem>>
      %dma_wait3A_199 = arith.constant 0 : i32
      %dma_wait3A_200 = arith.constant 0 : i32
      %dma_wait3A_201 = tpu.memref_slice %arg2[%dma_wait3A_199, %dma_wait3A_200] : memref<20000x128xf32, #tpu.memory_space<hbm>> -> memref<20000x128xf32, #tpu.memory_space<hbm>>
      tpu.wait_indirect_dma semaphore(%arg14 : memref<!tpu.dma_semaphore, #tpu.memory_space<semaphore_mem>>) src(%dma_wait3A_201 : memref<20000x128xf32, #tpu.memory_space<hbm>>) dst(%arg11 : memref<128x128xf32, #tpu.memory_space<vmem>>)
      %run_scoped3A_202 = arith.constant 5 : i32
      "tpu.region"() ({
        %run_scoped3A_656 = tpu.sem_alloc : memref<!tpu.dma_semaphore, #tpu.memory_space<semaphore_mem>>
        %dma_start3A_657 = arith.constant 0 : i32
        %dma_start3A_658 = tpu.memref_slice %arg8[%run_scoped3A_202, %dma_start3A_657] : memref<16x128xi32, #tpu.memory_space<vmem>> -> memref<1x128xi32, #tpu.memory_space<vmem>>
        %dma_start3A_659 = tpu.memref_squeeze %dma_start3A_658 : memref<1x128xi32, #tpu.memory_space<vmem>> -> memref<128xi32, #tpu.memory_space<vmem>>
        %dma_start3A_660 = arith.constant 0 : i32
        %dma_start3A_661 = arith.constant 0 : i32
        %dma_start3A_662 = tpu.memref_slice %arg12[%dma_start3A_660, %dma_start3A_661] : memref<10016x128xf32, #tpu.memory_space<vmem_shared>> -> memref<10016x128xf32, #tpu.memory_space<vmem_shared>>
        tpu.enqueue_indirect_dma source(%arg11 : memref<128x128xf32, #tpu.memory_space<vmem>>) target(%dma_start3A_662 : memref<10016x128xf32, #tpu.memory_space<vmem_shared>>) offsets(%dma_start3A_659 : memref<128xi32, #tpu.memory_space<vmem>>) semaphore(%run_scoped3A_656 : memref<!tpu.dma_semaphore, #tpu.memory_space<semaphore_mem>>) {add = true}
        %dma_wait3A_663 = arith.constant 0 : i32
        %dma_wait3A_664 = tpu.memref_slice %arg8[%run_scoped3A_202, %dma_wait3A_663] : memref<16x128xi32, #tpu.memory_space<vmem>> -> memref<1x128xi32, #tpu.memory_space<vmem>>
        %dma_wait3A_665 = tpu.memref_squeeze %dma_wait3A_664 : memref<1x128xi32, #tpu.memory_space<vmem>> -> memref<128xi32, #tpu.memory_space<vmem>>
        %dma_wait3A_666 = arith.constant 0 : i32
        %dma_wait3A_667 = arith.constant 0 : i32
        %dma_wait3A_668 = tpu.memref_slice %arg12[%dma_wait3A_666, %dma_wait3A_667] : memref<10016x128xf32, #tpu.memory_space<vmem_shared>> -> memref<10016x128xf32, #tpu.memory_space<vmem_shared>>
        tpu.wait_indirect_dma semaphore(%run_scoped3A_656 : memref<!tpu.dma_semaphore, #tpu.memory_space<semaphore_mem>>) src(%arg11 : memref<128x128xf32, #tpu.memory_space<vmem>>) dst(%dma_wait3A_668 : memref<10016x128xf32, #tpu.memory_space<vmem_shared>>)
        tpu.yield
      }) : () -> ()
      %dma_start3A_203 = arith.constant 7 : i32
      %dma_start3A_204 = arith.constant 0 : i32
      %dma_start3A_205 = tpu.memref_slice %arg6[%dma_start3A_203, %dma_start3A_204] : memref<16x128xi32, #tpu.memory_space<vmem>> -> memref<1x128xi32, #tpu.memory_space<vmem>>
      %dma_start3A_206 = tpu.memref_squeeze %dma_start3A_205 : memref<1x128xi32, #tpu.memory_space<vmem>> -> memref<128xi32, #tpu.memory_space<vmem>>
      %dma_start3A_207 = arith.constant 0 : i32
      %dma_start3A_208 = arith.constant 0 : i32
      %dma_start3A_209 = tpu.memref_slice %arg2[%dma_start3A_207, %dma_start3A_208] : memref<20000x128xf32, #tpu.memory_space<hbm>> -> memref<20000x128xf32, #tpu.memory_space<hbm>>
      tpu.enqueue_indirect_dma source(%dma_start3A_209 : memref<20000x128xf32, #tpu.memory_space<hbm>>) target(%arg11 : memref<128x128xf32, #tpu.memory_space<vmem>>) offsets(%dma_start3A_206 : memref<128xi32, #tpu.memory_space<vmem>>) semaphore(%arg14 : memref<!tpu.dma_semaphore, #tpu.memory_space<semaphore_mem>>)
      %dma_wait3A_210 = arith.constant 6 : i32
      %dma_wait3A_211 = arith.constant 0 : i32
      %dma_wait3A_212 = tpu.memref_slice %arg6[%dma_wait3A_210, %dma_wait3A_211] : memref<16x128xi32, #tpu.memory_space<vmem>> -> memref<1x128xi32, #tpu.memory_space<vmem>>
      %dma_wait3A_213 = tpu.memref_squeeze %dma_wait3A_212 : memref<1x128xi32, #tpu.memory_space<vmem>> -> memref<128xi32, #tpu.memory_space<vmem>>
      %dma_wait3A_214 = arith.constant 0 : i32
      %dma_wait3A_215 = arith.constant 0 : i32
      %dma_wait3A_216 = tpu.memref_slice %arg2[%dma_wait3A_214, %dma_wait3A_215] : memref<20000x128xf32, #tpu.memory_space<hbm>> -> memref<20000x128xf32, #tpu.memory_space<hbm>>
      tpu.wait_indirect_dma semaphore(%arg13 : memref<!tpu.dma_semaphore, #tpu.memory_space<semaphore_mem>>) src(%dma_wait3A_216 : memref<20000x128xf32, #tpu.memory_space<hbm>>) dst(%arg10 : memref<128x128xf32, #tpu.memory_space<vmem>>)
      %run_scoped3A_217 = arith.constant 6 : i32
      "tpu.region"() ({
        %run_scoped3A_656 = tpu.sem_alloc : memref<!tpu.dma_semaphore, #tpu.memory_space<semaphore_mem>>
        %dma_start3A_657 = arith.constant 0 : i32
        %dma_start3A_658 = tpu.memref_slice %arg8[%run_scoped3A_217, %dma_start3A_657] : memref<16x128xi32, #tpu.memory_space<vmem>> -> memref<1x128xi32, #tpu.memory_space<vmem>>
        %dma_start3A_659 = tpu.memref_squeeze %dma_start3A_658 : memref<1x128xi32, #tpu.memory_space<vmem>> -> memref<128xi32, #tpu.memory_space<vmem>>
        %dma_start3A_660 = arith.constant 0 : i32
        %dma_start3A_661 = arith.constant 0 : i32
        %dma_start3A_662 = tpu.memref_slice %arg12[%dma_start3A_660, %dma_start3A_661] : memref<10016x128xf32, #tpu.memory_space<vmem_shared>> -> memref<10016x128xf32, #tpu.memory_space<vmem_shared>>
        tpu.enqueue_indirect_dma source(%arg10 : memref<128x128xf32, #tpu.memory_space<vmem>>) target(%dma_start3A_662 : memref<10016x128xf32, #tpu.memory_space<vmem_shared>>) offsets(%dma_start3A_659 : memref<128xi32, #tpu.memory_space<vmem>>) semaphore(%run_scoped3A_656 : memref<!tpu.dma_semaphore, #tpu.memory_space<semaphore_mem>>) {add = true}
        %dma_wait3A_663 = arith.constant 0 : i32
        %dma_wait3A_664 = tpu.memref_slice %arg8[%run_scoped3A_217, %dma_wait3A_663] : memref<16x128xi32, #tpu.memory_space<vmem>> -> memref<1x128xi32, #tpu.memory_space<vmem>>
        %dma_wait3A_665 = tpu.memref_squeeze %dma_wait3A_664 : memref<1x128xi32, #tpu.memory_space<vmem>> -> memref<128xi32, #tpu.memory_space<vmem>>
        %dma_wait3A_666 = arith.constant 0 : i32
        %dma_wait3A_667 = arith.constant 0 : i32
        %dma_wait3A_668 = tpu.memref_slice %arg12[%dma_wait3A_666, %dma_wait3A_667] : memref<10016x128xf32, #tpu.memory_space<vmem_shared>> -> memref<10016x128xf32, #tpu.memory_space<vmem_shared>>
        tpu.wait_indirect_dma semaphore(%run_scoped3A_656 : memref<!tpu.dma_semaphore, #tpu.memory_space<semaphore_mem>>) src(%arg10 : memref<128x128xf32, #tpu.memory_space<vmem>>) dst(%dma_wait3A_668 : memref<10016x128xf32, #tpu.memory_space<vmem_shared>>)
        tpu.yield
      }) : () -> ()
      %dma_start3A_218 = arith.constant 8 : i32
      %dma_start3A_219 = arith.constant 0 : i32
      %dma_start3A_220 = tpu.memref_slice %arg6[%dma_start3A_218, %dma_start3A_219] : memref<16x128xi32, #tpu.memory_space<vmem>> -> memref<1x128xi32, #tpu.memory_space<vmem>>
      %dma_start3A_221 = tpu.memref_squeeze %dma_start3A_220 : memref<1x128xi32, #tpu.memory_space<vmem>> -> memref<128xi32, #tpu.memory_space<vmem>>
      %dma_start3A_222 = arith.constant 0 : i32
      %dma_start3A_223 = arith.constant 0 : i32
      %dma_start3A_224 = tpu.memref_slice %arg2[%dma_start3A_222, %dma_start3A_223] : memref<20000x128xf32, #tpu.memory_space<hbm>> -> memref<20000x128xf32, #tpu.memory_space<hbm>>
      tpu.enqueue_indirect_dma source(%dma_start3A_224 : memref<20000x128xf32, #tpu.memory_space<hbm>>) target(%arg10 : memref<128x128xf32, #tpu.memory_space<vmem>>) offsets(%dma_start3A_221 : memref<128xi32, #tpu.memory_space<vmem>>) semaphore(%arg13 : memref<!tpu.dma_semaphore, #tpu.memory_space<semaphore_mem>>)
      %dma_wait3A_225 = arith.constant 7 : i32
      %dma_wait3A_226 = arith.constant 0 : i32
      %dma_wait3A_227 = tpu.memref_slice %arg6[%dma_wait3A_225, %dma_wait3A_226] : memref<16x128xi32, #tpu.memory_space<vmem>> -> memref<1x128xi32, #tpu.memory_space<vmem>>
      %dma_wait3A_228 = tpu.memref_squeeze %dma_wait3A_227 : memref<1x128xi32, #tpu.memory_space<vmem>> -> memref<128xi32, #tpu.memory_space<vmem>>
      %dma_wait3A_229 = arith.constant 0 : i32
      %dma_wait3A_230 = arith.constant 0 : i32
      %dma_wait3A_231 = tpu.memref_slice %arg2[%dma_wait3A_229, %dma_wait3A_230] : memref<20000x128xf32, #tpu.memory_space<hbm>> -> memref<20000x128xf32, #tpu.memory_space<hbm>>
      tpu.wait_indirect_dma semaphore(%arg14 : memref<!tpu.dma_semaphore, #tpu.memory_space<semaphore_mem>>) src(%dma_wait3A_231 : memref<20000x128xf32, #tpu.memory_space<hbm>>) dst(%arg11 : memref<128x128xf32, #tpu.memory_space<vmem>>)
      %run_scoped3A_232 = arith.constant 7 : i32
      "tpu.region"() ({
        %run_scoped3A_656 = tpu.sem_alloc : memref<!tpu.dma_semaphore, #tpu.memory_space<semaphore_mem>>
        %dma_start3A_657 = arith.constant 0 : i32
        %dma_start3A_658 = tpu.memref_slice %arg8[%run_scoped3A_232, %dma_start3A_657] : memref<16x128xi32, #tpu.memory_space<vmem>> -> memref<1x128xi32, #tpu.memory_space<vmem>>
        %dma_start3A_659 = tpu.memref_squeeze %dma_start3A_658 : memref<1x128xi32, #tpu.memory_space<vmem>> -> memref<128xi32, #tpu.memory_space<vmem>>
        %dma_start3A_660 = arith.constant 0 : i32
        %dma_start3A_661 = arith.constant 0 : i32
        %dma_start3A_662 = tpu.memref_slice %arg12[%dma_start3A_660, %dma_start3A_661] : memref<10016x128xf32, #tpu.memory_space<vmem_shared>> -> memref<10016x128xf32, #tpu.memory_space<vmem_shared>>
        tpu.enqueue_indirect_dma source(%arg11 : memref<128x128xf32, #tpu.memory_space<vmem>>) target(%dma_start3A_662 : memref<10016x128xf32, #tpu.memory_space<vmem_shared>>) offsets(%dma_start3A_659 : memref<128xi32, #tpu.memory_space<vmem>>) semaphore(%run_scoped3A_656 : memref<!tpu.dma_semaphore, #tpu.memory_space<semaphore_mem>>) {add = true}
        %dma_wait3A_663 = arith.constant 0 : i32
        %dma_wait3A_664 = tpu.memref_slice %arg8[%run_scoped3A_232, %dma_wait3A_663] : memref<16x128xi32, #tpu.memory_space<vmem>> -> memref<1x128xi32, #tpu.memory_space<vmem>>
        %dma_wait3A_665 = tpu.memref_squeeze %dma_wait3A_664 : memref<1x128xi32, #tpu.memory_space<vmem>> -> memref<128xi32, #tpu.memory_space<vmem>>
        %dma_wait3A_666 = arith.constant 0 : i32
        %dma_wait3A_667 = arith.constant 0 : i32
        %dma_wait3A_668 = tpu.memref_slice %arg12[%dma_wait3A_666, %dma_wait3A_667] : memref<10016x128xf32, #tpu.memory_space<vmem_shared>> -> memref<10016x128xf32, #tpu.memory_space<vmem_shared>>
        tpu.wait_indirect_dma semaphore(%run_scoped3A_656 : memref<!tpu.dma_semaphore, #tpu.memory_space<semaphore_mem>>) src(%arg11 : memref<128x128xf32, #tpu.memory_space<vmem>>) dst(%dma_wait3A_668 : memref<10016x128xf32, #tpu.memory_space<vmem_shared>>)
        tpu.yield
      }) : () -> ()
      %dma_start3A_233 = arith.constant 9 : i32
      %dma_start3A_234 = arith.constant 0 : i32
      %dma_start3A_235 = tpu.memref_slice %arg6[%dma_start3A_233, %dma_start3A_234] : memref<16x128xi32, #tpu.memory_space<vmem>> -> memref<1x128xi32, #tpu.memory_space<vmem>>
      %dma_start3A_236 = tpu.memref_squeeze %dma_start3A_235 : memref<1x128xi32, #tpu.memory_space<vmem>> -> memref<128xi32, #tpu.memory_space<vmem>>
      %dma_start3A_237 = arith.constant 0 : i32
      %dma_start3A_238 = arith.constant 0 : i32
      %dma_start3A_239 = tpu.memref_slice %arg2[%dma_start3A_237, %dma_start3A_238] : memref<20000x128xf32, #tpu.memory_space<hbm>> -> memref<20000x128xf32, #tpu.memory_space<hbm>>
      tpu.enqueue_indirect_dma source(%dma_start3A_239 : memref<20000x128xf32, #tpu.memory_space<hbm>>) target(%arg11 : memref<128x128xf32, #tpu.memory_space<vmem>>) offsets(%dma_start3A_236 : memref<128xi32, #tpu.memory_space<vmem>>) semaphore(%arg14 : memref<!tpu.dma_semaphore, #tpu.memory_space<semaphore_mem>>)
      %dma_wait3A_240 = arith.constant 8 : i32
      %dma_wait3A_241 = arith.constant 0 : i32
      %dma_wait3A_242 = tpu.memref_slice %arg6[%dma_wait3A_240, %dma_wait3A_241] : memref<16x128xi32, #tpu.memory_space<vmem>> -> memref<1x128xi32, #tpu.memory_space<vmem>>
      %dma_wait3A_243 = tpu.memref_squeeze %dma_wait3A_242 : memref<1x128xi32, #tpu.memory_space<vmem>> -> memref<128xi32, #tpu.memory_space<vmem>>
      %dma_wait3A_244 = arith.constant 0 : i32
      %dma_wait3A_245 = arith.constant 0 : i32
      %dma_wait3A_246 = tpu.memref_slice %arg2[%dma_wait3A_244, %dma_wait3A_245] : memref<20000x128xf32, #tpu.memory_space<hbm>> -> memref<20000x128xf32, #tpu.memory_space<hbm>>
      tpu.wait_indirect_dma semaphore(%arg13 : memref<!tpu.dma_semaphore, #tpu.memory_space<semaphore_mem>>) src(%dma_wait3A_246 : memref<20000x128xf32, #tpu.memory_space<hbm>>) dst(%arg10 : memref<128x128xf32, #tpu.memory_space<vmem>>)
      %run_scoped3A_247 = arith.constant 8 : i32
      "tpu.region"() ({
        %run_scoped3A_656 = tpu.sem_alloc : memref<!tpu.dma_semaphore, #tpu.memory_space<semaphore_mem>>
        %dma_start3A_657 = arith.constant 0 : i32
        %dma_start3A_658 = tpu.memref_slice %arg8[%run_scoped3A_247, %dma_start3A_657] : memref<16x128xi32, #tpu.memory_space<vmem>> -> memref<1x128xi32, #tpu.memory_space<vmem>>
        %dma_start3A_659 = tpu.memref_squeeze %dma_start3A_658 : memref<1x128xi32, #tpu.memory_space<vmem>> -> memref<128xi32, #tpu.memory_space<vmem>>
        %dma_start3A_660 = arith.constant 0 : i32
        %dma_start3A_661 = arith.constant 0 : i32
        %dma_start3A_662 = tpu.memref_slice %arg12[%dma_start3A_660, %dma_start3A_661] : memref<10016x128xf32, #tpu.memory_space<vmem_shared>> -> memref<10016x128xf32, #tpu.memory_space<vmem_shared>>
        tpu.enqueue_indirect_dma source(%arg10 : memref<128x128xf32, #tpu.memory_space<vmem>>) target(%dma_start3A_662 : memref<10016x128xf32, #tpu.memory_space<vmem_shared>>) offsets(%dma_start3A_659 : memref<128xi32, #tpu.memory_space<vmem>>) semaphore(%run_scoped3A_656 : memref<!tpu.dma_semaphore, #tpu.memory_space<semaphore_mem>>) {add = true}
        %dma_wait3A_663 = arith.constant 0 : i32
        %dma_wait3A_664 = tpu.memref_slice %arg8[%run_scoped3A_247, %dma_wait3A_663] : memref<16x128xi32, #tpu.memory_space<vmem>> -> memref<1x128xi32, #tpu.memory_space<vmem>>
        %dma_wait3A_665 = tpu.memref_squeeze %dma_wait3A_664 : memref<1x128xi32, #tpu.memory_space<vmem>> -> memref<128xi32, #tpu.memory_space<vmem>>
        %dma_wait3A_666 = arith.constant 0 : i32
        %dma_wait3A_667 = arith.constant 0 : i32
        %dma_wait3A_668 = tpu.memref_slice %arg12[%dma_wait3A_666, %dma_wait3A_667] : memref<10016x128xf32, #tpu.memory_space<vmem_shared>> -> memref<10016x128xf32, #tpu.memory_space<vmem_shared>>
        tpu.wait_indirect_dma semaphore(%run_scoped3A_656 : memref<!tpu.dma_semaphore, #tpu.memory_space<semaphore_mem>>) src(%arg10 : memref<128x128xf32, #tpu.memory_space<vmem>>) dst(%dma_wait3A_668 : memref<10016x128xf32, #tpu.memory_space<vmem_shared>>)
        tpu.yield
      }) : () -> ()
      %dma_start3A_248 = arith.constant 10 : i32
      %dma_start3A_249 = arith.constant 0 : i32
      %dma_start3A_250 = tpu.memref_slice %arg6[%dma_start3A_248, %dma_start3A_249] : memref<16x128xi32, #tpu.memory_space<vmem>> -> memref<1x128xi32, #tpu.memory_space<vmem>>
      %dma_start3A_251 = tpu.memref_squeeze %dma_start3A_250 : memref<1x128xi32, #tpu.memory_space<vmem>> -> memref<128xi32, #tpu.memory_space<vmem>>
      %dma_start3A_252 = arith.constant 0 : i32
      %dma_start3A_253 = arith.constant 0 : i32
      %dma_start3A_254 = tpu.memref_slice %arg2[%dma_start3A_252, %dma_start3A_253] : memref<20000x128xf32, #tpu.memory_space<hbm>> -> memref<20000x128xf32, #tpu.memory_space<hbm>>
      tpu.enqueue_indirect_dma source(%dma_start3A_254 : memref<20000x128xf32, #tpu.memory_space<hbm>>) target(%arg10 : memref<128x128xf32, #tpu.memory_space<vmem>>) offsets(%dma_start3A_251 : memref<128xi32, #tpu.memory_space<vmem>>) semaphore(%arg13 : memref<!tpu.dma_semaphore, #tpu.memory_space<semaphore_mem>>)
      %dma_wait3A_255 = arith.constant 9 : i32
      %dma_wait3A_256 = arith.constant 0 : i32
      %dma_wait3A_257 = tpu.memref_slice %arg6[%dma_wait3A_255, %dma_wait3A_256] : memref<16x128xi32, #tpu.memory_space<vmem>> -> memref<1x128xi32, #tpu.memory_space<vmem>>
      %dma_wait3A_258 = tpu.memref_squeeze %dma_wait3A_257 : memref<1x128xi32, #tpu.memory_space<vmem>> -> memref<128xi32, #tpu.memory_space<vmem>>
      %dma_wait3A_259 = arith.constant 0 : i32
      %dma_wait3A_260 = arith.constant 0 : i32
      %dma_wait3A_261 = tpu.memref_slice %arg2[%dma_wait3A_259, %dma_wait3A_260] : memref<20000x128xf32, #tpu.memory_space<hbm>> -> memref<20000x128xf32, #tpu.memory_space<hbm>>
      tpu.wait_indirect_dma semaphore(%arg14 : memref<!tpu.dma_semaphore, #tpu.memory_space<semaphore_mem>>) src(%dma_wait3A_261 : memref<20000x128xf32, #tpu.memory_space<hbm>>) dst(%arg11 : memref<128x128xf32, #tpu.memory_space<vmem>>)
      %run_scoped3A_262 = arith.constant 9 : i32
      "tpu.region"() ({
        %run_scoped3A_656 = tpu.sem_alloc : memref<!tpu.dma_semaphore, #tpu.memory_space<semaphore_mem>>
        %dma_start3A_657 = arith.constant 0 : i32
        %dma_start3A_658 = tpu.memref_slice %arg8[%run_scoped3A_262, %dma_start3A_657] : memref<16x128xi32, #tpu.memory_space<vmem>> -> memref<1x128xi32, #tpu.memory_space<vmem>>
        %dma_start3A_659 = tpu.memref_squeeze %dma_start3A_658 : memref<1x128xi32, #tpu.memory_space<vmem>> -> memref<128xi32, #tpu.memory_space<vmem>>
        %dma_start3A_660 = arith.constant 0 : i32
        %dma_start3A_661 = arith.constant 0 : i32
        %dma_start3A_662 = tpu.memref_slice %arg12[%dma_start3A_660, %dma_start3A_661] : memref<10016x128xf32, #tpu.memory_space<vmem_shared>> -> memref<10016x128xf32, #tpu.memory_space<vmem_shared>>
        tpu.enqueue_indirect_dma source(%arg11 : memref<128x128xf32, #tpu.memory_space<vmem>>) target(%dma_start3A_662 : memref<10016x128xf32, #tpu.memory_space<vmem_shared>>) offsets(%dma_start3A_659 : memref<128xi32, #tpu.memory_space<vmem>>) semaphore(%run_scoped3A_656 : memref<!tpu.dma_semaphore, #tpu.memory_space<semaphore_mem>>) {add = true}
        %dma_wait3A_663 = arith.constant 0 : i32
        %dma_wait3A_664 = tpu.memref_slice %arg8[%run_scoped3A_262, %dma_wait3A_663] : memref<16x128xi32, #tpu.memory_space<vmem>> -> memref<1x128xi32, #tpu.memory_space<vmem>>
        %dma_wait3A_665 = tpu.memref_squeeze %dma_wait3A_664 : memref<1x128xi32, #tpu.memory_space<vmem>> -> memref<128xi32, #tpu.memory_space<vmem>>
        %dma_wait3A_666 = arith.constant 0 : i32
        %dma_wait3A_667 = arith.constant 0 : i32
        %dma_wait3A_668 = tpu.memref_slice %arg12[%dma_wait3A_666, %dma_wait3A_667] : memref<10016x128xf32, #tpu.memory_space<vmem_shared>> -> memref<10016x128xf32, #tpu.memory_space<vmem_shared>>
        tpu.wait_indirect_dma semaphore(%run_scoped3A_656 : memref<!tpu.dma_semaphore, #tpu.memory_space<semaphore_mem>>) src(%arg11 : memref<128x128xf32, #tpu.memory_space<vmem>>) dst(%dma_wait3A_668 : memref<10016x128xf32, #tpu.memory_space<vmem_shared>>)
        tpu.yield
      }) : () -> ()
      %dma_start3A_263 = arith.constant 11 : i32
      %dma_start3A_264 = arith.constant 0 : i32
      %dma_start3A_265 = tpu.memref_slice %arg6[%dma_start3A_263, %dma_start3A_264] : memref<16x128xi32, #tpu.memory_space<vmem>> -> memref<1x128xi32, #tpu.memory_space<vmem>>
      %dma_start3A_266 = tpu.memref_squeeze %dma_start3A_265 : memref<1x128xi32, #tpu.memory_space<vmem>> -> memref<128xi32, #tpu.memory_space<vmem>>
      %dma_start3A_267 = arith.constant 0 : i32
      %dma_start3A_268 = arith.constant 0 : i32
      %dma_start3A_269 = tpu.memref_slice %arg2[%dma_start3A_267, %dma_start3A_268] : memref<20000x128xf32, #tpu.memory_space<hbm>> -> memref<20000x128xf32, #tpu.memory_space<hbm>>
      tpu.enqueue_indirect_dma source(%dma_start3A_269 : memref<20000x128xf32, #tpu.memory_space<hbm>>) target(%arg11 : memref<128x128xf32, #tpu.memory_space<vmem>>) offsets(%dma_start3A_266 : memref<128xi32, #tpu.memory_space<vmem>>) semaphore(%arg14 : memref<!tpu.dma_semaphore, #tpu.memory_space<semaphore_mem>>)
      %dma_wait3A_270 = arith.constant 10 : i32
      %dma_wait3A_271 = arith.constant 0 : i32
      %dma_wait3A_272 = tpu.memref_slice %arg6[%dma_wait3A_270, %dma_wait3A_271] : memref<16x128xi32, #tpu.memory_space<vmem>> -> memref<1x128xi32, #tpu.memory_space<vmem>>
      %dma_wait3A_273 = tpu.memref_squeeze %dma_wait3A_272 : memref<1x128xi32, #tpu.memory_space<vmem>> -> memref<128xi32, #tpu.memory_space<vmem>>
      %dma_wait3A_274 = arith.constant 0 : i32
      %dma_wait3A_275 = arith.constant 0 : i32
      %dma_wait3A_276 = tpu.memref_slice %arg2[%dma_wait3A_274, %dma_wait3A_275] : memref<20000x128xf32, #tpu.memory_space<hbm>> -> memref<20000x128xf32, #tpu.memory_space<hbm>>
      tpu.wait_indirect_dma semaphore(%arg13 : memref<!tpu.dma_semaphore, #tpu.memory_space<semaphore_mem>>) src(%dma_wait3A_276 : memref<20000x128xf32, #tpu.memory_space<hbm>>) dst(%arg10 : memref<128x128xf32, #tpu.memory_space<vmem>>)
      %run_scoped3A_277 = arith.constant 10 : i32
      "tpu.region"() ({
        %run_scoped3A_656 = tpu.sem_alloc : memref<!tpu.dma_semaphore, #tpu.memory_space<semaphore_mem>>
        %dma_start3A_657 = arith.constant 0 : i32
        %dma_start3A_658 = tpu.memref_slice %arg8[%run_scoped3A_277, %dma_start3A_657] : memref<16x128xi32, #tpu.memory_space<vmem>> -> memref<1x128xi32, #tpu.memory_space<vmem>>
        %dma_start3A_659 = tpu.memref_squeeze %dma_start3A_658 : memref<1x128xi32, #tpu.memory_space<vmem>> -> memref<128xi32, #tpu.memory_space<vmem>>
        %dma_start3A_660 = arith.constant 0 : i32
        %dma_start3A_661 = arith.constant 0 : i32
        %dma_start3A_662 = tpu.memref_slice %arg12[%dma_start3A_660, %dma_start3A_661] : memref<10016x128xf32, #tpu.memory_space<vmem_shared>> -> memref<10016x128xf32, #tpu.memory_space<vmem_shared>>
        tpu.enqueue_indirect_dma source(%arg10 : memref<128x128xf32, #tpu.memory_space<vmem>>) target(%dma_start3A_662 : memref<10016x128xf32, #tpu.memory_space<vmem_shared>>) offsets(%dma_start3A_659 : memref<128xi32, #tpu.memory_space<vmem>>) semaphore(%run_scoped3A_656 : memref<!tpu.dma_semaphore, #tpu.memory_space<semaphore_mem>>) {add = true}
        %dma_wait3A_663 = arith.constant 0 : i32
        %dma_wait3A_664 = tpu.memref_slice %arg8[%run_scoped3A_277, %dma_wait3A_663] : memref<16x128xi32, #tpu.memory_space<vmem>> -> memref<1x128xi32, #tpu.memory_space<vmem>>
        %dma_wait3A_665 = tpu.memref_squeeze %dma_wait3A_664 : memref<1x128xi32, #tpu.memory_space<vmem>> -> memref<128xi32, #tpu.memory_space<vmem>>
        %dma_wait3A_666 = arith.constant 0 : i32
        %dma_wait3A_667 = arith.constant 0 : i32
        %dma_wait3A_668 = tpu.memref_slice %arg12[%dma_wait3A_666, %dma_wait3A_667] : memref<10016x128xf32, #tpu.memory_space<vmem_shared>> -> memref<10016x128xf32, #tpu.memory_space<vmem_shared>>
        tpu.wait_indirect_dma semaphore(%run_scoped3A_656 : memref<!tpu.dma_semaphore, #tpu.memory_space<semaphore_mem>>) src(%arg10 : memref<128x128xf32, #tpu.memory_space<vmem>>) dst(%dma_wait3A_668 : memref<10016x128xf32, #tpu.memory_space<vmem_shared>>)
        tpu.yield
      }) : () -> ()
      %dma_start3A_278 = arith.constant 12 : i32
      %dma_start3A_279 = arith.constant 0 : i32
      %dma_start3A_280 = tpu.memref_slice %arg6[%dma_start3A_278, %dma_start3A_279] : memref<16x128xi32, #tpu.memory_space<vmem>> -> memref<1x128xi32, #tpu.memory_space<vmem>>
      %dma_start3A_281 = tpu.memref_squeeze %dma_start3A_280 : memref<1x128xi32, #tpu.memory_space<vmem>> -> memref<128xi32, #tpu.memory_space<vmem>>
      %dma_start3A_282 = arith.constant 0 : i32
      %dma_start3A_283 = arith.constant 0 : i32
      %dma_start3A_284 = tpu.memref_slice %arg2[%dma_start3A_282, %dma_start3A_283] : memref<20000x128xf32, #tpu.memory_space<hbm>> -> memref<20000x128xf32, #tpu.memory_space<hbm>>
      tpu.enqueue_indirect_dma source(%dma_start3A_284 : memref<20000x128xf32, #tpu.memory_space<hbm>>) target(%arg10 : memref<128x128xf32, #tpu.memory_space<vmem>>) offsets(%dma_start3A_281 : memref<128xi32, #tpu.memory_space<vmem>>) semaphore(%arg13 : memref<!tpu.dma_semaphore, #tpu.memory_space<semaphore_mem>>)
      %dma_wait3A_285 = arith.constant 11 : i32
      %dma_wait3A_286 = arith.constant 0 : i32
      %dma_wait3A_287 = tpu.memref_slice %arg6[%dma_wait3A_285, %dma_wait3A_286] : memref<16x128xi32, #tpu.memory_space<vmem>> -> memref<1x128xi32, #tpu.memory_space<vmem>>
      %dma_wait3A_288 = tpu.memref_squeeze %dma_wait3A_287 : memref<1x128xi32, #tpu.memory_space<vmem>> -> memref<128xi32, #tpu.memory_space<vmem>>
      %dma_wait3A_289 = arith.constant 0 : i32
      %dma_wait3A_290 = arith.constant 0 : i32
      %dma_wait3A_291 = tpu.memref_slice %arg2[%dma_wait3A_289, %dma_wait3A_290] : memref<20000x128xf32, #tpu.memory_space<hbm>> -> memref<20000x128xf32, #tpu.memory_space<hbm>>
      tpu.wait_indirect_dma semaphore(%arg14 : memref<!tpu.dma_semaphore, #tpu.memory_space<semaphore_mem>>) src(%dma_wait3A_291 : memref<20000x128xf32, #tpu.memory_space<hbm>>) dst(%arg11 : memref<128x128xf32, #tpu.memory_space<vmem>>)
      %run_scoped3A_292 = arith.constant 11 : i32
      "tpu.region"() ({
        %run_scoped3A_656 = tpu.sem_alloc : memref<!tpu.dma_semaphore, #tpu.memory_space<semaphore_mem>>
        %dma_start3A_657 = arith.constant 0 : i32
        %dma_start3A_658 = tpu.memref_slice %arg8[%run_scoped3A_292, %dma_start3A_657] : memref<16x128xi32, #tpu.memory_space<vmem>> -> memref<1x128xi32, #tpu.memory_space<vmem>>
        %dma_start3A_659 = tpu.memref_squeeze %dma_start3A_658 : memref<1x128xi32, #tpu.memory_space<vmem>> -> memref<128xi32, #tpu.memory_space<vmem>>
        %dma_start3A_660 = arith.constant 0 : i32
        %dma_start3A_661 = arith.constant 0 : i32
        %dma_start3A_662 = tpu.memref_slice %arg12[%dma_start3A_660, %dma_start3A_661] : memref<10016x128xf32, #tpu.memory_space<vmem_shared>> -> memref<10016x128xf32, #tpu.memory_space<vmem_shared>>
        tpu.enqueue_indirect_dma source(%arg11 : memref<128x128xf32, #tpu.memory_space<vmem>>) target(%dma_start3A_662 : memref<10016x128xf32, #tpu.memory_space<vmem_shared>>) offsets(%dma_start3A_659 : memref<128xi32, #tpu.memory_space<vmem>>) semaphore(%run_scoped3A_656 : memref<!tpu.dma_semaphore, #tpu.memory_space<semaphore_mem>>) {add = true}
        %dma_wait3A_663 = arith.constant 0 : i32
        %dma_wait3A_664 = tpu.memref_slice %arg8[%run_scoped3A_292, %dma_wait3A_663] : memref<16x128xi32, #tpu.memory_space<vmem>> -> memref<1x128xi32, #tpu.memory_space<vmem>>
        %dma_wait3A_665 = tpu.memref_squeeze %dma_wait3A_664 : memref<1x128xi32, #tpu.memory_space<vmem>> -> memref<128xi32, #tpu.memory_space<vmem>>
        %dma_wait3A_666 = arith.constant 0 : i32
        %dma_wait3A_667 = arith.constant 0 : i32
        %dma_wait3A_668 = tpu.memref_slice %arg12[%dma_wait3A_666, %dma_wait3A_667] : memref<10016x128xf32, #tpu.memory_space<vmem_shared>> -> memref<10016x128xf32, #tpu.memory_space<vmem_shared>>
        tpu.wait_indirect_dma semaphore(%run_scoped3A_656 : memref<!tpu.dma_semaphore, #tpu.memory_space<semaphore_mem>>) src(%arg11 : memref<128x128xf32, #tpu.memory_space<vmem>>) dst(%dma_wait3A_668 : memref<10016x128xf32, #tpu.memory_space<vmem_shared>>)
        tpu.yield
      }) : () -> ()
      %dma_start3A_293 = arith.constant 13 : i32
      %dma_start3A_294 = arith.constant 0 : i32
      %dma_start3A_295 = tpu.memref_slice %arg6[%dma_start3A_293, %dma_start3A_294] : memref<16x128xi32, #tpu.memory_space<vmem>> -> memref<1x128xi32, #tpu.memory_space<vmem>>
      %dma_start3A_296 = tpu.memref_squeeze %dma_start3A_295 : memref<1x128xi32, #tpu.memory_space<vmem>> -> memref<128xi32, #tpu.memory_space<vmem>>
      %dma_start3A_297 = arith.constant 0 : i32
      %dma_start3A_298 = arith.constant 0 : i32
      %dma_start3A_299 = tpu.memref_slice %arg2[%dma_start3A_297, %dma_start3A_298] : memref<20000x128xf32, #tpu.memory_space<hbm>> -> memref<20000x128xf32, #tpu.memory_space<hbm>>
      tpu.enqueue_indirect_dma source(%dma_start3A_299 : memref<20000x128xf32, #tpu.memory_space<hbm>>) target(%arg11 : memref<128x128xf32, #tpu.memory_space<vmem>>) offsets(%dma_start3A_296 : memref<128xi32, #tpu.memory_space<vmem>>) semaphore(%arg14 : memref<!tpu.dma_semaphore, #tpu.memory_space<semaphore_mem>>)
      %dma_wait3A_300 = arith.constant 12 : i32
      %dma_wait3A_301 = arith.constant 0 : i32
      %dma_wait3A_302 = tpu.memref_slice %arg6[%dma_wait3A_300, %dma_wait3A_301] : memref<16x128xi32, #tpu.memory_space<vmem>> -> memref<1x128xi32, #tpu.memory_space<vmem>>
      %dma_wait3A_303 = tpu.memref_squeeze %dma_wait3A_302 : memref<1x128xi32, #tpu.memory_space<vmem>> -> memref<128xi32, #tpu.memory_space<vmem>>
      %dma_wait3A_304 = arith.constant 0 : i32
      %dma_wait3A_305 = arith.constant 0 : i32
      %dma_wait3A_306 = tpu.memref_slice %arg2[%dma_wait3A_304, %dma_wait3A_305] : memref<20000x128xf32, #tpu.memory_space<hbm>> -> memref<20000x128xf32, #tpu.memory_space<hbm>>
      tpu.wait_indirect_dma semaphore(%arg13 : memref<!tpu.dma_semaphore, #tpu.memory_space<semaphore_mem>>) src(%dma_wait3A_306 : memref<20000x128xf32, #tpu.memory_space<hbm>>) dst(%arg10 : memref<128x128xf32, #tpu.memory_space<vmem>>)
      %run_scoped3A_307 = arith.constant 12 : i32
      "tpu.region"() ({
        %run_scoped3A_656 = tpu.sem_alloc : memref<!tpu.dma_semaphore, #tpu.memory_space<semaphore_mem>>
        %dma_start3A_657 = arith.constant 0 : i32
        %dma_start3A_658 = tpu.memref_slice %arg8[%run_scoped3A_307, %dma_start3A_657] : memref<16x128xi32, #tpu.memory_space<vmem>> -> memref<1x128xi32, #tpu.memory_space<vmem>>
        %dma_start3A_659 = tpu.memref_squeeze %dma_start3A_658 : memref<1x128xi32, #tpu.memory_space<vmem>> -> memref<128xi32, #tpu.memory_space<vmem>>
        %dma_start3A_660 = arith.constant 0 : i32
        %dma_start3A_661 = arith.constant 0 : i32
        %dma_start3A_662 = tpu.memref_slice %arg12[%dma_start3A_660, %dma_start3A_661] : memref<10016x128xf32, #tpu.memory_space<vmem_shared>> -> memref<10016x128xf32, #tpu.memory_space<vmem_shared>>
        tpu.enqueue_indirect_dma source(%arg10 : memref<128x128xf32, #tpu.memory_space<vmem>>) target(%dma_start3A_662 : memref<10016x128xf32, #tpu.memory_space<vmem_shared>>) offsets(%dma_start3A_659 : memref<128xi32, #tpu.memory_space<vmem>>) semaphore(%run_scoped3A_656 : memref<!tpu.dma_semaphore, #tpu.memory_space<semaphore_mem>>) {add = true}
        %dma_wait3A_663 = arith.constant 0 : i32
        %dma_wait3A_664 = tpu.memref_slice %arg8[%run_scoped3A_307, %dma_wait3A_663] : memref<16x128xi32, #tpu.memory_space<vmem>> -> memref<1x128xi32, #tpu.memory_space<vmem>>
        %dma_wait3A_665 = tpu.memref_squeeze %dma_wait3A_664 : memref<1x128xi32, #tpu.memory_space<vmem>> -> memref<128xi32, #tpu.memory_space<vmem>>
        %dma_wait3A_666 = arith.constant 0 : i32
        %dma_wait3A_667 = arith.constant 0 : i32
        %dma_wait3A_668 = tpu.memref_slice %arg12[%dma_wait3A_666, %dma_wait3A_667] : memref<10016x128xf32, #tpu.memory_space<vmem_shared>> -> memref<10016x128xf32, #tpu.memory_space<vmem_shared>>
        tpu.wait_indirect_dma semaphore(%run_scoped3A_656 : memref<!tpu.dma_semaphore, #tpu.memory_space<semaphore_mem>>) src(%arg10 : memref<128x128xf32, #tpu.memory_space<vmem>>) dst(%dma_wait3A_668 : memref<10016x128xf32, #tpu.memory_space<vmem_shared>>)
        tpu.yield
      }) : () -> ()
      %dma_start3A_308 = arith.constant 14 : i32
      %dma_start3A_309 = arith.constant 0 : i32
      %dma_start3A_310 = tpu.memref_slice %arg6[%dma_start3A_308, %dma_start3A_309] : memref<16x128xi32, #tpu.memory_space<vmem>> -> memref<1x128xi32, #tpu.memory_space<vmem>>
      %dma_start3A_311 = tpu.memref_squeeze %dma_start3A_310 : memref<1x128xi32, #tpu.memory_space<vmem>> -> memref<128xi32, #tpu.memory_space<vmem>>
      %dma_start3A_312 = arith.constant 0 : i32
      %dma_start3A_313 = arith.constant 0 : i32
      %dma_start3A_314 = tpu.memref_slice %arg2[%dma_start3A_312, %dma_start3A_313] : memref<20000x128xf32, #tpu.memory_space<hbm>> -> memref<20000x128xf32, #tpu.memory_space<hbm>>
      tpu.enqueue_indirect_dma source(%dma_start3A_314 : memref<20000x128xf32, #tpu.memory_space<hbm>>) target(%arg10 : memref<128x128xf32, #tpu.memory_space<vmem>>) offsets(%dma_start3A_311 : memref<128xi32, #tpu.memory_space<vmem>>) semaphore(%arg13 : memref<!tpu.dma_semaphore, #tpu.memory_space<semaphore_mem>>)
      %dma_wait3A_315 = arith.constant 13 : i32
      %dma_wait3A_316 = arith.constant 0 : i32
      %dma_wait3A_317 = tpu.memref_slice %arg6[%dma_wait3A_315, %dma_wait3A_316] : memref<16x128xi32, #tpu.memory_space<vmem>> -> memref<1x128xi32, #tpu.memory_space<vmem>>
      %dma_wait3A_318 = tpu.memref_squeeze %dma_wait3A_317 : memref<1x128xi32, #tpu.memory_space<vmem>> -> memref<128xi32, #tpu.memory_space<vmem>>
      %dma_wait3A_319 = arith.constant 0 : i32
      %dma_wait3A_320 = arith.constant 0 : i32
      %dma_wait3A_321 = tpu.memref_slice %arg2[%dma_wait3A_319, %dma_wait3A_320] : memref<20000x128xf32, #tpu.memory_space<hbm>> -> memref<20000x128xf32, #tpu.memory_space<hbm>>
      tpu.wait_indirect_dma semaphore(%arg14 : memref<!tpu.dma_semaphore, #tpu.memory_space<semaphore_mem>>) src(%dma_wait3A_321 : memref<20000x128xf32, #tpu.memory_space<hbm>>) dst(%arg11 : memref<128x128xf32, #tpu.memory_space<vmem>>)
      %run_scoped3A_322 = arith.constant 13 : i32
      "tpu.region"() ({
        %run_scoped3A_656 = tpu.sem_alloc : memref<!tpu.dma_semaphore, #tpu.memory_space<semaphore_mem>>
        %dma_start3A_657 = arith.constant 0 : i32
        %dma_start3A_658 = tpu.memref_slice %arg8[%run_scoped3A_322, %dma_start3A_657] : memref<16x128xi32, #tpu.memory_space<vmem>> -> memref<1x128xi32, #tpu.memory_space<vmem>>
        %dma_start3A_659 = tpu.memref_squeeze %dma_start3A_658 : memref<1x128xi32, #tpu.memory_space<vmem>> -> memref<128xi32, #tpu.memory_space<vmem>>
        %dma_start3A_660 = arith.constant 0 : i32
        %dma_start3A_661 = arith.constant 0 : i32
        %dma_start3A_662 = tpu.memref_slice %arg12[%dma_start3A_660, %dma_start3A_661] : memref<10016x128xf32, #tpu.memory_space<vmem_shared>> -> memref<10016x128xf32, #tpu.memory_space<vmem_shared>>
        tpu.enqueue_indirect_dma source(%arg11 : memref<128x128xf32, #tpu.memory_space<vmem>>) target(%dma_start3A_662 : memref<10016x128xf32, #tpu.memory_space<vmem_shared>>) offsets(%dma_start3A_659 : memref<128xi32, #tpu.memory_space<vmem>>) semaphore(%run_scoped3A_656 : memref<!tpu.dma_semaphore, #tpu.memory_space<semaphore_mem>>) {add = true}
        %dma_wait3A_663 = arith.constant 0 : i32
        %dma_wait3A_664 = tpu.memref_slice %arg8[%run_scoped3A_322, %dma_wait3A_663] : memref<16x128xi32, #tpu.memory_space<vmem>> -> memref<1x128xi32, #tpu.memory_space<vmem>>
        %dma_wait3A_665 = tpu.memref_squeeze %dma_wait3A_664 : memref<1x128xi32, #tpu.memory_space<vmem>> -> memref<128xi32, #tpu.memory_space<vmem>>
        %dma_wait3A_666 = arith.constant 0 : i32
        %dma_wait3A_667 = arith.constant 0 : i32
        %dma_wait3A_668 = tpu.memref_slice %arg12[%dma_wait3A_666, %dma_wait3A_667] : memref<10016x128xf32, #tpu.memory_space<vmem_shared>> -> memref<10016x128xf32, #tpu.memory_space<vmem_shared>>
        tpu.wait_indirect_dma semaphore(%run_scoped3A_656 : memref<!tpu.dma_semaphore, #tpu.memory_space<semaphore_mem>>) src(%arg11 : memref<128x128xf32, #tpu.memory_space<vmem>>) dst(%dma_wait3A_668 : memref<10016x128xf32, #tpu.memory_space<vmem_shared>>)
        tpu.yield
      }) : () -> ()
      %dma_start3A_323 = arith.constant 15 : i32
      %dma_start3A_324 = arith.constant 0 : i32
      %dma_start3A_325 = tpu.memref_slice %arg6[%dma_start3A_323, %dma_start3A_324] : memref<16x128xi32, #tpu.memory_space<vmem>> -> memref<1x128xi32, #tpu.memory_space<vmem>>
      %dma_start3A_326 = tpu.memref_squeeze %dma_start3A_325 : memref<1x128xi32, #tpu.memory_space<vmem>> -> memref<128xi32, #tpu.memory_space<vmem>>
      %dma_start3A_327 = arith.constant 0 : i32
      %dma_start3A_328 = arith.constant 0 : i32
      %dma_start3A_329 = tpu.memref_slice %arg2[%dma_start3A_327, %dma_start3A_328] : memref<20000x128xf32, #tpu.memory_space<hbm>> -> memref<20000x128xf32, #tpu.memory_space<hbm>>
      tpu.enqueue_indirect_dma source(%dma_start3A_329 : memref<20000x128xf32, #tpu.memory_space<hbm>>) target(%arg11 : memref<128x128xf32, #tpu.memory_space<vmem>>) offsets(%dma_start3A_326 : memref<128xi32, #tpu.memory_space<vmem>>) semaphore(%arg14 : memref<!tpu.dma_semaphore, #tpu.memory_space<semaphore_mem>>)
      %dma_wait3A_330 = arith.constant 14 : i32
      %dma_wait3A_331 = arith.constant 0 : i32
      %dma_wait3A_332 = tpu.memref_slice %arg6[%dma_wait3A_330, %dma_wait3A_331] : memref<16x128xi32, #tpu.memory_space<vmem>> -> memref<1x128xi32, #tpu.memory_space<vmem>>
      %dma_wait3A_333 = tpu.memref_squeeze %dma_wait3A_332 : memref<1x128xi32, #tpu.memory_space<vmem>> -> memref<128xi32, #tpu.memory_space<vmem>>
      %dma_wait3A_334 = arith.constant 0 : i32
      %dma_wait3A_335 = arith.constant 0 : i32
      %dma_wait3A_336 = tpu.memref_slice %arg2[%dma_wait3A_334, %dma_wait3A_335] : memref<20000x128xf32, #tpu.memory_space<hbm>> -> memref<20000x128xf32, #tpu.memory_space<hbm>>
      tpu.wait_indirect_dma semaphore(%arg13 : memref<!tpu.dma_semaphore, #tpu.memory_space<semaphore_mem>>) src(%dma_wait3A_336 : memref<20000x128xf32, #tpu.memory_space<hbm>>) dst(%arg10 : memref<128x128xf32, #tpu.memory_space<vmem>>)
      %run_scoped3A_337 = arith.constant 14 : i32
      "tpu.region"() ({
        %run_scoped3A_656 = tpu.sem_alloc : memref<!tpu.dma_semaphore, #tpu.memory_space<semaphore_mem>>
        %dma_start3A_657 = arith.constant 0 : i32
        %dma_start3A_658 = tpu.memref_slice %arg8[%run_scoped3A_337, %dma_start3A_657] : memref<16x128xi32, #tpu.memory_space<vmem>> -> memref<1x128xi32, #tpu.memory_space<vmem>>
        %dma_start3A_659 = tpu.memref_squeeze %dma_start3A_658 : memref<1x128xi32, #tpu.memory_space<vmem>> -> memref<128xi32, #tpu.memory_space<vmem>>
        %dma_start3A_660 = arith.constant 0 : i32
        %dma_start3A_661 = arith.constant 0 : i32
        %dma_start3A_662 = tpu.memref_slice %arg12[%dma_start3A_660, %dma_start3A_661] : memref<10016x128xf32, #tpu.memory_space<vmem_shared>> -> memref<10016x128xf32, #tpu.memory_space<vmem_shared>>
        tpu.enqueue_indirect_dma source(%arg10 : memref<128x128xf32, #tpu.memory_space<vmem>>) target(%dma_start3A_662 : memref<10016x128xf32, #tpu.memory_space<vmem_shared>>) offsets(%dma_start3A_659 : memref<128xi32, #tpu.memory_space<vmem>>) semaphore(%run_scoped3A_656 : memref<!tpu.dma_semaphore, #tpu.memory_space<semaphore_mem>>) {add = true}
        %dma_wait3A_663 = arith.constant 0 : i32
        %dma_wait3A_664 = tpu.memref_slice %arg8[%run_scoped3A_337, %dma_wait3A_663] : memref<16x128xi32, #tpu.memory_space<vmem>> -> memref<1x128xi32, #tpu.memory_space<vmem>>
        %dma_wait3A_665 = tpu.memref_squeeze %dma_wait3A_664 : memref<1x128xi32, #tpu.memory_space<vmem>> -> memref<128xi32, #tpu.memory_space<vmem>>
        %dma_wait3A_666 = arith.constant 0 : i32
        %dma_wait3A_667 = arith.constant 0 : i32
        %dma_wait3A_668 = tpu.memref_slice %arg12[%dma_wait3A_666, %dma_wait3A_667] : memref<10016x128xf32, #tpu.memory_space<vmem_shared>> -> memref<10016x128xf32, #tpu.memory_space<vmem_shared>>
        tpu.wait_indirect_dma semaphore(%run_scoped3A_656 : memref<!tpu.dma_semaphore, #tpu.memory_space<semaphore_mem>>) src(%arg10 : memref<128x128xf32, #tpu.memory_space<vmem>>) dst(%dma_wait3A_668 : memref<10016x128xf32, #tpu.memory_space<vmem_shared>>)
        tpu.yield
      }) : () -> ()
      %dma_start3A_338 = arith.constant 0 : i32
      %dma_start3A_339 = arith.constant 0 : i32
      %dma_start3A_340 = tpu.memref_slice %arg7[%dma_start3A_338, %dma_start3A_339] : memref<16x128xi32, #tpu.memory_space<vmem>> -> memref<1x128xi32, #tpu.memory_space<vmem>>
      %dma_start3A_341 = tpu.memref_squeeze %dma_start3A_340 : memref<1x128xi32, #tpu.memory_space<vmem>> -> memref<128xi32, #tpu.memory_space<vmem>>
      %dma_start3A_342 = arith.constant 0 : i32
      %dma_start3A_343 = arith.constant 0 : i32
      %dma_start3A_344 = tpu.memref_slice %arg2[%dma_start3A_342, %dma_start3A_343] : memref<20000x128xf32, #tpu.memory_space<hbm>> -> memref<20000x128xf32, #tpu.memory_space<hbm>>
      tpu.enqueue_indirect_dma source(%dma_start3A_344 : memref<20000x128xf32, #tpu.memory_space<hbm>>) target(%arg10 : memref<128x128xf32, #tpu.memory_space<vmem>>) offsets(%dma_start3A_341 : memref<128xi32, #tpu.memory_space<vmem>>) semaphore(%arg13 : memref<!tpu.dma_semaphore, #tpu.memory_space<semaphore_mem>>)
      %dma_wait3A_345 = arith.constant 15 : i32
      %dma_wait3A_346 = arith.constant 0 : i32
      %dma_wait3A_347 = tpu.memref_slice %arg6[%dma_wait3A_345, %dma_wait3A_346] : memref<16x128xi32, #tpu.memory_space<vmem>> -> memref<1x128xi32, #tpu.memory_space<vmem>>
      %dma_wait3A_348 = tpu.memref_squeeze %dma_wait3A_347 : memref<1x128xi32, #tpu.memory_space<vmem>> -> memref<128xi32, #tpu.memory_space<vmem>>
      %dma_wait3A_349 = arith.constant 0 : i32
      %dma_wait3A_350 = arith.constant 0 : i32
      %dma_wait3A_351 = tpu.memref_slice %arg2[%dma_wait3A_349, %dma_wait3A_350] : memref<20000x128xf32, #tpu.memory_space<hbm>> -> memref<20000x128xf32, #tpu.memory_space<hbm>>
      tpu.wait_indirect_dma semaphore(%arg14 : memref<!tpu.dma_semaphore, #tpu.memory_space<semaphore_mem>>) src(%dma_wait3A_351 : memref<20000x128xf32, #tpu.memory_space<hbm>>) dst(%arg11 : memref<128x128xf32, #tpu.memory_space<vmem>>)
      %run_scoped3A_352 = arith.constant 15 : i32
      "tpu.region"() ({
        %run_scoped3A_656 = tpu.sem_alloc : memref<!tpu.dma_semaphore, #tpu.memory_space<semaphore_mem>>
        %dma_start3A_657 = arith.constant 0 : i32
        %dma_start3A_658 = tpu.memref_slice %arg8[%run_scoped3A_352, %dma_start3A_657] : memref<16x128xi32, #tpu.memory_space<vmem>> -> memref<1x128xi32, #tpu.memory_space<vmem>>
        %dma_start3A_659 = tpu.memref_squeeze %dma_start3A_658 : memref<1x128xi32, #tpu.memory_space<vmem>> -> memref<128xi32, #tpu.memory_space<vmem>>
        %dma_start3A_660 = arith.constant 0 : i32
        %dma_start3A_661 = arith.constant 0 : i32
        %dma_start3A_662 = tpu.memref_slice %arg12[%dma_start3A_660, %dma_start3A_661] : memref<10016x128xf32, #tpu.memory_space<vmem_shared>> -> memref<10016x128xf32, #tpu.memory_space<vmem_shared>>
        tpu.enqueue_indirect_dma source(%arg11 : memref<128x128xf32, #tpu.memory_space<vmem>>) target(%dma_start3A_662 : memref<10016x128xf32, #tpu.memory_space<vmem_shared>>) offsets(%dma_start3A_659 : memref<128xi32, #tpu.memory_space<vmem>>) semaphore(%run_scoped3A_656 : memref<!tpu.dma_semaphore, #tpu.memory_space<semaphore_mem>>) {add = true}
        %dma_wait3A_663 = arith.constant 0 : i32
        %dma_wait3A_664 = tpu.memref_slice %arg8[%run_scoped3A_352, %dma_wait3A_663] : memref<16x128xi32, #tpu.memory_space<vmem>> -> memref<1x128xi32, #tpu.memory_space<vmem>>
        %dma_wait3A_665 = tpu.memref_squeeze %dma_wait3A_664 : memref<1x128xi32, #tpu.memory_space<vmem>> -> memref<128xi32, #tpu.memory_space<vmem>>
        %dma_wait3A_666 = arith.constant 0 : i32
        %dma_wait3A_667 = arith.constant 0 : i32
        %dma_wait3A_668 = tpu.memref_slice %arg12[%dma_wait3A_666, %dma_wait3A_667] : memref<10016x128xf32, #tpu.memory_space<vmem_shared>> -> memref<10016x128xf32, #tpu.memory_space<vmem_shared>>
        tpu.wait_indirect_dma semaphore(%run_scoped3A_656 : memref<!tpu.dma_semaphore, #tpu.memory_space<semaphore_mem>>) src(%arg11 : memref<128x128xf32, #tpu.memory_space<vmem>>) dst(%dma_wait3A_668 : memref<10016x128xf32, #tpu.memory_space<vmem_shared>>)
        tpu.yield
      }) : () -> ()
      %dma_start3A_353 = arith.constant 1 : i32
      %dma_start3A_354 = arith.constant 0 : i32
      %dma_start3A_355 = tpu.memref_slice %arg7[%dma_start3A_353, %dma_start3A_354] : memref<16x128xi32, #tpu.memory_space<vmem>> -> memref<1x128xi32, #tpu.memory_space<vmem>>
      %dma_start3A_356 = tpu.memref_squeeze %dma_start3A_355 : memref<1x128xi32, #tpu.memory_space<vmem>> -> memref<128xi32, #tpu.memory_space<vmem>>
      %dma_start3A_357 = arith.constant 0 : i32
      %dma_start3A_358 = arith.constant 0 : i32
      %dma_start3A_359 = tpu.memref_slice %arg2[%dma_start3A_357, %dma_start3A_358] : memref<20000x128xf32, #tpu.memory_space<hbm>> -> memref<20000x128xf32, #tpu.memory_space<hbm>>
      tpu.enqueue_indirect_dma source(%dma_start3A_359 : memref<20000x128xf32, #tpu.memory_space<hbm>>) target(%arg11 : memref<128x128xf32, #tpu.memory_space<vmem>>) offsets(%dma_start3A_356 : memref<128xi32, #tpu.memory_space<vmem>>) semaphore(%arg14 : memref<!tpu.dma_semaphore, #tpu.memory_space<semaphore_mem>>)
      %add3A_360 = arith.constant 2 : i32
      %add3A_361 = arith.addi %add3A_101, %add3A_360 : i32
      %dma_start3A_362 = arith.constant 0 : i32
      %dma_start3A_363 = arith.constant 0 : i32
      %dma_start3A_364 = tpu.memref_slice %arg3[%arg0, %arg1, %add3A_361, %dma_start3A_362, %dma_start3A_363] : memref<2x16x12x16x128xi32, #tpu.memory_space<hbm>> -> memref<1x1x1x16x128xi32, #tpu.memory_space<hbm>>
      %dma_start3A_365 = tpu.memref_squeeze %dma_start3A_364 : memref<1x1x1x16x128xi32, #tpu.memory_space<hbm>> -> memref<16x128xi32, #tpu.memory_space<hbm>>
      %dma_start3A_366 = arith.constant 0 : i32
      %dma_start3A_367 = arith.constant 0 : i32
      %dma_start3A_368 = tpu.memref_slice %arg3[%arg0, %arg1, %add3A_361, %dma_start3A_366, %dma_start3A_367] : memref<2x16x12x16x128xi32, #tpu.memory_space<hbm>> -> memref<1x1x1x16x128xi32, #tpu.memory_space<hbm>>
      %dma_start3A_369 = tpu.memref_squeeze %dma_start3A_368 : memref<1x1x1x16x128xi32, #tpu.memory_space<hbm>> -> memref<16x128xi32, #tpu.memory_space<hbm>>
      tpu.enqueue_dma source(%dma_start3A_369 : memref<16x128xi32, #tpu.memory_space<hbm>>) target(%arg6 : memref<16x128xi32, #tpu.memory_space<vmem>>) target_semaphore(%arg15 : memref<!tpu.dma_semaphore, #tpu.memory_space<semaphore_mem>>)
      %dma_start3A_370 = arith.constant 0 : i32
      %dma_start3A_371 = arith.constant 0 : i32
      %dma_start3A_372 = tpu.memref_slice %arg4[%arg1, %add3A_361, %dma_start3A_370, %dma_start3A_371] : memref<16x12x16x128xi32, #tpu.memory_space<hbm>> -> memref<1x1x16x128xi32, #tpu.memory_space<hbm>>
      %dma_start3A_373 = tpu.memref_squeeze %dma_start3A_372 : memref<1x1x16x128xi32, #tpu.memory_space<hbm>> -> memref<16x128xi32, #tpu.memory_space<hbm>>
      %dma_start3A_374 = arith.constant 0 : i32
      %dma_start3A_375 = arith.constant 0 : i32
      %dma_start3A_376 = tpu.memref_slice %arg4[%arg1, %add3A_361, %dma_start3A_374, %dma_start3A_375] : memref<16x12x16x128xi32, #tpu.memory_space<hbm>> -> memref<1x1x16x128xi32, #tpu.memory_space<hbm>>
      %dma_start3A_377 = tpu.memref_squeeze %dma_start3A_376 : memref<1x1x16x128xi32, #tpu.memory_space<hbm>> -> memref<16x128xi32, #tpu.memory_space<hbm>>
      tpu.enqueue_dma source(%dma_start3A_377 : memref<16x128xi32, #tpu.memory_space<hbm>>) target(%arg8 : memref<16x128xi32, #tpu.memory_space<vmem>>) target_semaphore(%arg15 : memref<!tpu.dma_semaphore, #tpu.memory_space<semaphore_mem>>)
      %add3A_378 = arith.constant 1 : i32
      %add3A_379 = arith.addi %add3A_99, %add3A_378 : i32
      %add3A_380 = arith.constant 1 : i32
      %add3A_381 = arith.addi %add3A_379, %add3A_380 : i32
      %dma_wait3A_382 = arith.constant 0 : i32
      %dma_wait3A_383 = arith.constant 0 : i32
      %dma_wait3A_384 = tpu.memref_slice %arg3[%arg0, %arg1, %add3A_381, %dma_wait3A_382, %dma_wait3A_383] : memref<2x16x12x16x128xi32, #tpu.memory_space<hbm>> -> memref<1x1x1x16x128xi32, #tpu.memory_space<hbm>>
      %dma_wait3A_385 = tpu.memref_squeeze %dma_wait3A_384 : memref<1x1x1x16x128xi32, #tpu.memory_space<hbm>> -> memref<16x128xi32, #tpu.memory_space<hbm>>
      %dma_wait3A_386 = arith.constant 0 : i32
      %dma_wait3A_387 = arith.constant 0 : i32
      %dma_wait3A_388 = tpu.memref_slice %arg3[%arg0, %arg1, %add3A_381, %dma_wait3A_386, %dma_wait3A_387] : memref<2x16x12x16x128xi32, #tpu.memory_space<hbm>> -> memref<1x1x1x16x128xi32, #tpu.memory_space<hbm>>
      %dma_wait3A_389 = tpu.memref_squeeze %dma_wait3A_388 : memref<1x1x1x16x128xi32, #tpu.memory_space<hbm>> -> memref<16x128xi32, #tpu.memory_space<hbm>>
      tpu.wait_dma2 semaphore(%arg15 : memref<!tpu.dma_semaphore, #tpu.memory_space<semaphore_mem>>) src(%dma_wait3A_389 : memref<16x128xi32, #tpu.memory_space<hbm>>) dst(%arg6 : memref<16x128xi32, #tpu.memory_space<vmem>>)
      %dma_wait3A_390 = arith.constant 0 : i32
      %dma_wait3A_391 = arith.constant 0 : i32
      %dma_wait3A_392 = tpu.memref_slice %arg4[%arg1, %add3A_381, %dma_wait3A_390, %dma_wait3A_391] : memref<16x12x16x128xi32, #tpu.memory_space<hbm>> -> memref<1x1x16x128xi32, #tpu.memory_space<hbm>>
      %dma_wait3A_393 = tpu.memref_squeeze %dma_wait3A_392 : memref<1x1x16x128xi32, #tpu.memory_space<hbm>> -> memref<16x128xi32, #tpu.memory_space<hbm>>
      %dma_wait3A_394 = arith.constant 0 : i32
      %dma_wait3A_395 = arith.constant 0 : i32
      %dma_wait3A_396 = tpu.memref_slice %arg4[%arg1, %add3A_381, %dma_wait3A_394, %dma_wait3A_395] : memref<16x12x16x128xi32, #tpu.memory_space<hbm>> -> memref<1x1x16x128xi32, #tpu.memory_space<hbm>>
      %dma_wait3A_397 = tpu.memref_squeeze %dma_wait3A_396 : memref<1x1x16x128xi32, #tpu.memory_space<hbm>> -> memref<16x128xi32, #tpu.memory_space<hbm>>
      tpu.wait_dma2 semaphore(%arg15 : memref<!tpu.dma_semaphore, #tpu.memory_space<semaphore_mem>>) src(%dma_wait3A_397 : memref<16x128xi32, #tpu.memory_space<hbm>>) dst(%arg8 : memref<16x128xi32, #tpu.memory_space<vmem>>)
      %dma_wait3A_398 = arith.constant 0 : i32
      %dma_wait3A_399 = arith.constant 0 : i32
      %dma_wait3A_400 = tpu.memref_slice %arg7[%dma_wait3A_398, %dma_wait3A_399] : memref<16x128xi32, #tpu.memory_space<vmem>> -> memref<1x128xi32, #tpu.memory_space<vmem>>
      %dma_wait3A_401 = tpu.memref_squeeze %dma_wait3A_400 : memref<1x128xi32, #tpu.memory_space<vmem>> -> memref<128xi32, #tpu.memory_space<vmem>>
      %dma_wait3A_402 = arith.constant 0 : i32
      %dma_wait3A_403 = arith.constant 0 : i32
      %dma_wait3A_404 = tpu.memref_slice %arg2[%dma_wait3A_402, %dma_wait3A_403] : memref<20000x128xf32, #tpu.memory_space<hbm>> -> memref<20000x128xf32, #tpu.memory_space<hbm>>
      tpu.wait_indirect_dma semaphore(%arg13 : memref<!tpu.dma_semaphore, #tpu.memory_space<semaphore_mem>>) src(%dma_wait3A_404 : memref<20000x128xf32, #tpu.memory_space<hbm>>) dst(%arg10 : memref<128x128xf32, #tpu.memory_space<vmem>>)
      %run_scoped3A_405 = arith.constant 0 : i32
      "tpu.region"() ({
        %run_scoped3A_656 = tpu.sem_alloc : memref<!tpu.dma_semaphore, #tpu.memory_space<semaphore_mem>>
        %dma_start3A_657 = arith.constant 0 : i32
        %dma_start3A_658 = tpu.memref_slice %arg9[%run_scoped3A_405, %dma_start3A_657] : memref<16x128xi32, #tpu.memory_space<vmem>> -> memref<1x128xi32, #tpu.memory_space<vmem>>
        %dma_start3A_659 = tpu.memref_squeeze %dma_start3A_658 : memref<1x128xi32, #tpu.memory_space<vmem>> -> memref<128xi32, #tpu.memory_space<vmem>>
        %dma_start3A_660 = arith.constant 0 : i32
        %dma_start3A_661 = arith.constant 0 : i32
        %dma_start3A_662 = tpu.memref_slice %arg12[%dma_start3A_660, %dma_start3A_661] : memref<10016x128xf32, #tpu.memory_space<vmem_shared>> -> memref<10016x128xf32, #tpu.memory_space<vmem_shared>>
        tpu.enqueue_indirect_dma source(%arg10 : memref<128x128xf32, #tpu.memory_space<vmem>>) target(%dma_start3A_662 : memref<10016x128xf32, #tpu.memory_space<vmem_shared>>) offsets(%dma_start3A_659 : memref<128xi32, #tpu.memory_space<vmem>>) semaphore(%run_scoped3A_656 : memref<!tpu.dma_semaphore, #tpu.memory_space<semaphore_mem>>) {add = true}
        %dma_wait3A_663 = arith.constant 0 : i32
        %dma_wait3A_664 = tpu.memref_slice %arg9[%run_scoped3A_405, %dma_wait3A_663] : memref<16x128xi32, #tpu.memory_space<vmem>> -> memref<1x128xi32, #tpu.memory_space<vmem>>
        %dma_wait3A_665 = tpu.memref_squeeze %dma_wait3A_664 : memref<1x128xi32, #tpu.memory_space<vmem>> -> memref<128xi32, #tpu.memory_space<vmem>>
        %dma_wait3A_666 = arith.constant 0 : i32
        %dma_wait3A_667 = arith.constant 0 : i32
        %dma_wait3A_668 = tpu.memref_slice %arg12[%dma_wait3A_666, %dma_wait3A_667] : memref<10016x128xf32, #tpu.memory_space<vmem_shared>> -> memref<10016x128xf32, #tpu.memory_space<vmem_shared>>
        tpu.wait_indirect_dma semaphore(%run_scoped3A_656 : memref<!tpu.dma_semaphore, #tpu.memory_space<semaphore_mem>>) src(%arg10 : memref<128x128xf32, #tpu.memory_space<vmem>>) dst(%dma_wait3A_668 : memref<10016x128xf32, #tpu.memory_space<vmem_shared>>)
        tpu.yield
      }) : () -> ()
      %dma_start3A_406 = arith.constant 2 : i32
      %dma_start3A_407 = arith.constant 0 : i32
      %dma_start3A_408 = tpu.memref_slice %arg7[%dma_start3A_406, %dma_start3A_407] : memref<16x128xi32, #tpu.memory_space<vmem>> -> memref<1x128xi32, #tpu.memory_space<vmem>>
      %dma_start3A_409 = tpu.memref_squeeze %dma_start3A_408 : memref<1x128xi32, #tpu.memory_space<vmem>> -> memref<128xi32, #tpu.memory_space<vmem>>
      %dma_start3A_410 = arith.constant 0 : i32
      %dma_start3A_411 = arith.constant 0 : i32
      %dma_start3A_412 = tpu.memref_slice %arg2[%dma_start3A_410, %dma_start3A_411] : memref<20000x128xf32, #tpu.memory_space<hbm>> -> memref<20000x128xf32, #tpu.memory_space<hbm>>
      tpu.enqueue_indirect_dma source(%dma_start3A_412 : memref<20000x128xf32, #tpu.memory_space<hbm>>) target(%arg10 : memref<128x128xf32, #tpu.memory_space<vmem>>) offsets(%dma_start3A_409 : memref<128xi32, #tpu.memory_space<vmem>>) semaphore(%arg13 : memref<!tpu.dma_semaphore, #tpu.memory_space<semaphore_mem>>)
      %dma_wait3A_413 = arith.constant 1 : i32
      %dma_wait3A_414 = arith.constant 0 : i32
      %dma_wait3A_415 = tpu.memref_slice %arg7[%dma_wait3A_413, %dma_wait3A_414] : memref<16x128xi32, #tpu.memory_space<vmem>> -> memref<1x128xi32, #tpu.memory_space<vmem>>
      %dma_wait3A_416 = tpu.memref_squeeze %dma_wait3A_415 : memref<1x128xi32, #tpu.memory_space<vmem>> -> memref<128xi32, #tpu.memory_space<vmem>>
      %dma_wait3A_417 = arith.constant 0 : i32
      %dma_wait3A_418 = arith.constant 0 : i32
      %dma_wait3A_419 = tpu.memref_slice %arg2[%dma_wait3A_417, %dma_wait3A_418] : memref<20000x128xf32, #tpu.memory_space<hbm>> -> memref<20000x128xf32, #tpu.memory_space<hbm>>
      tpu.wait_indirect_dma semaphore(%arg14 : memref<!tpu.dma_semaphore, #tpu.memory_space<semaphore_mem>>) src(%dma_wait3A_419 : memref<20000x128xf32, #tpu.memory_space<hbm>>) dst(%arg11 : memref<128x128xf32, #tpu.memory_space<vmem>>)
      %run_scoped3A_420 = arith.constant 1 : i32
      "tpu.region"() ({
        %run_scoped3A_656 = tpu.sem_alloc : memref<!tpu.dma_semaphore, #tpu.memory_space<semaphore_mem>>
        %dma_start3A_657 = arith.constant 0 : i32
        %dma_start3A_658 = tpu.memref_slice %arg9[%run_scoped3A_420, %dma_start3A_657] : memref<16x128xi32, #tpu.memory_space<vmem>> -> memref<1x128xi32, #tpu.memory_space<vmem>>
        %dma_start3A_659 = tpu.memref_squeeze %dma_start3A_658 : memref<1x128xi32, #tpu.memory_space<vmem>> -> memref<128xi32, #tpu.memory_space<vmem>>
        %dma_start3A_660 = arith.constant 0 : i32
        %dma_start3A_661 = arith.constant 0 : i32
        %dma_start3A_662 = tpu.memref_slice %arg12[%dma_start3A_660, %dma_start3A_661] : memref<10016x128xf32, #tpu.memory_space<vmem_shared>> -> memref<10016x128xf32, #tpu.memory_space<vmem_shared>>
        tpu.enqueue_indirect_dma source(%arg11 : memref<128x128xf32, #tpu.memory_space<vmem>>) target(%dma_start3A_662 : memref<10016x128xf32, #tpu.memory_space<vmem_shared>>) offsets(%dma_start3A_659 : memref<128xi32, #tpu.memory_space<vmem>>) semaphore(%run_scoped3A_656 : memref<!tpu.dma_semaphore, #tpu.memory_space<semaphore_mem>>) {add = true}
        %dma_wait3A_663 = arith.constant 0 : i32
        %dma_wait3A_664 = tpu.memref_slice %arg9[%run_scoped3A_420, %dma_wait3A_663] : memref<16x128xi32, #tpu.memory_space<vmem>> -> memref<1x128xi32, #tpu.memory_space<vmem>>
        %dma_wait3A_665 = tpu.memref_squeeze %dma_wait3A_664 : memref<1x128xi32, #tpu.memory_space<vmem>> -> memref<128xi32, #tpu.memory_space<vmem>>
        %dma_wait3A_666 = arith.constant 0 : i32
        %dma_wait3A_667 = arith.constant 0 : i32
        %dma_wait3A_668 = tpu.memref_slice %arg12[%dma_wait3A_666, %dma_wait3A_667] : memref<10016x128xf32, #tpu.memory_space<vmem_shared>> -> memref<10016x128xf32, #tpu.memory_space<vmem_shared>>
        tpu.wait_indirect_dma semaphore(%run_scoped3A_656 : memref<!tpu.dma_semaphore, #tpu.memory_space<semaphore_mem>>) src(%arg11 : memref<128x128xf32, #tpu.memory_space<vmem>>) dst(%dma_wait3A_668 : memref<10016x128xf32, #tpu.memory_space<vmem_shared>>)
        tpu.yield
      }) : () -> ()
      %dma_start3A_421 = arith.constant 3 : i32
      %dma_start3A_422 = arith.constant 0 : i32
      %dma_start3A_423 = tpu.memref_slice %arg7[%dma_start3A_421, %dma_start3A_422] : memref<16x128xi32, #tpu.memory_space<vmem>> -> memref<1x128xi32, #tpu.memory_space<vmem>>
      %dma_start3A_424 = tpu.memref_squeeze %dma_start3A_423 : memref<1x128xi32, #tpu.memory_space<vmem>> -> memref<128xi32, #tpu.memory_space<vmem>>
      %dma_start3A_425 = arith.constant 0 : i32
      %dma_start3A_426 = arith.constant 0 : i32
      %dma_start3A_427 = tpu.memref_slice %arg2[%dma_start3A_425, %dma_start3A_426] : memref<20000x128xf32, #tpu.memory_space<hbm>> -> memref<20000x128xf32, #tpu.memory_space<hbm>>
      tpu.enqueue_indirect_dma source(%dma_start3A_427 : memref<20000x128xf32, #tpu.memory_space<hbm>>) target(%arg11 : memref<128x128xf32, #tpu.memory_space<vmem>>) offsets(%dma_start3A_424 : memref<128xi32, #tpu.memory_space<vmem>>) semaphore(%arg14 : memref<!tpu.dma_semaphore, #tpu.memory_space<semaphore_mem>>)
      %dma_wait3A_428 = arith.constant 2 : i32
      %dma_wait3A_429 = arith.constant 0 : i32
      %dma_wait3A_430 = tpu.memref_slice %arg7[%dma_wait3A_428, %dma_wait3A_429] : memref<16x128xi32, #tpu.memory_space<vmem>> -> memref<1x128xi32, #tpu.memory_space<vmem>>
      %dma_wait3A_431 = tpu.memref_squeeze %dma_wait3A_430 : memref<1x128xi32, #tpu.memory_space<vmem>> -> memref<128xi32, #tpu.memory_space<vmem>>
      %dma_wait3A_432 = arith.constant 0 : i32
      %dma_wait3A_433 = arith.constant 0 : i32
      %dma_wait3A_434 = tpu.memref_slice %arg2[%dma_wait3A_432, %dma_wait3A_433] : memref<20000x128xf32, #tpu.memory_space<hbm>> -> memref<20000x128xf32, #tpu.memory_space<hbm>>
      tpu.wait_indirect_dma semaphore(%arg13 : memref<!tpu.dma_semaphore, #tpu.memory_space<semaphore_mem>>) src(%dma_wait3A_434 : memref<20000x128xf32, #tpu.memory_space<hbm>>) dst(%arg10 : memref<128x128xf32, #tpu.memory_space<vmem>>)
      %run_scoped3A_435 = arith.constant 2 : i32
      "tpu.region"() ({
        %run_scoped3A_656 = tpu.sem_alloc : memref<!tpu.dma_semaphore, #tpu.memory_space<semaphore_mem>>
        %dma_start3A_657 = arith.constant 0 : i32
        %dma_start3A_658 = tpu.memref_slice %arg9[%run_scoped3A_435, %dma_start3A_657] : memref<16x128xi32, #tpu.memory_space<vmem>> -> memref<1x128xi32, #tpu.memory_space<vmem>>
        %dma_start3A_659 = tpu.memref_squeeze %dma_start3A_658 : memref<1x128xi32, #tpu.memory_space<vmem>> -> memref<128xi32, #tpu.memory_space<vmem>>
        %dma_start3A_660 = arith.constant 0 : i32
        %dma_start3A_661 = arith.constant 0 : i32
        %dma_start3A_662 = tpu.memref_slice %arg12[%dma_start3A_660, %dma_start3A_661] : memref<10016x128xf32, #tpu.memory_space<vmem_shared>> -> memref<10016x128xf32, #tpu.memory_space<vmem_shared>>
        tpu.enqueue_indirect_dma source(%arg10 : memref<128x128xf32, #tpu.memory_space<vmem>>) target(%dma_start3A_662 : memref<10016x128xf32, #tpu.memory_space<vmem_shared>>) offsets(%dma_start3A_659 : memref<128xi32, #tpu.memory_space<vmem>>) semaphore(%run_scoped3A_656 : memref<!tpu.dma_semaphore, #tpu.memory_space<semaphore_mem>>) {add = true}
        %dma_wait3A_663 = arith.constant 0 : i32
        %dma_wait3A_664 = tpu.memref_slice %arg9[%run_scoped3A_435, %dma_wait3A_663] : memref<16x128xi32, #tpu.memory_space<vmem>> -> memref<1x128xi32, #tpu.memory_space<vmem>>
        %dma_wait3A_665 = tpu.memref_squeeze %dma_wait3A_664 : memref<1x128xi32, #tpu.memory_space<vmem>> -> memref<128xi32, #tpu.memory_space<vmem>>
        %dma_wait3A_666 = arith.constant 0 : i32
        %dma_wait3A_667 = arith.constant 0 : i32
        %dma_wait3A_668 = tpu.memref_slice %arg12[%dma_wait3A_666, %dma_wait3A_667] : memref<10016x128xf32, #tpu.memory_space<vmem_shared>> -> memref<10016x128xf32, #tpu.memory_space<vmem_shared>>
        tpu.wait_indirect_dma semaphore(%run_scoped3A_656 : memref<!tpu.dma_semaphore, #tpu.memory_space<semaphore_mem>>) src(%arg10 : memref<128x128xf32, #tpu.memory_space<vmem>>) dst(%dma_wait3A_668 : memref<10016x128xf32, #tpu.memory_space<vmem_shared>>)
        tpu.yield
      }) : () -> ()
      %dma_start3A_436 = arith.constant 4 : i32
      %dma_start3A_437 = arith.constant 0 : i32
      %dma_start3A_438 = tpu.memref_slice %arg7[%dma_start3A_436, %dma_start3A_437] : memref<16x128xi32, #tpu.memory_space<vmem>> -> memref<1x128xi32, #tpu.memory_space<vmem>>
      %dma_start3A_439 = tpu.memref_squeeze %dma_start3A_438 : memref<1x128xi32, #tpu.memory_space<vmem>> -> memref<128xi32, #tpu.memory_space<vmem>>
      %dma_start3A_440 = arith.constant 0 : i32
      %dma_start3A_441 = arith.constant 0 : i32
      %dma_start3A_442 = tpu.memref_slice %arg2[%dma_start3A_440, %dma_start3A_441] : memref<20000x128xf32, #tpu.memory_space<hbm>> -> memref<20000x128xf32, #tpu.memory_space<hbm>>
      tpu.enqueue_indirect_dma source(%dma_start3A_442 : memref<20000x128xf32, #tpu.memory_space<hbm>>) target(%arg10 : memref<128x128xf32, #tpu.memory_space<vmem>>) offsets(%dma_start3A_439 : memref<128xi32, #tpu.memory_space<vmem>>) semaphore(%arg13 : memref<!tpu.dma_semaphore, #tpu.memory_space<semaphore_mem>>)
      %dma_wait3A_443 = arith.constant 3 : i32
      %dma_wait3A_444 = arith.constant 0 : i32
      %dma_wait3A_445 = tpu.memref_slice %arg7[%dma_wait3A_443, %dma_wait3A_444] : memref<16x128xi32, #tpu.memory_space<vmem>> -> memref<1x128xi32, #tpu.memory_space<vmem>>
      %dma_wait3A_446 = tpu.memref_squeeze %dma_wait3A_445 : memref<1x128xi32, #tpu.memory_space<vmem>> -> memref<128xi32, #tpu.memory_space<vmem>>
      %dma_wait3A_447 = arith.constant 0 : i32
      %dma_wait3A_448 = arith.constant 0 : i32
      %dma_wait3A_449 = tpu.memref_slice %arg2[%dma_wait3A_447, %dma_wait3A_448] : memref<20000x128xf32, #tpu.memory_space<hbm>> -> memref<20000x128xf32, #tpu.memory_space<hbm>>
      tpu.wait_indirect_dma semaphore(%arg14 : memref<!tpu.dma_semaphore, #tpu.memory_space<semaphore_mem>>) src(%dma_wait3A_449 : memref<20000x128xf32, #tpu.memory_space<hbm>>) dst(%arg11 : memref<128x128xf32, #tpu.memory_space<vmem>>)
      %run_scoped3A_450 = arith.constant 3 : i32
      "tpu.region"() ({
        %run_scoped3A_656 = tpu.sem_alloc : memref<!tpu.dma_semaphore, #tpu.memory_space<semaphore_mem>>
        %dma_start3A_657 = arith.constant 0 : i32
        %dma_start3A_658 = tpu.memref_slice %arg9[%run_scoped3A_450, %dma_start3A_657] : memref<16x128xi32, #tpu.memory_space<vmem>> -> memref<1x128xi32, #tpu.memory_space<vmem>>
        %dma_start3A_659 = tpu.memref_squeeze %dma_start3A_658 : memref<1x128xi32, #tpu.memory_space<vmem>> -> memref<128xi32, #tpu.memory_space<vmem>>
        %dma_start3A_660 = arith.constant 0 : i32
        %dma_start3A_661 = arith.constant 0 : i32
        %dma_start3A_662 = tpu.memref_slice %arg12[%dma_start3A_660, %dma_start3A_661] : memref<10016x128xf32, #tpu.memory_space<vmem_shared>> -> memref<10016x128xf32, #tpu.memory_space<vmem_shared>>
        tpu.enqueue_indirect_dma source(%arg11 : memref<128x128xf32, #tpu.memory_space<vmem>>) target(%dma_start3A_662 : memref<10016x128xf32, #tpu.memory_space<vmem_shared>>) offsets(%dma_start3A_659 : memref<128xi32, #tpu.memory_space<vmem>>) semaphore(%run_scoped3A_656 : memref<!tpu.dma_semaphore, #tpu.memory_space<semaphore_mem>>) {add = true}
        %dma_wait3A_663 = arith.constant 0 : i32
        %dma_wait3A_664 = tpu.memref_slice %arg9[%run_scoped3A_450, %dma_wait3A_663] : memref<16x128xi32, #tpu.memory_space<vmem>> -> memref<1x128xi32, #tpu.memory_space<vmem>>
        %dma_wait3A_665 = tpu.memref_squeeze %dma_wait3A_664 : memref<1x128xi32, #tpu.memory_space<vmem>> -> memref<128xi32, #tpu.memory_space<vmem>>
        %dma_wait3A_666 = arith.constant 0 : i32
        %dma_wait3A_667 = arith.constant 0 : i32
        %dma_wait3A_668 = tpu.memref_slice %arg12[%dma_wait3A_666, %dma_wait3A_667] : memref<10016x128xf32, #tpu.memory_space<vmem_shared>> -> memref<10016x128xf32, #tpu.memory_space<vmem_shared>>
        tpu.wait_indirect_dma semaphore(%run_scoped3A_656 : memref<!tpu.dma_semaphore, #tpu.memory_space<semaphore_mem>>) src(%arg11 : memref<128x128xf32, #tpu.memory_space<vmem>>) dst(%dma_wait3A_668 : memref<10016x128xf32, #tpu.memory_space<vmem_shared>>)
        tpu.yield
      }) : () -> ()
      %dma_start3A_451 = arith.constant 5 : i32
      %dma_start3A_452 = arith.constant 0 : i32
      %dma_start3A_453 = tpu.memref_slice %arg7[%dma_start3A_451, %dma_start3A_452] : memref<16x128xi32, #tpu.memory_space<vmem>> -> memref<1x128xi32, #tpu.memory_space<vmem>>
      %dma_start3A_454 = tpu.memref_squeeze %dma_start3A_453 : memref<1x128xi32, #tpu.memory_space<vmem>> -> memref<128xi32, #tpu.memory_space<vmem>>
      %dma_start3A_455 = arith.constant 0 : i32
      %dma_start3A_456 = arith.constant 0 : i32
      %dma_start3A_457 = tpu.memref_slice %arg2[%dma_start3A_455, %dma_start3A_456] : memref<20000x128xf32, #tpu.memory_space<hbm>> -> memref<20000x128xf32, #tpu.memory_space<hbm>>
      tpu.enqueue_indirect_dma source(%dma_start3A_457 : memref<20000x128xf32, #tpu.memory_space<hbm>>) target(%arg11 : memref<128x128xf32, #tpu.memory_space<vmem>>) offsets(%dma_start3A_454 : memref<128xi32, #tpu.memory_space<vmem>>) semaphore(%arg14 : memref<!tpu.dma_semaphore, #tpu.memory_space<semaphore_mem>>)
      %dma_wait3A_458 = arith.constant 4 : i32
      %dma_wait3A_459 = arith.constant 0 : i32
      %dma_wait3A_460 = tpu.memref_slice %arg7[%dma_wait3A_458, %dma_wait3A_459] : memref<16x128xi32, #tpu.memory_space<vmem>> -> memref<1x128xi32, #tpu.memory_space<vmem>>
      %dma_wait3A_461 = tpu.memref_squeeze %dma_wait3A_460 : memref<1x128xi32, #tpu.memory_space<vmem>> -> memref<128xi32, #tpu.memory_space<vmem>>
      %dma_wait3A_462 = arith.constant 0 : i32
      %dma_wait3A_463 = arith.constant 0 : i32
      %dma_wait3A_464 = tpu.memref_slice %arg2[%dma_wait3A_462, %dma_wait3A_463] : memref<20000x128xf32, #tpu.memory_space<hbm>> -> memref<20000x128xf32, #tpu.memory_space<hbm>>
      tpu.wait_indirect_dma semaphore(%arg13 : memref<!tpu.dma_semaphore, #tpu.memory_space<semaphore_mem>>) src(%dma_wait3A_464 : memref<20000x128xf32, #tpu.memory_space<hbm>>) dst(%arg10 : memref<128x128xf32, #tpu.memory_space<vmem>>)
      %run_scoped3A_465 = arith.constant 4 : i32
      "tpu.region"() ({
        %run_scoped3A_656 = tpu.sem_alloc : memref<!tpu.dma_semaphore, #tpu.memory_space<semaphore_mem>>
        %dma_start3A_657 = arith.constant 0 : i32
        %dma_start3A_658 = tpu.memref_slice %arg9[%run_scoped3A_465, %dma_start3A_657] : memref<16x128xi32, #tpu.memory_space<vmem>> -> memref<1x128xi32, #tpu.memory_space<vmem>>
        %dma_start3A_659 = tpu.memref_squeeze %dma_start3A_658 : memref<1x128xi32, #tpu.memory_space<vmem>> -> memref<128xi32, #tpu.memory_space<vmem>>
        %dma_start3A_660 = arith.constant 0 : i32
        %dma_start3A_661 = arith.constant 0 : i32
        %dma_start3A_662 = tpu.memref_slice %arg12[%dma_start3A_660, %dma_start3A_661] : memref<10016x128xf32, #tpu.memory_space<vmem_shared>> -> memref<10016x128xf32, #tpu.memory_space<vmem_shared>>
        tpu.enqueue_indirect_dma source(%arg10 : memref<128x128xf32, #tpu.memory_space<vmem>>) target(%dma_start3A_662 : memref<10016x128xf32, #tpu.memory_space<vmem_shared>>) offsets(%dma_start3A_659 : memref<128xi32, #tpu.memory_space<vmem>>) semaphore(%run_scoped3A_656 : memref<!tpu.dma_semaphore, #tpu.memory_space<semaphore_mem>>) {add = true}
        %dma_wait3A_663 = arith.constant 0 : i32
        %dma_wait3A_664 = tpu.memref_slice %arg9[%run_scoped3A_465, %dma_wait3A_663] : memref<16x128xi32, #tpu.memory_space<vmem>> -> memref<1x128xi32, #tpu.memory_space<vmem>>
        %dma_wait3A_665 = tpu.memref_squeeze %dma_wait3A_664 : memref<1x128xi32, #tpu.memory_space<vmem>> -> memref<128xi32, #tpu.memory_space<vmem>>
        %dma_wait3A_666 = arith.constant 0 : i32
        %dma_wait3A_667 = arith.constant 0 : i32
        %dma_wait3A_668 = tpu.memref_slice %arg12[%dma_wait3A_666, %dma_wait3A_667] : memref<10016x128xf32, #tpu.memory_space<vmem_shared>> -> memref<10016x128xf32, #tpu.memory_space<vmem_shared>>
        tpu.wait_indirect_dma semaphore(%run_scoped3A_656 : memref<!tpu.dma_semaphore, #tpu.memory_space<semaphore_mem>>) src(%arg10 : memref<128x128xf32, #tpu.memory_space<vmem>>) dst(%dma_wait3A_668 : memref<10016x128xf32, #tpu.memory_space<vmem_shared>>)
        tpu.yield
      }) : () -> ()
      %dma_start3A_466 = arith.constant 6 : i32
      %dma_start3A_467 = arith.constant 0 : i32
      %dma_start3A_468 = tpu.memref_slice %arg7[%dma_start3A_466, %dma_start3A_467] : memref<16x128xi32, #tpu.memory_space<vmem>> -> memref<1x128xi32, #tpu.memory_space<vmem>>
      %dma_start3A_469 = tpu.memref_squeeze %dma_start3A_468 : memref<1x128xi32, #tpu.memory_space<vmem>> -> memref<128xi32, #tpu.memory_space<vmem>>
      %dma_start3A_470 = arith.constant 0 : i32
      %dma_start3A_471 = arith.constant 0 : i32
      %dma_start3A_472 = tpu.memref_slice %arg2[%dma_start3A_470, %dma_start3A_471] : memref<20000x128xf32, #tpu.memory_space<hbm>> -> memref<20000x128xf32, #tpu.memory_space<hbm>>
      tpu.enqueue_indirect_dma source(%dma_start3A_472 : memref<20000x128xf32, #tpu.memory_space<hbm>>) target(%arg10 : memref<128x128xf32, #tpu.memory_space<vmem>>) offsets(%dma_start3A_469 : memref<128xi32, #tpu.memory_space<vmem>>) semaphore(%arg13 : memref<!tpu.dma_semaphore, #tpu.memory_space<semaphore_mem>>)
      %dma_wait3A_473 = arith.constant 5 : i32
      %dma_wait3A_474 = arith.constant 0 : i32
      %dma_wait3A_475 = tpu.memref_slice %arg7[%dma_wait3A_473, %dma_wait3A_474] : memref<16x128xi32, #tpu.memory_space<vmem>> -> memref<1x128xi32, #tpu.memory_space<vmem>>
      %dma_wait3A_476 = tpu.memref_squeeze %dma_wait3A_475 : memref<1x128xi32, #tpu.memory_space<vmem>> -> memref<128xi32, #tpu.memory_space<vmem>>
      %dma_wait3A_477 = arith.constant 0 : i32
      %dma_wait3A_478 = arith.constant 0 : i32
      %dma_wait3A_479 = tpu.memref_slice %arg2[%dma_wait3A_477, %dma_wait3A_478] : memref<20000x128xf32, #tpu.memory_space<hbm>> -> memref<20000x128xf32, #tpu.memory_space<hbm>>
      tpu.wait_indirect_dma semaphore(%arg14 : memref<!tpu.dma_semaphore, #tpu.memory_space<semaphore_mem>>) src(%dma_wait3A_479 : memref<20000x128xf32, #tpu.memory_space<hbm>>) dst(%arg11 : memref<128x128xf32, #tpu.memory_space<vmem>>)
      %run_scoped3A_480 = arith.constant 5 : i32
      "tpu.region"() ({
        %run_scoped3A_656 = tpu.sem_alloc : memref<!tpu.dma_semaphore, #tpu.memory_space<semaphore_mem>>
        %dma_start3A_657 = arith.constant 0 : i32
        %dma_start3A_658 = tpu.memref_slice %arg9[%run_scoped3A_480, %dma_start3A_657] : memref<16x128xi32, #tpu.memory_space<vmem>> -> memref<1x128xi32, #tpu.memory_space<vmem>>
        %dma_start3A_659 = tpu.memref_squeeze %dma_start3A_658 : memref<1x128xi32, #tpu.memory_space<vmem>> -> memref<128xi32, #tpu.memory_space<vmem>>
        %dma_start3A_660 = arith.constant 0 : i32
        %dma_start3A_661 = arith.constant 0 : i32
        %dma_start3A_662 = tpu.memref_slice %arg12[%dma_start3A_660, %dma_start3A_661] : memref<10016x128xf32, #tpu.memory_space<vmem_shared>> -> memref<10016x128xf32, #tpu.memory_space<vmem_shared>>
        tpu.enqueue_indirect_dma source(%arg11 : memref<128x128xf32, #tpu.memory_space<vmem>>) target(%dma_start3A_662 : memref<10016x128xf32, #tpu.memory_space<vmem_shared>>) offsets(%dma_start3A_659 : memref<128xi32, #tpu.memory_space<vmem>>) semaphore(%run_scoped3A_656 : memref<!tpu.dma_semaphore, #tpu.memory_space<semaphore_mem>>) {add = true}
        %dma_wait3A_663 = arith.constant 0 : i32
        %dma_wait3A_664 = tpu.memref_slice %arg9[%run_scoped3A_480, %dma_wait3A_663] : memref<16x128xi32, #tpu.memory_space<vmem>> -> memref<1x128xi32, #tpu.memory_space<vmem>>
        %dma_wait3A_665 = tpu.memref_squeeze %dma_wait3A_664 : memref<1x128xi32, #tpu.memory_space<vmem>> -> memref<128xi32, #tpu.memory_space<vmem>>
        %dma_wait3A_666 = arith.constant 0 : i32
        %dma_wait3A_667 = arith.constant 0 : i32
        %dma_wait3A_668 = tpu.memref_slice %arg12[%dma_wait3A_666, %dma_wait3A_667] : memref<10016x128xf32, #tpu.memory_space<vmem_shared>> -> memref<10016x128xf32, #tpu.memory_space<vmem_shared>>
        tpu.wait_indirect_dma semaphore(%run_scoped3A_656 : memref<!tpu.dma_semaphore, #tpu.memory_space<semaphore_mem>>) src(%arg11 : memref<128x128xf32, #tpu.memory_space<vmem>>) dst(%dma_wait3A_668 : memref<10016x128xf32, #tpu.memory_space<vmem_shared>>)
        tpu.yield
      }) : () -> ()
      %dma_start3A_481 = arith.constant 7 : i32
      %dma_start3A_482 = arith.constant 0 : i32
      %dma_start3A_483 = tpu.memref_slice %arg7[%dma_start3A_481, %dma_start3A_482] : memref<16x128xi32, #tpu.memory_space<vmem>> -> memref<1x128xi32, #tpu.memory_space<vmem>>
      %dma_start3A_484 = tpu.memref_squeeze %dma_start3A_483 : memref<1x128xi32, #tpu.memory_space<vmem>> -> memref<128xi32, #tpu.memory_space<vmem>>
      %dma_start3A_485 = arith.constant 0 : i32
      %dma_start3A_486 = arith.constant 0 : i32
      %dma_start3A_487 = tpu.memref_slice %arg2[%dma_start3A_485, %dma_start3A_486] : memref<20000x128xf32, #tpu.memory_space<hbm>> -> memref<20000x128xf32, #tpu.memory_space<hbm>>
      tpu.enqueue_indirect_dma source(%dma_start3A_487 : memref<20000x128xf32, #tpu.memory_space<hbm>>) target(%arg11 : memref<128x128xf32, #tpu.memory_space<vmem>>) offsets(%dma_start3A_484 : memref<128xi32, #tpu.memory_space<vmem>>) semaphore(%arg14 : memref<!tpu.dma_semaphore, #tpu.memory_space<semaphore_mem>>)
      %dma_wait3A_488 = arith.constant 6 : i32
      %dma_wait3A_489 = arith.constant 0 : i32
      %dma_wait3A_490 = tpu.memref_slice %arg7[%dma_wait3A_488, %dma_wait3A_489] : memref<16x128xi32, #tpu.memory_space<vmem>> -> memref<1x128xi32, #tpu.memory_space<vmem>>
      %dma_wait3A_491 = tpu.memref_squeeze %dma_wait3A_490 : memref<1x128xi32, #tpu.memory_space<vmem>> -> memref<128xi32, #tpu.memory_space<vmem>>
      %dma_wait3A_492 = arith.constant 0 : i32
      %dma_wait3A_493 = arith.constant 0 : i32
      %dma_wait3A_494 = tpu.memref_slice %arg2[%dma_wait3A_492, %dma_wait3A_493] : memref<20000x128xf32, #tpu.memory_space<hbm>> -> memref<20000x128xf32, #tpu.memory_space<hbm>>
      tpu.wait_indirect_dma semaphore(%arg13 : memref<!tpu.dma_semaphore, #tpu.memory_space<semaphore_mem>>) src(%dma_wait3A_494 : memref<20000x128xf32, #tpu.memory_space<hbm>>) dst(%arg10 : memref<128x128xf32, #tpu.memory_space<vmem>>)
      %run_scoped3A_495 = arith.constant 6 : i32
      "tpu.region"() ({
        %run_scoped3A_656 = tpu.sem_alloc : memref<!tpu.dma_semaphore, #tpu.memory_space<semaphore_mem>>
        %dma_start3A_657 = arith.constant 0 : i32
        %dma_start3A_658 = tpu.memref_slice %arg9[%run_scoped3A_495, %dma_start3A_657] : memref<16x128xi32, #tpu.memory_space<vmem>> -> memref<1x128xi32, #tpu.memory_space<vmem>>
        %dma_start3A_659 = tpu.memref_squeeze %dma_start3A_658 : memref<1x128xi32, #tpu.memory_space<vmem>> -> memref<128xi32, #tpu.memory_space<vmem>>
        %dma_start3A_660 = arith.constant 0 : i32
        %dma_start3A_661 = arith.constant 0 : i32
        %dma_start3A_662 = tpu.memref_slice %arg12[%dma_start3A_660, %dma_start3A_661] : memref<10016x128xf32, #tpu.memory_space<vmem_shared>> -> memref<10016x128xf32, #tpu.memory_space<vmem_shared>>
        tpu.enqueue_indirect_dma source(%arg10 : memref<128x128xf32, #tpu.memory_space<vmem>>) target(%dma_start3A_662 : memref<10016x128xf32, #tpu.memory_space<vmem_shared>>) offsets(%dma_start3A_659 : memref<128xi32, #tpu.memory_space<vmem>>) semaphore(%run_scoped3A_656 : memref<!tpu.dma_semaphore, #tpu.memory_space<semaphore_mem>>) {add = true}
        %dma_wait3A_663 = arith.constant 0 : i32
        %dma_wait3A_664 = tpu.memref_slice %arg9[%run_scoped3A_495, %dma_wait3A_663] : memref<16x128xi32, #tpu.memory_space<vmem>> -> memref<1x128xi32, #tpu.memory_space<vmem>>
        %dma_wait3A_665 = tpu.memref_squeeze %dma_wait3A_664 : memref<1x128xi32, #tpu.memory_space<vmem>> -> memref<128xi32, #tpu.memory_space<vmem>>
        %dma_wait3A_666 = arith.constant 0 : i32
        %dma_wait3A_667 = arith.constant 0 : i32
        %dma_wait3A_668 = tpu.memref_slice %arg12[%dma_wait3A_666, %dma_wait3A_667] : memref<10016x128xf32, #tpu.memory_space<vmem_shared>> -> memref<10016x128xf32, #tpu.memory_space<vmem_shared>>
        tpu.wait_indirect_dma semaphore(%run_scoped3A_656 : memref<!tpu.dma_semaphore, #tpu.memory_space<semaphore_mem>>) src(%arg10 : memref<128x128xf32, #tpu.memory_space<vmem>>) dst(%dma_wait3A_668 : memref<10016x128xf32, #tpu.memory_space<vmem_shared>>)
        tpu.yield
      }) : () -> ()
      %dma_start3A_496 = arith.constant 8 : i32
      %dma_start3A_497 = arith.constant 0 : i32
      %dma_start3A_498 = tpu.memref_slice %arg7[%dma_start3A_496, %dma_start3A_497] : memref<16x128xi32, #tpu.memory_space<vmem>> -> memref<1x128xi32, #tpu.memory_space<vmem>>
      %dma_start3A_499 = tpu.memref_squeeze %dma_start3A_498 : memref<1x128xi32, #tpu.memory_space<vmem>> -> memref<128xi32, #tpu.memory_space<vmem>>
      %dma_start3A_500 = arith.constant 0 : i32
      %dma_start3A_501 = arith.constant 0 : i32
      %dma_start3A_502 = tpu.memref_slice %arg2[%dma_start3A_500, %dma_start3A_501] : memref<20000x128xf32, #tpu.memory_space<hbm>> -> memref<20000x128xf32, #tpu.memory_space<hbm>>
      tpu.enqueue_indirect_dma source(%dma_start3A_502 : memref<20000x128xf32, #tpu.memory_space<hbm>>) target(%arg10 : memref<128x128xf32, #tpu.memory_space<vmem>>) offsets(%dma_start3A_499 : memref<128xi32, #tpu.memory_space<vmem>>) semaphore(%arg13 : memref<!tpu.dma_semaphore, #tpu.memory_space<semaphore_mem>>)
      %dma_wait3A_503 = arith.constant 7 : i32
      %dma_wait3A_504 = arith.constant 0 : i32
      %dma_wait3A_505 = tpu.memref_slice %arg7[%dma_wait3A_503, %dma_wait3A_504] : memref<16x128xi32, #tpu.memory_space<vmem>> -> memref<1x128xi32, #tpu.memory_space<vmem>>
      %dma_wait3A_506 = tpu.memref_squeeze %dma_wait3A_505 : memref<1x128xi32, #tpu.memory_space<vmem>> -> memref<128xi32, #tpu.memory_space<vmem>>
      %dma_wait3A_507 = arith.constant 0 : i32
      %dma_wait3A_508 = arith.constant 0 : i32
      %dma_wait3A_509 = tpu.memref_slice %arg2[%dma_wait3A_507, %dma_wait3A_508] : memref<20000x128xf32, #tpu.memory_space<hbm>> -> memref<20000x128xf32, #tpu.memory_space<hbm>>
      tpu.wait_indirect_dma semaphore(%arg14 : memref<!tpu.dma_semaphore, #tpu.memory_space<semaphore_mem>>) src(%dma_wait3A_509 : memref<20000x128xf32, #tpu.memory_space<hbm>>) dst(%arg11 : memref<128x128xf32, #tpu.memory_space<vmem>>)
      %run_scoped3A_510 = arith.constant 7 : i32
      "tpu.region"() ({
        %run_scoped3A_656 = tpu.sem_alloc : memref<!tpu.dma_semaphore, #tpu.memory_space<semaphore_mem>>
        %dma_start3A_657 = arith.constant 0 : i32
        %dma_start3A_658 = tpu.memref_slice %arg9[%run_scoped3A_510, %dma_start3A_657] : memref<16x128xi32, #tpu.memory_space<vmem>> -> memref<1x128xi32, #tpu.memory_space<vmem>>
        %dma_start3A_659 = tpu.memref_squeeze %dma_start3A_658 : memref<1x128xi32, #tpu.memory_space<vmem>> -> memref<128xi32, #tpu.memory_space<vmem>>
        %dma_start3A_660 = arith.constant 0 : i32
        %dma_start3A_661 = arith.constant 0 : i32
        %dma_start3A_662 = tpu.memref_slice %arg12[%dma_start3A_660, %dma_start3A_661] : memref<10016x128xf32, #tpu.memory_space<vmem_shared>> -> memref<10016x128xf32, #tpu.memory_space<vmem_shared>>
        tpu.enqueue_indirect_dma source(%arg11 : memref<128x128xf32, #tpu.memory_space<vmem>>) target(%dma_start3A_662 : memref<10016x128xf32, #tpu.memory_space<vmem_shared>>) offsets(%dma_start3A_659 : memref<128xi32, #tpu.memory_space<vmem>>) semaphore(%run_scoped3A_656 : memref<!tpu.dma_semaphore, #tpu.memory_space<semaphore_mem>>) {add = true}
        %dma_wait3A_663 = arith.constant 0 : i32
        %dma_wait3A_664 = tpu.memref_slice %arg9[%run_scoped3A_510, %dma_wait3A_663] : memref<16x128xi32, #tpu.memory_space<vmem>> -> memref<1x128xi32, #tpu.memory_space<vmem>>
        %dma_wait3A_665 = tpu.memref_squeeze %dma_wait3A_664 : memref<1x128xi32, #tpu.memory_space<vmem>> -> memref<128xi32, #tpu.memory_space<vmem>>
        %dma_wait3A_666 = arith.constant 0 : i32
        %dma_wait3A_667 = arith.constant 0 : i32
        %dma_wait3A_668 = tpu.memref_slice %arg12[%dma_wait3A_666, %dma_wait3A_667] : memref<10016x128xf32, #tpu.memory_space<vmem_shared>> -> memref<10016x128xf32, #tpu.memory_space<vmem_shared>>
        tpu.wait_indirect_dma semaphore(%run_scoped3A_656 : memref<!tpu.dma_semaphore, #tpu.memory_space<semaphore_mem>>) src(%arg11 : memref<128x128xf32, #tpu.memory_space<vmem>>) dst(%dma_wait3A_668 : memref<10016x128xf32, #tpu.memory_space<vmem_shared>>)
        tpu.yield
      }) : () -> ()
      %dma_start3A_511 = arith.constant 9 : i32
      %dma_start3A_512 = arith.constant 0 : i32
      %dma_start3A_513 = tpu.memref_slice %arg7[%dma_start3A_511, %dma_start3A_512] : memref<16x128xi32, #tpu.memory_space<vmem>> -> memref<1x128xi32, #tpu.memory_space<vmem>>
      %dma_start3A_514 = tpu.memref_squeeze %dma_start3A_513 : memref<1x128xi32, #tpu.memory_space<vmem>> -> memref<128xi32, #tpu.memory_space<vmem>>
      %dma_start3A_515 = arith.constant 0 : i32
      %dma_start3A_516 = arith.constant 0 : i32
      %dma_start3A_517 = tpu.memref_slice %arg2[%dma_start3A_515, %dma_start3A_516] : memref<20000x128xf32, #tpu.memory_space<hbm>> -> memref<20000x128xf32, #tpu.memory_space<hbm>>
      tpu.enqueue_indirect_dma source(%dma_start3A_517 : memref<20000x128xf32, #tpu.memory_space<hbm>>) target(%arg11 : memref<128x128xf32, #tpu.memory_space<vmem>>) offsets(%dma_start3A_514 : memref<128xi32, #tpu.memory_space<vmem>>) semaphore(%arg14 : memref<!tpu.dma_semaphore, #tpu.memory_space<semaphore_mem>>)
      %dma_wait3A_518 = arith.constant 8 : i32
      %dma_wait3A_519 = arith.constant 0 : i32
      %dma_wait3A_520 = tpu.memref_slice %arg7[%dma_wait3A_518, %dma_wait3A_519] : memref<16x128xi32, #tpu.memory_space<vmem>> -> memref<1x128xi32, #tpu.memory_space<vmem>>
      %dma_wait3A_521 = tpu.memref_squeeze %dma_wait3A_520 : memref<1x128xi32, #tpu.memory_space<vmem>> -> memref<128xi32, #tpu.memory_space<vmem>>
      %dma_wait3A_522 = arith.constant 0 : i32
      %dma_wait3A_523 = arith.constant 0 : i32
      %dma_wait3A_524 = tpu.memref_slice %arg2[%dma_wait3A_522, %dma_wait3A_523] : memref<20000x128xf32, #tpu.memory_space<hbm>> -> memref<20000x128xf32, #tpu.memory_space<hbm>>
      tpu.wait_indirect_dma semaphore(%arg13 : memref<!tpu.dma_semaphore, #tpu.memory_space<semaphore_mem>>) src(%dma_wait3A_524 : memref<20000x128xf32, #tpu.memory_space<hbm>>) dst(%arg10 : memref<128x128xf32, #tpu.memory_space<vmem>>)
      %run_scoped3A_525 = arith.constant 8 : i32
      "tpu.region"() ({
        %run_scoped3A_656 = tpu.sem_alloc : memref<!tpu.dma_semaphore, #tpu.memory_space<semaphore_mem>>
        %dma_start3A_657 = arith.constant 0 : i32
        %dma_start3A_658 = tpu.memref_slice %arg9[%run_scoped3A_525, %dma_start3A_657] : memref<16x128xi32, #tpu.memory_space<vmem>> -> memref<1x128xi32, #tpu.memory_space<vmem>>
        %dma_start3A_659 = tpu.memref_squeeze %dma_start3A_658 : memref<1x128xi32, #tpu.memory_space<vmem>> -> memref<128xi32, #tpu.memory_space<vmem>>
        %dma_start3A_660 = arith.constant 0 : i32
        %dma_start3A_661 = arith.constant 0 : i32
        %dma_start3A_662 = tpu.memref_slice %arg12[%dma_start3A_660, %dma_start3A_661] : memref<10016x128xf32, #tpu.memory_space<vmem_shared>> -> memref<10016x128xf32, #tpu.memory_space<vmem_shared>>
        tpu.enqueue_indirect_dma source(%arg10 : memref<128x128xf32, #tpu.memory_space<vmem>>) target(%dma_start3A_662 : memref<10016x128xf32, #tpu.memory_space<vmem_shared>>) offsets(%dma_start3A_659 : memref<128xi32, #tpu.memory_space<vmem>>) semaphore(%run_scoped3A_656 : memref<!tpu.dma_semaphore, #tpu.memory_space<semaphore_mem>>) {add = true}
        %dma_wait3A_663 = arith.constant 0 : i32
        %dma_wait3A_664 = tpu.memref_slice %arg9[%run_scoped3A_525, %dma_wait3A_663] : memref<16x128xi32, #tpu.memory_space<vmem>> -> memref<1x128xi32, #tpu.memory_space<vmem>>
        %dma_wait3A_665 = tpu.memref_squeeze %dma_wait3A_664 : memref<1x128xi32, #tpu.memory_space<vmem>> -> memref<128xi32, #tpu.memory_space<vmem>>
        %dma_wait3A_666 = arith.constant 0 : i32
        %dma_wait3A_667 = arith.constant 0 : i32
        %dma_wait3A_668 = tpu.memref_slice %arg12[%dma_wait3A_666, %dma_wait3A_667] : memref<10016x128xf32, #tpu.memory_space<vmem_shared>> -> memref<10016x128xf32, #tpu.memory_space<vmem_shared>>
        tpu.wait_indirect_dma semaphore(%run_scoped3A_656 : memref<!tpu.dma_semaphore, #tpu.memory_space<semaphore_mem>>) src(%arg10 : memref<128x128xf32, #tpu.memory_space<vmem>>) dst(%dma_wait3A_668 : memref<10016x128xf32, #tpu.memory_space<vmem_shared>>)
        tpu.yield
      }) : () -> ()
      %dma_start3A_526 = arith.constant 10 : i32
      %dma_start3A_527 = arith.constant 0 : i32
      %dma_start3A_528 = tpu.memref_slice %arg7[%dma_start3A_526, %dma_start3A_527] : memref<16x128xi32, #tpu.memory_space<vmem>> -> memref<1x128xi32, #tpu.memory_space<vmem>>
      %dma_start3A_529 = tpu.memref_squeeze %dma_start3A_528 : memref<1x128xi32, #tpu.memory_space<vmem>> -> memref<128xi32, #tpu.memory_space<vmem>>
      %dma_start3A_530 = arith.constant 0 : i32
      %dma_start3A_531 = arith.constant 0 : i32
      %dma_start3A_532 = tpu.memref_slice %arg2[%dma_start3A_530, %dma_start3A_531] : memref<20000x128xf32, #tpu.memory_space<hbm>> -> memref<20000x128xf32, #tpu.memory_space<hbm>>
      tpu.enqueue_indirect_dma source(%dma_start3A_532 : memref<20000x128xf32, #tpu.memory_space<hbm>>) target(%arg10 : memref<128x128xf32, #tpu.memory_space<vmem>>) offsets(%dma_start3A_529 : memref<128xi32, #tpu.memory_space<vmem>>) semaphore(%arg13 : memref<!tpu.dma_semaphore, #tpu.memory_space<semaphore_mem>>)
      %dma_wait3A_533 = arith.constant 9 : i32
      %dma_wait3A_534 = arith.constant 0 : i32
      %dma_wait3A_535 = tpu.memref_slice %arg7[%dma_wait3A_533, %dma_wait3A_534] : memref<16x128xi32, #tpu.memory_space<vmem>> -> memref<1x128xi32, #tpu.memory_space<vmem>>
      %dma_wait3A_536 = tpu.memref_squeeze %dma_wait3A_535 : memref<1x128xi32, #tpu.memory_space<vmem>> -> memref<128xi32, #tpu.memory_space<vmem>>
      %dma_wait3A_537 = arith.constant 0 : i32
      %dma_wait3A_538 = arith.constant 0 : i32
      %dma_wait3A_539 = tpu.memref_slice %arg2[%dma_wait3A_537, %dma_wait3A_538] : memref<20000x128xf32, #tpu.memory_space<hbm>> -> memref<20000x128xf32, #tpu.memory_space<hbm>>
      tpu.wait_indirect_dma semaphore(%arg14 : memref<!tpu.dma_semaphore, #tpu.memory_space<semaphore_mem>>) src(%dma_wait3A_539 : memref<20000x128xf32, #tpu.memory_space<hbm>>) dst(%arg11 : memref<128x128xf32, #tpu.memory_space<vmem>>)
      %run_scoped3A_540 = arith.constant 9 : i32
      "tpu.region"() ({
        %run_scoped3A_656 = tpu.sem_alloc : memref<!tpu.dma_semaphore, #tpu.memory_space<semaphore_mem>>
        %dma_start3A_657 = arith.constant 0 : i32
        %dma_start3A_658 = tpu.memref_slice %arg9[%run_scoped3A_540, %dma_start3A_657] : memref<16x128xi32, #tpu.memory_space<vmem>> -> memref<1x128xi32, #tpu.memory_space<vmem>>
        %dma_start3A_659 = tpu.memref_squeeze %dma_start3A_658 : memref<1x128xi32, #tpu.memory_space<vmem>> -> memref<128xi32, #tpu.memory_space<vmem>>
        %dma_start3A_660 = arith.constant 0 : i32
        %dma_start3A_661 = arith.constant 0 : i32
        %dma_start3A_662 = tpu.memref_slice %arg12[%dma_start3A_660, %dma_start3A_661] : memref<10016x128xf32, #tpu.memory_space<vmem_shared>> -> memref<10016x128xf32, #tpu.memory_space<vmem_shared>>
        tpu.enqueue_indirect_dma source(%arg11 : memref<128x128xf32, #tpu.memory_space<vmem>>) target(%dma_start3A_662 : memref<10016x128xf32, #tpu.memory_space<vmem_shared>>) offsets(%dma_start3A_659 : memref<128xi32, #tpu.memory_space<vmem>>) semaphore(%run_scoped3A_656 : memref<!tpu.dma_semaphore, #tpu.memory_space<semaphore_mem>>) {add = true}
        %dma_wait3A_663 = arith.constant 0 : i32
        %dma_wait3A_664 = tpu.memref_slice %arg9[%run_scoped3A_540, %dma_wait3A_663] : memref<16x128xi32, #tpu.memory_space<vmem>> -> memref<1x128xi32, #tpu.memory_space<vmem>>
        %dma_wait3A_665 = tpu.memref_squeeze %dma_wait3A_664 : memref<1x128xi32, #tpu.memory_space<vmem>> -> memref<128xi32, #tpu.memory_space<vmem>>
        %dma_wait3A_666 = arith.constant 0 : i32
        %dma_wait3A_667 = arith.constant 0 : i32
        %dma_wait3A_668 = tpu.memref_slice %arg12[%dma_wait3A_666, %dma_wait3A_667] : memref<10016x128xf32, #tpu.memory_space<vmem_shared>> -> memref<10016x128xf32, #tpu.memory_space<vmem_shared>>
        tpu.wait_indirect_dma semaphore(%run_scoped3A_656 : memref<!tpu.dma_semaphore, #tpu.memory_space<semaphore_mem>>) src(%arg11 : memref<128x128xf32, #tpu.memory_space<vmem>>) dst(%dma_wait3A_668 : memref<10016x128xf32, #tpu.memory_space<vmem_shared>>)
        tpu.yield
      }) : () -> ()
      %dma_start3A_541 = arith.constant 11 : i32
      %dma_start3A_542 = arith.constant 0 : i32
      %dma_start3A_543 = tpu.memref_slice %arg7[%dma_start3A_541, %dma_start3A_542] : memref<16x128xi32, #tpu.memory_space<vmem>> -> memref<1x128xi32, #tpu.memory_space<vmem>>
      %dma_start3A_544 = tpu.memref_squeeze %dma_start3A_543 : memref<1x128xi32, #tpu.memory_space<vmem>> -> memref<128xi32, #tpu.memory_space<vmem>>
      %dma_start3A_545 = arith.constant 0 : i32
      %dma_start3A_546 = arith.constant 0 : i32
      %dma_start3A_547 = tpu.memref_slice %arg2[%dma_start3A_545, %dma_start3A_546] : memref<20000x128xf32, #tpu.memory_space<hbm>> -> memref<20000x128xf32, #tpu.memory_space<hbm>>
      tpu.enqueue_indirect_dma source(%dma_start3A_547 : memref<20000x128xf32, #tpu.memory_space<hbm>>) target(%arg11 : memref<128x128xf32, #tpu.memory_space<vmem>>) offsets(%dma_start3A_544 : memref<128xi32, #tpu.memory_space<vmem>>) semaphore(%arg14 : memref<!tpu.dma_semaphore, #tpu.memory_space<semaphore_mem>>)
      %dma_wait3A_548 = arith.constant 10 : i32
      %dma_wait3A_549 = arith.constant 0 : i32
      %dma_wait3A_550 = tpu.memref_slice %arg7[%dma_wait3A_548, %dma_wait3A_549] : memref<16x128xi32, #tpu.memory_space<vmem>> -> memref<1x128xi32, #tpu.memory_space<vmem>>
      %dma_wait3A_551 = tpu.memref_squeeze %dma_wait3A_550 : memref<1x128xi32, #tpu.memory_space<vmem>> -> memref<128xi32, #tpu.memory_space<vmem>>
      %dma_wait3A_552 = arith.constant 0 : i32
      %dma_wait3A_553 = arith.constant 0 : i32
      %dma_wait3A_554 = tpu.memref_slice %arg2[%dma_wait3A_552, %dma_wait3A_553] : memref<20000x128xf32, #tpu.memory_space<hbm>> -> memref<20000x128xf32, #tpu.memory_space<hbm>>
      tpu.wait_indirect_dma semaphore(%arg13 : memref<!tpu.dma_semaphore, #tpu.memory_space<semaphore_mem>>) src(%dma_wait3A_554 : memref<20000x128xf32, #tpu.memory_space<hbm>>) dst(%arg10 : memref<128x128xf32, #tpu.memory_space<vmem>>)
      %run_scoped3A_555 = arith.constant 10 : i32
      "tpu.region"() ({
        %run_scoped3A_656 = tpu.sem_alloc : memref<!tpu.dma_semaphore, #tpu.memory_space<semaphore_mem>>
        %dma_start3A_657 = arith.constant 0 : i32
        %dma_start3A_658 = tpu.memref_slice %arg9[%run_scoped3A_555, %dma_start3A_657] : memref<16x128xi32, #tpu.memory_space<vmem>> -> memref<1x128xi32, #tpu.memory_space<vmem>>
        %dma_start3A_659 = tpu.memref_squeeze %dma_start3A_658 : memref<1x128xi32, #tpu.memory_space<vmem>> -> memref<128xi32, #tpu.memory_space<vmem>>
        %dma_start3A_660 = arith.constant 0 : i32
        %dma_start3A_661 = arith.constant 0 : i32
        %dma_start3A_662 = tpu.memref_slice %arg12[%dma_start3A_660, %dma_start3A_661] : memref<10016x128xf32, #tpu.memory_space<vmem_shared>> -> memref<10016x128xf32, #tpu.memory_space<vmem_shared>>
        tpu.enqueue_indirect_dma source(%arg10 : memref<128x128xf32, #tpu.memory_space<vmem>>) target(%dma_start3A_662 : memref<10016x128xf32, #tpu.memory_space<vmem_shared>>) offsets(%dma_start3A_659 : memref<128xi32, #tpu.memory_space<vmem>>) semaphore(%run_scoped3A_656 : memref<!tpu.dma_semaphore, #tpu.memory_space<semaphore_mem>>) {add = true}
        %dma_wait3A_663 = arith.constant 0 : i32
        %dma_wait3A_664 = tpu.memref_slice %arg9[%run_scoped3A_555, %dma_wait3A_663] : memref<16x128xi32, #tpu.memory_space<vmem>> -> memref<1x128xi32, #tpu.memory_space<vmem>>
        %dma_wait3A_665 = tpu.memref_squeeze %dma_wait3A_664 : memref<1x128xi32, #tpu.memory_space<vmem>> -> memref<128xi32, #tpu.memory_space<vmem>>
        %dma_wait3A_666 = arith.constant 0 : i32
        %dma_wait3A_667 = arith.constant 0 : i32
        %dma_wait3A_668 = tpu.memref_slice %arg12[%dma_wait3A_666, %dma_wait3A_667] : memref<10016x128xf32, #tpu.memory_space<vmem_shared>> -> memref<10016x128xf32, #tpu.memory_space<vmem_shared>>
        tpu.wait_indirect_dma semaphore(%run_scoped3A_656 : memref<!tpu.dma_semaphore, #tpu.memory_space<semaphore_mem>>) src(%arg10 : memref<128x128xf32, #tpu.memory_space<vmem>>) dst(%dma_wait3A_668 : memref<10016x128xf32, #tpu.memory_space<vmem_shared>>)
        tpu.yield
      }) : () -> ()
      %dma_start3A_556 = arith.constant 12 : i32
      %dma_start3A_557 = arith.constant 0 : i32
      %dma_start3A_558 = tpu.memref_slice %arg7[%dma_start3A_556, %dma_start3A_557] : memref<16x128xi32, #tpu.memory_space<vmem>> -> memref<1x128xi32, #tpu.memory_space<vmem>>
      %dma_start3A_559 = tpu.memref_squeeze %dma_start3A_558 : memref<1x128xi32, #tpu.memory_space<vmem>> -> memref<128xi32, #tpu.memory_space<vmem>>
      %dma_start3A_560 = arith.constant 0 : i32
      %dma_start3A_561 = arith.constant 0 : i32
      %dma_start3A_562 = tpu.memref_slice %arg2[%dma_start3A_560, %dma_start3A_561] : memref<20000x128xf32, #tpu.memory_space<hbm>> -> memref<20000x128xf32, #tpu.memory_space<hbm>>
      tpu.enqueue_indirect_dma source(%dma_start3A_562 : memref<20000x128xf32, #tpu.memory_space<hbm>>) target(%arg10 : memref<128x128xf32, #tpu.memory_space<vmem>>) offsets(%dma_start3A_559 : memref<128xi32, #tpu.memory_space<vmem>>) semaphore(%arg13 : memref<!tpu.dma_semaphore, #tpu.memory_space<semaphore_mem>>)
      %dma_wait3A_563 = arith.constant 11 : i32
      %dma_wait3A_564 = arith.constant 0 : i32
      %dma_wait3A_565 = tpu.memref_slice %arg7[%dma_wait3A_563, %dma_wait3A_564] : memref<16x128xi32, #tpu.memory_space<vmem>> -> memref<1x128xi32, #tpu.memory_space<vmem>>
      %dma_wait3A_566 = tpu.memref_squeeze %dma_wait3A_565 : memref<1x128xi32, #tpu.memory_space<vmem>> -> memref<128xi32, #tpu.memory_space<vmem>>
      %dma_wait3A_567 = arith.constant 0 : i32
      %dma_wait3A_568 = arith.constant 0 : i32
      %dma_wait3A_569 = tpu.memref_slice %arg2[%dma_wait3A_567, %dma_wait3A_568] : memref<20000x128xf32, #tpu.memory_space<hbm>> -> memref<20000x128xf32, #tpu.memory_space<hbm>>
      tpu.wait_indirect_dma semaphore(%arg14 : memref<!tpu.dma_semaphore, #tpu.memory_space<semaphore_mem>>) src(%dma_wait3A_569 : memref<20000x128xf32, #tpu.memory_space<hbm>>) dst(%arg11 : memref<128x128xf32, #tpu.memory_space<vmem>>)
      %run_scoped3A_570 = arith.constant 11 : i32
      "tpu.region"() ({
        %run_scoped3A_656 = tpu.sem_alloc : memref<!tpu.dma_semaphore, #tpu.memory_space<semaphore_mem>>
        %dma_start3A_657 = arith.constant 0 : i32
        %dma_start3A_658 = tpu.memref_slice %arg9[%run_scoped3A_570, %dma_start3A_657] : memref<16x128xi32, #tpu.memory_space<vmem>> -> memref<1x128xi32, #tpu.memory_space<vmem>>
        %dma_start3A_659 = tpu.memref_squeeze %dma_start3A_658 : memref<1x128xi32, #tpu.memory_space<vmem>> -> memref<128xi32, #tpu.memory_space<vmem>>
        %dma_start3A_660 = arith.constant 0 : i32
        %dma_start3A_661 = arith.constant 0 : i32
        %dma_start3A_662 = tpu.memref_slice %arg12[%dma_start3A_660, %dma_start3A_661] : memref<10016x128xf32, #tpu.memory_space<vmem_shared>> -> memref<10016x128xf32, #tpu.memory_space<vmem_shared>>
        tpu.enqueue_indirect_dma source(%arg11 : memref<128x128xf32, #tpu.memory_space<vmem>>) target(%dma_start3A_662 : memref<10016x128xf32, #tpu.memory_space<vmem_shared>>) offsets(%dma_start3A_659 : memref<128xi32, #tpu.memory_space<vmem>>) semaphore(%run_scoped3A_656 : memref<!tpu.dma_semaphore, #tpu.memory_space<semaphore_mem>>) {add = true}
        %dma_wait3A_663 = arith.constant 0 : i32
        %dma_wait3A_664 = tpu.memref_slice %arg9[%run_scoped3A_570, %dma_wait3A_663] : memref<16x128xi32, #tpu.memory_space<vmem>> -> memref<1x128xi32, #tpu.memory_space<vmem>>
        %dma_wait3A_665 = tpu.memref_squeeze %dma_wait3A_664 : memref<1x128xi32, #tpu.memory_space<vmem>> -> memref<128xi32, #tpu.memory_space<vmem>>
        %dma_wait3A_666 = arith.constant 0 : i32
        %dma_wait3A_667 = arith.constant 0 : i32
        %dma_wait3A_668 = tpu.memref_slice %arg12[%dma_wait3A_666, %dma_wait3A_667] : memref<10016x128xf32, #tpu.memory_space<vmem_shared>> -> memref<10016x128xf32, #tpu.memory_space<vmem_shared>>
        tpu.wait_indirect_dma semaphore(%run_scoped3A_656 : memref<!tpu.dma_semaphore, #tpu.memory_space<semaphore_mem>>) src(%arg11 : memref<128x128xf32, #tpu.memory_space<vmem>>) dst(%dma_wait3A_668 : memref<10016x128xf32, #tpu.memory_space<vmem_shared>>)
        tpu.yield
      }) : () -> ()
      %dma_start3A_571 = arith.constant 13 : i32
      %dma_start3A_572 = arith.constant 0 : i32
      %dma_start3A_573 = tpu.memref_slice %arg7[%dma_start3A_571, %dma_start3A_572] : memref<16x128xi32, #tpu.memory_space<vmem>> -> memref<1x128xi32, #tpu.memory_space<vmem>>
      %dma_start3A_574 = tpu.memref_squeeze %dma_start3A_573 : memref<1x128xi32, #tpu.memory_space<vmem>> -> memref<128xi32, #tpu.memory_space<vmem>>
      %dma_start3A_575 = arith.constant 0 : i32
      %dma_start3A_576 = arith.constant 0 : i32
      %dma_start3A_577 = tpu.memref_slice %arg2[%dma_start3A_575, %dma_start3A_576] : memref<20000x128xf32, #tpu.memory_space<hbm>> -> memref<20000x128xf32, #tpu.memory_space<hbm>>
      tpu.enqueue_indirect_dma source(%dma_start3A_577 : memref<20000x128xf32, #tpu.memory_space<hbm>>) target(%arg11 : memref<128x128xf32, #tpu.memory_space<vmem>>) offsets(%dma_start3A_574 : memref<128xi32, #tpu.memory_space<vmem>>) semaphore(%arg14 : memref<!tpu.dma_semaphore, #tpu.memory_space<semaphore_mem>>)
      %dma_wait3A_578 = arith.constant 12 : i32
      %dma_wait3A_579 = arith.constant 0 : i32
      %dma_wait3A_580 = tpu.memref_slice %arg7[%dma_wait3A_578, %dma_wait3A_579] : memref<16x128xi32, #tpu.memory_space<vmem>> -> memref<1x128xi32, #tpu.memory_space<vmem>>
      %dma_wait3A_581 = tpu.memref_squeeze %dma_wait3A_580 : memref<1x128xi32, #tpu.memory_space<vmem>> -> memref<128xi32, #tpu.memory_space<vmem>>
      %dma_wait3A_582 = arith.constant 0 : i32
      %dma_wait3A_583 = arith.constant 0 : i32
      %dma_wait3A_584 = tpu.memref_slice %arg2[%dma_wait3A_582, %dma_wait3A_583] : memref<20000x128xf32, #tpu.memory_space<hbm>> -> memref<20000x128xf32, #tpu.memory_space<hbm>>
      tpu.wait_indirect_dma semaphore(%arg13 : memref<!tpu.dma_semaphore, #tpu.memory_space<semaphore_mem>>) src(%dma_wait3A_584 : memref<20000x128xf32, #tpu.memory_space<hbm>>) dst(%arg10 : memref<128x128xf32, #tpu.memory_space<vmem>>)
      %run_scoped3A_585 = arith.constant 12 : i32
      "tpu.region"() ({
        %run_scoped3A_656 = tpu.sem_alloc : memref<!tpu.dma_semaphore, #tpu.memory_space<semaphore_mem>>
        %dma_start3A_657 = arith.constant 0 : i32
        %dma_start3A_658 = tpu.memref_slice %arg9[%run_scoped3A_585, %dma_start3A_657] : memref<16x128xi32, #tpu.memory_space<vmem>> -> memref<1x128xi32, #tpu.memory_space<vmem>>
        %dma_start3A_659 = tpu.memref_squeeze %dma_start3A_658 : memref<1x128xi32, #tpu.memory_space<vmem>> -> memref<128xi32, #tpu.memory_space<vmem>>
        %dma_start3A_660 = arith.constant 0 : i32
        %dma_start3A_661 = arith.constant 0 : i32
        %dma_start3A_662 = tpu.memref_slice %arg12[%dma_start3A_660, %dma_start3A_661] : memref<10016x128xf32, #tpu.memory_space<vmem_shared>> -> memref<10016x128xf32, #tpu.memory_space<vmem_shared>>
        tpu.enqueue_indirect_dma source(%arg10 : memref<128x128xf32, #tpu.memory_space<vmem>>) target(%dma_start3A_662 : memref<10016x128xf32, #tpu.memory_space<vmem_shared>>) offsets(%dma_start3A_659 : memref<128xi32, #tpu.memory_space<vmem>>) semaphore(%run_scoped3A_656 : memref<!tpu.dma_semaphore, #tpu.memory_space<semaphore_mem>>) {add = true}
        %dma_wait3A_663 = arith.constant 0 : i32
        %dma_wait3A_664 = tpu.memref_slice %arg9[%run_scoped3A_585, %dma_wait3A_663] : memref<16x128xi32, #tpu.memory_space<vmem>> -> memref<1x128xi32, #tpu.memory_space<vmem>>
        %dma_wait3A_665 = tpu.memref_squeeze %dma_wait3A_664 : memref<1x128xi32, #tpu.memory_space<vmem>> -> memref<128xi32, #tpu.memory_space<vmem>>
        %dma_wait3A_666 = arith.constant 0 : i32
        %dma_wait3A_667 = arith.constant 0 : i32
        %dma_wait3A_668 = tpu.memref_slice %arg12[%dma_wait3A_666, %dma_wait3A_667] : memref<10016x128xf32, #tpu.memory_space<vmem_shared>> -> memref<10016x128xf32, #tpu.memory_space<vmem_shared>>
        tpu.wait_indirect_dma semaphore(%run_scoped3A_656 : memref<!tpu.dma_semaphore, #tpu.memory_space<semaphore_mem>>) src(%arg10 : memref<128x128xf32, #tpu.memory_space<vmem>>) dst(%dma_wait3A_668 : memref<10016x128xf32, #tpu.memory_space<vmem_shared>>)
        tpu.yield
      }) : () -> ()
      %dma_start3A_586 = arith.constant 14 : i32
      %dma_start3A_587 = arith.constant 0 : i32
      %dma_start3A_588 = tpu.memref_slice %arg7[%dma_start3A_586, %dma_start3A_587] : memref<16x128xi32, #tpu.memory_space<vmem>> -> memref<1x128xi32, #tpu.memory_space<vmem>>
      %dma_start3A_589 = tpu.memref_squeeze %dma_start3A_588 : memref<1x128xi32, #tpu.memory_space<vmem>> -> memref<128xi32, #tpu.memory_space<vmem>>
      %dma_start3A_590 = arith.constant 0 : i32
      %dma_start3A_591 = arith.constant 0 : i32
      %dma_start3A_592 = tpu.memref_slice %arg2[%dma_start3A_590, %dma_start3A_591] : memref<20000x128xf32, #tpu.memory_space<hbm>> -> memref<20000x128xf32, #tpu.memory_space<hbm>>
      tpu.enqueue_indirect_dma source(%dma_start3A_592 : memref<20000x128xf32, #tpu.memory_space<hbm>>) target(%arg10 : memref<128x128xf32, #tpu.memory_space<vmem>>) offsets(%dma_start3A_589 : memref<128xi32, #tpu.memory_space<vmem>>) semaphore(%arg13 : memref<!tpu.dma_semaphore, #tpu.memory_space<semaphore_mem>>)
      %dma_wait3A_593 = arith.constant 13 : i32
      %dma_wait3A_594 = arith.constant 0 : i32
      %dma_wait3A_595 = tpu.memref_slice %arg7[%dma_wait3A_593, %dma_wait3A_594] : memref<16x128xi32, #tpu.memory_space<vmem>> -> memref<1x128xi32, #tpu.memory_space<vmem>>
      %dma_wait3A_596 = tpu.memref_squeeze %dma_wait3A_595 : memref<1x128xi32, #tpu.memory_space<vmem>> -> memref<128xi32, #tpu.memory_space<vmem>>
      %dma_wait3A_597 = arith.constant 0 : i32
      %dma_wait3A_598 = arith.constant 0 : i32
      %dma_wait3A_599 = tpu.memref_slice %arg2[%dma_wait3A_597, %dma_wait3A_598] : memref<20000x128xf32, #tpu.memory_space<hbm>> -> memref<20000x128xf32, #tpu.memory_space<hbm>>
      tpu.wait_indirect_dma semaphore(%arg14 : memref<!tpu.dma_semaphore, #tpu.memory_space<semaphore_mem>>) src(%dma_wait3A_599 : memref<20000x128xf32, #tpu.memory_space<hbm>>) dst(%arg11 : memref<128x128xf32, #tpu.memory_space<vmem>>)
      %run_scoped3A_600 = arith.constant 13 : i32
      "tpu.region"() ({
        %run_scoped3A_656 = tpu.sem_alloc : memref<!tpu.dma_semaphore, #tpu.memory_space<semaphore_mem>>
        %dma_start3A_657 = arith.constant 0 : i32
        %dma_start3A_658 = tpu.memref_slice %arg9[%run_scoped3A_600, %dma_start3A_657] : memref<16x128xi32, #tpu.memory_space<vmem>> -> memref<1x128xi32, #tpu.memory_space<vmem>>
        %dma_start3A_659 = tpu.memref_squeeze %dma_start3A_658 : memref<1x128xi32, #tpu.memory_space<vmem>> -> memref<128xi32, #tpu.memory_space<vmem>>
        %dma_start3A_660 = arith.constant 0 : i32
        %dma_start3A_661 = arith.constant 0 : i32
        %dma_start3A_662 = tpu.memref_slice %arg12[%dma_start3A_660, %dma_start3A_661] : memref<10016x128xf32, #tpu.memory_space<vmem_shared>> -> memref<10016x128xf32, #tpu.memory_space<vmem_shared>>
        tpu.enqueue_indirect_dma source(%arg11 : memref<128x128xf32, #tpu.memory_space<vmem>>) target(%dma_start3A_662 : memref<10016x128xf32, #tpu.memory_space<vmem_shared>>) offsets(%dma_start3A_659 : memref<128xi32, #tpu.memory_space<vmem>>) semaphore(%run_scoped3A_656 : memref<!tpu.dma_semaphore, #tpu.memory_space<semaphore_mem>>) {add = true}
        %dma_wait3A_663 = arith.constant 0 : i32
        %dma_wait3A_664 = tpu.memref_slice %arg9[%run_scoped3A_600, %dma_wait3A_663] : memref<16x128xi32, #tpu.memory_space<vmem>> -> memref<1x128xi32, #tpu.memory_space<vmem>>
        %dma_wait3A_665 = tpu.memref_squeeze %dma_wait3A_664 : memref<1x128xi32, #tpu.memory_space<vmem>> -> memref<128xi32, #tpu.memory_space<vmem>>
        %dma_wait3A_666 = arith.constant 0 : i32
        %dma_wait3A_667 = arith.constant 0 : i32
        %dma_wait3A_668 = tpu.memref_slice %arg12[%dma_wait3A_666, %dma_wait3A_667] : memref<10016x128xf32, #tpu.memory_space<vmem_shared>> -> memref<10016x128xf32, #tpu.memory_space<vmem_shared>>
        tpu.wait_indirect_dma semaphore(%run_scoped3A_656 : memref<!tpu.dma_semaphore, #tpu.memory_space<semaphore_mem>>) src(%arg11 : memref<128x128xf32, #tpu.memory_space<vmem>>) dst(%dma_wait3A_668 : memref<10016x128xf32, #tpu.memory_space<vmem_shared>>)
        tpu.yield
      }) : () -> ()
      %dma_start3A_601 = arith.constant 15 : i32
      %dma_start3A_602 = arith.constant 0 : i32
      %dma_start3A_603 = tpu.memref_slice %arg7[%dma_start3A_601, %dma_start3A_602] : memref<16x128xi32, #tpu.memory_space<vmem>> -> memref<1x128xi32, #tpu.memory_space<vmem>>
      %dma_start3A_604 = tpu.memref_squeeze %dma_start3A_603 : memref<1x128xi32, #tpu.memory_space<vmem>> -> memref<128xi32, #tpu.memory_space<vmem>>
      %dma_start3A_605 = arith.constant 0 : i32
      %dma_start3A_606 = arith.constant 0 : i32
      %dma_start3A_607 = tpu.memref_slice %arg2[%dma_start3A_605, %dma_start3A_606] : memref<20000x128xf32, #tpu.memory_space<hbm>> -> memref<20000x128xf32, #tpu.memory_space<hbm>>
      tpu.enqueue_indirect_dma source(%dma_start3A_607 : memref<20000x128xf32, #tpu.memory_space<hbm>>) target(%arg11 : memref<128x128xf32, #tpu.memory_space<vmem>>) offsets(%dma_start3A_604 : memref<128xi32, #tpu.memory_space<vmem>>) semaphore(%arg14 : memref<!tpu.dma_semaphore, #tpu.memory_space<semaphore_mem>>)
      %dma_wait3A_608 = arith.constant 14 : i32
      %dma_wait3A_609 = arith.constant 0 : i32
      %dma_wait3A_610 = tpu.memref_slice %arg7[%dma_wait3A_608, %dma_wait3A_609] : memref<16x128xi32, #tpu.memory_space<vmem>> -> memref<1x128xi32, #tpu.memory_space<vmem>>
      %dma_wait3A_611 = tpu.memref_squeeze %dma_wait3A_610 : memref<1x128xi32, #tpu.memory_space<vmem>> -> memref<128xi32, #tpu.memory_space<vmem>>
      %dma_wait3A_612 = arith.constant 0 : i32
      %dma_wait3A_613 = arith.constant 0 : i32
      %dma_wait3A_614 = tpu.memref_slice %arg2[%dma_wait3A_612, %dma_wait3A_613] : memref<20000x128xf32, #tpu.memory_space<hbm>> -> memref<20000x128xf32, #tpu.memory_space<hbm>>
      tpu.wait_indirect_dma semaphore(%arg13 : memref<!tpu.dma_semaphore, #tpu.memory_space<semaphore_mem>>) src(%dma_wait3A_614 : memref<20000x128xf32, #tpu.memory_space<hbm>>) dst(%arg10 : memref<128x128xf32, #tpu.memory_space<vmem>>)
      %run_scoped3A_615 = arith.constant 14 : i32
      "tpu.region"() ({
        %run_scoped3A_656 = tpu.sem_alloc : memref<!tpu.dma_semaphore, #tpu.memory_space<semaphore_mem>>
        %dma_start3A_657 = arith.constant 0 : i32
        %dma_start3A_658 = tpu.memref_slice %arg9[%run_scoped3A_615, %dma_start3A_657] : memref<16x128xi32, #tpu.memory_space<vmem>> -> memref<1x128xi32, #tpu.memory_space<vmem>>
        %dma_start3A_659 = tpu.memref_squeeze %dma_start3A_658 : memref<1x128xi32, #tpu.memory_space<vmem>> -> memref<128xi32, #tpu.memory_space<vmem>>
        %dma_start3A_660 = arith.constant 0 : i32
        %dma_start3A_661 = arith.constant 0 : i32
        %dma_start3A_662 = tpu.memref_slice %arg12[%dma_start3A_660, %dma_start3A_661] : memref<10016x128xf32, #tpu.memory_space<vmem_shared>> -> memref<10016x128xf32, #tpu.memory_space<vmem_shared>>
        tpu.enqueue_indirect_dma source(%arg10 : memref<128x128xf32, #tpu.memory_space<vmem>>) target(%dma_start3A_662 : memref<10016x128xf32, #tpu.memory_space<vmem_shared>>) offsets(%dma_start3A_659 : memref<128xi32, #tpu.memory_space<vmem>>) semaphore(%run_scoped3A_656 : memref<!tpu.dma_semaphore, #tpu.memory_space<semaphore_mem>>) {add = true}
        %dma_wait3A_663 = arith.constant 0 : i32
        %dma_wait3A_664 = tpu.memref_slice %arg9[%run_scoped3A_615, %dma_wait3A_663] : memref<16x128xi32, #tpu.memory_space<vmem>> -> memref<1x128xi32, #tpu.memory_space<vmem>>
        %dma_wait3A_665 = tpu.memref_squeeze %dma_wait3A_664 : memref<1x128xi32, #tpu.memory_space<vmem>> -> memref<128xi32, #tpu.memory_space<vmem>>
        %dma_wait3A_666 = arith.constant 0 : i32
        %dma_wait3A_667 = arith.constant 0 : i32
        %dma_wait3A_668 = tpu.memref_slice %arg12[%dma_wait3A_666, %dma_wait3A_667] : memref<10016x128xf32, #tpu.memory_space<vmem_shared>> -> memref<10016x128xf32, #tpu.memory_space<vmem_shared>>
        tpu.wait_indirect_dma semaphore(%run_scoped3A_656 : memref<!tpu.dma_semaphore, #tpu.memory_space<semaphore_mem>>) src(%arg10 : memref<128x128xf32, #tpu.memory_space<vmem>>) dst(%dma_wait3A_668 : memref<10016x128xf32, #tpu.memory_space<vmem_shared>>)
        tpu.yield
      }) : () -> ()
      %dma_start3A_616 = arith.constant 0 : i32
      %dma_start3A_617 = arith.constant 0 : i32
      %dma_start3A_618 = tpu.memref_slice %arg6[%dma_start3A_616, %dma_start3A_617] : memref<16x128xi32, #tpu.memory_space<vmem>> -> memref<1x128xi32, #tpu.memory_space<vmem>>
      %dma_start3A_619 = tpu.memref_squeeze %dma_start3A_618 : memref<1x128xi32, #tpu.memory_space<vmem>> -> memref<128xi32, #tpu.memory_space<vmem>>
      %dma_start3A_620 = arith.constant 0 : i32
      %dma_start3A_621 = arith.constant 0 : i32
      %dma_start3A_622 = tpu.memref_slice %arg2[%dma_start3A_620, %dma_start3A_621] : memref<20000x128xf32, #tpu.memory_space<hbm>> -> memref<20000x128xf32, #tpu.memory_space<hbm>>
      tpu.enqueue_indirect_dma source(%dma_start3A_622 : memref<20000x128xf32, #tpu.memory_space<hbm>>) target(%arg10 : memref<128x128xf32, #tpu.memory_space<vmem>>) offsets(%dma_start3A_619 : memref<128xi32, #tpu.memory_space<vmem>>) semaphore(%arg13 : memref<!tpu.dma_semaphore, #tpu.memory_space<semaphore_mem>>)
      %dma_wait3A_623 = arith.constant 15 : i32
      %dma_wait3A_624 = arith.constant 0 : i32
      %dma_wait3A_625 = tpu.memref_slice %arg7[%dma_wait3A_623, %dma_wait3A_624] : memref<16x128xi32, #tpu.memory_space<vmem>> -> memref<1x128xi32, #tpu.memory_space<vmem>>
      %dma_wait3A_626 = tpu.memref_squeeze %dma_wait3A_625 : memref<1x128xi32, #tpu.memory_space<vmem>> -> memref<128xi32, #tpu.memory_space<vmem>>
      %dma_wait3A_627 = arith.constant 0 : i32
      %dma_wait3A_628 = arith.constant 0 : i32
      %dma_wait3A_629 = tpu.memref_slice %arg2[%dma_wait3A_627, %dma_wait3A_628] : memref<20000x128xf32, #tpu.memory_space<hbm>> -> memref<20000x128xf32, #tpu.memory_space<hbm>>
      tpu.wait_indirect_dma semaphore(%arg14 : memref<!tpu.dma_semaphore, #tpu.memory_space<semaphore_mem>>) src(%dma_wait3A_629 : memref<20000x128xf32, #tpu.memory_space<hbm>>) dst(%arg11 : memref<128x128xf32, #tpu.memory_space<vmem>>)
      %run_scoped3A_630 = arith.constant 15 : i32
      "tpu.region"() ({
        %run_scoped3A_656 = tpu.sem_alloc : memref<!tpu.dma_semaphore, #tpu.memory_space<semaphore_mem>>
        %dma_start3A_657 = arith.constant 0 : i32
        %dma_start3A_658 = tpu.memref_slice %arg9[%run_scoped3A_630, %dma_start3A_657] : memref<16x128xi32, #tpu.memory_space<vmem>> -> memref<1x128xi32, #tpu.memory_space<vmem>>
        %dma_start3A_659 = tpu.memref_squeeze %dma_start3A_658 : memref<1x128xi32, #tpu.memory_space<vmem>> -> memref<128xi32, #tpu.memory_space<vmem>>
        %dma_start3A_660 = arith.constant 0 : i32
        %dma_start3A_661 = arith.constant 0 : i32
        %dma_start3A_662 = tpu.memref_slice %arg12[%dma_start3A_660, %dma_start3A_661] : memref<10016x128xf32, #tpu.memory_space<vmem_shared>> -> memref<10016x128xf32, #tpu.memory_space<vmem_shared>>
        tpu.enqueue_indirect_dma source(%arg11 : memref<128x128xf32, #tpu.memory_space<vmem>>) target(%dma_start3A_662 : memref<10016x128xf32, #tpu.memory_space<vmem_shared>>) offsets(%dma_start3A_659 : memref<128xi32, #tpu.memory_space<vmem>>) semaphore(%run_scoped3A_656 : memref<!tpu.dma_semaphore, #tpu.memory_space<semaphore_mem>>) {add = true}
        %dma_wait3A_663 = arith.constant 0 : i32
        %dma_wait3A_664 = tpu.memref_slice %arg9[%run_scoped3A_630, %dma_wait3A_663] : memref<16x128xi32, #tpu.memory_space<vmem>> -> memref<1x128xi32, #tpu.memory_space<vmem>>
        %dma_wait3A_665 = tpu.memref_squeeze %dma_wait3A_664 : memref<1x128xi32, #tpu.memory_space<vmem>> -> memref<128xi32, #tpu.memory_space<vmem>>
        %dma_wait3A_666 = arith.constant 0 : i32
        %dma_wait3A_667 = arith.constant 0 : i32
        %dma_wait3A_668 = tpu.memref_slice %arg12[%dma_wait3A_666, %dma_wait3A_667] : memref<10016x128xf32, #tpu.memory_space<vmem_shared>> -> memref<10016x128xf32, #tpu.memory_space<vmem_shared>>
        tpu.wait_indirect_dma semaphore(%run_scoped3A_656 : memref<!tpu.dma_semaphore, #tpu.memory_space<semaphore_mem>>) src(%arg11 : memref<128x128xf32, #tpu.memory_space<vmem>>) dst(%dma_wait3A_668 : memref<10016x128xf32, #tpu.memory_space<vmem_shared>>)
        tpu.yield
      }) : () -> ()
      %dma_start3A_631 = arith.constant 1 : i32
      %dma_start3A_632 = arith.constant 0 : i32
      %dma_start3A_633 = tpu.memref_slice %arg6[%dma_start3A_631, %dma_start3A_632] : memref<16x128xi32, #tpu.memory_space<vmem>> -> memref<1x128xi32, #tpu.memory_space<vmem>>
      %dma_start3A_634 = tpu.memref_squeeze %dma_start3A_633 : memref<1x128xi32, #tpu.memory_space<vmem>> -> memref<128xi32, #tpu.memory_space<vmem>>
      %dma_start3A_635 = arith.constant 0 : i32
      %dma_start3A_636 = arith.constant 0 : i32
      %dma_start3A_637 = tpu.memref_slice %arg2[%dma_start3A_635, %dma_start3A_636] : memref<20000x128xf32, #tpu.memory_space<hbm>> -> memref<20000x128xf32, #tpu.memory_space<hbm>>
      tpu.enqueue_indirect_dma source(%dma_start3A_637 : memref<20000x128xf32, #tpu.memory_space<hbm>>) target(%arg11 : memref<128x128xf32, #tpu.memory_space<vmem>>) offsets(%dma_start3A_634 : memref<128xi32, #tpu.memory_space<vmem>>) semaphore(%arg14 : memref<!tpu.dma_semaphore, #tpu.memory_space<semaphore_mem>>)
      %add3A_638 = arith.constant 2 : i32
      %add3A_639 = arith.addi %add3A_379, %add3A_638 : i32
      %dma_start3A_640 = arith.constant 0 : i32
      %dma_start3A_641 = arith.constant 0 : i32
      %dma_start3A_642 = tpu.memref_slice %arg3[%arg0, %arg1, %add3A_639, %dma_start3A_640, %dma_start3A_641] : memref<2x16x12x16x128xi32, #tpu.memory_space<hbm>> -> memref<1x1x1x16x128xi32, #tpu.memory_space<hbm>>
      %dma_start3A_643 = tpu.memref_squeeze %dma_start3A_642 : memref<1x1x1x16x128xi32, #tpu.memory_space<hbm>> -> memref<16x128xi32, #tpu.memory_space<hbm>>
      %dma_start3A_644 = arith.constant 0 : i32
      %dma_start3A_645 = arith.constant 0 : i32
      %dma_start3A_646 = tpu.memref_slice %arg3[%arg0, %arg1, %add3A_639, %dma_start3A_644, %dma_start3A_645] : memref<2x16x12x16x128xi32, #tpu.memory_space<hbm>> -> memref<1x1x1x16x128xi32, #tpu.memory_space<hbm>>
      %dma_start3A_647 = tpu.memref_squeeze %dma_start3A_646 : memref<1x1x1x16x128xi32, #tpu.memory_space<hbm>> -> memref<16x128xi32, #tpu.memory_space<hbm>>
      tpu.enqueue_dma source(%dma_start3A_647 : memref<16x128xi32, #tpu.memory_space<hbm>>) target(%arg7 : memref<16x128xi32, #tpu.memory_space<vmem>>) target_semaphore(%arg15 : memref<!tpu.dma_semaphore, #tpu.memory_space<semaphore_mem>>)
      %dma_start3A_648 = arith.constant 0 : i32
      %dma_start3A_649 = arith.constant 0 : i32
      %dma_start3A_650 = tpu.memref_slice %arg4[%arg1, %add3A_639, %dma_start3A_648, %dma_start3A_649] : memref<16x12x16x128xi32, #tpu.memory_space<hbm>> -> memref<1x1x16x128xi32, #tpu.memory_space<hbm>>
      %dma_start3A_651 = tpu.memref_squeeze %dma_start3A_650 : memref<1x1x16x128xi32, #tpu.memory_space<hbm>> -> memref<16x128xi32, #tpu.memory_space<hbm>>
      %dma_start3A_652 = arith.constant 0 : i32
      %dma_start3A_653 = arith.constant 0 : i32
      %dma_start3A_654 = tpu.memref_slice %arg4[%arg1, %add3A_639, %dma_start3A_652, %dma_start3A_653] : memref<16x12x16x128xi32, #tpu.memory_space<hbm>> -> memref<1x1x16x128xi32, #tpu.memory_space<hbm>>
      %dma_start3A_655 = tpu.memref_squeeze %dma_start3A_654 : memref<1x1x16x128xi32, #tpu.memory_space<hbm>> -> memref<16x128xi32, #tpu.memory_space<hbm>>
      tpu.enqueue_dma source(%dma_start3A_655 : memref<16x128xi32, #tpu.memory_space<hbm>>) target(%arg9 : memref<16x128xi32, #tpu.memory_space<vmem>>) target_semaphore(%arg15 : memref<!tpu.dma_semaphore, #tpu.memory_space<semaphore_mem>>)
    }
    %scan3A_52 = arith.constant 5 : i32
    %dma_wait3A = arith.constant 0 : i32
    %dma_wait3A_53 = arith.constant 0 : i32
    %dma_wait3A_54 = tpu.memref_slice %arg6[%dma_wait3A, %dma_wait3A_53] : memref<16x128xi32, #tpu.memory_space<vmem>> -> memref<1x128xi32, #tpu.memory_space<vmem>>
    %dma_wait3A_55 = tpu.memref_squeeze %dma_wait3A_54 : memref<1x128xi32, #tpu.memory_space<vmem>> -> memref<128xi32, #tpu.memory_space<vmem>>
    %dma_wait3A_56 = arith.constant 0 : i32
    %dma_wait3A_57 = arith.constant 0 : i32
    %dma_wait3A_58 = tpu.memref_slice %arg2[%dma_wait3A_56, %dma_wait3A_57] : memref<20000x128xf32, #tpu.memory_space<hbm>> -> memref<20000x128xf32, #tpu.memory_space<hbm>>
    tpu.wait_indirect_dma semaphore(%arg13 : memref<!tpu.dma_semaphore, #tpu.memory_space<semaphore_mem>>) src(%dma_wait3A_58 : memref<20000x128xf32, #tpu.memory_space<hbm>>) dst(%arg10 : memref<128x128xf32, #tpu.memory_space<vmem>>)
    %dma_wait3A_59 = arith.constant 1 : i32
    %dma_wait3A_60 = arith.constant 0 : i32
    %dma_wait3A_61 = tpu.memref_slice %arg6[%dma_wait3A_59, %dma_wait3A_60] : memref<16x128xi32, #tpu.memory_space<vmem>> -> memref<1x128xi32, #tpu.memory_space<vmem>>
    %dma_wait3A_62 = tpu.memref_squeeze %dma_wait3A_61 : memref<1x128xi32, #tpu.memory_space<vmem>> -> memref<128xi32, #tpu.memory_space<vmem>>
    %dma_wait3A_63 = arith.constant 0 : i32
    %dma_wait3A_64 = arith.constant 0 : i32
    %dma_wait3A_65 = tpu.memref_slice %arg2[%dma_wait3A_63, %dma_wait3A_64] : memref<20000x128xf32, #tpu.memory_space<hbm>> -> memref<20000x128xf32, #tpu.memory_space<hbm>>
    tpu.wait_indirect_dma semaphore(%arg14 : memref<!tpu.dma_semaphore, #tpu.memory_space<semaphore_mem>>) src(%dma_wait3A_65 : memref<20000x128xf32, #tpu.memory_space<hbm>>) dst(%arg11 : memref<128x128xf32, #tpu.memory_space<vmem>>)
    %dma_wait3A_66 = arith.constant 11 : i32
    %dma_wait3A_67 = arith.constant 0 : i32
    %dma_wait3A_68 = arith.constant 0 : i32
    %dma_wait3A_69 = tpu.memref_slice %arg3[%arg0, %arg1, %dma_wait3A_66, %dma_wait3A_67, %dma_wait3A_68] : memref<2x16x12x16x128xi32, #tpu.memory_space<hbm>> -> memref<1x1x1x16x128xi32, #tpu.memory_space<hbm>>
    %dma_wait3A_70 = tpu.memref_squeeze %dma_wait3A_69 : memref<1x1x1x16x128xi32, #tpu.memory_space<hbm>> -> memref<16x128xi32, #tpu.memory_space<hbm>>
    %dma_wait3A_71 = arith.constant 0 : i32
    %dma_wait3A_72 = arith.constant 0 : i32
    %dma_wait3A_73 = tpu.memref_slice %arg3[%arg0, %arg1, %dma_wait3A_66, %dma_wait3A_71, %dma_wait3A_72] : memref<2x16x12x16x128xi32, #tpu.memory_space<hbm>> -> memref<1x1x1x16x128xi32, #tpu.memory_space<hbm>>
    %dma_wait3A_74 = tpu.memref_squeeze %dma_wait3A_73 : memref<1x1x1x16x128xi32, #tpu.memory_space<hbm>> -> memref<16x128xi32, #tpu.memory_space<hbm>>
    tpu.wait_dma2 semaphore(%arg15 : memref<!tpu.dma_semaphore, #tpu.memory_space<semaphore_mem>>) src(%dma_wait3A_74 : memref<16x128xi32, #tpu.memory_space<hbm>>) dst(%arg7 : memref<16x128xi32, #tpu.memory_space<vmem>>)
    %dma_wait3A_75 = arith.constant 11 : i32
    %dma_wait3A_76 = arith.constant 0 : i32
    %dma_wait3A_77 = arith.constant 0 : i32
    %dma_wait3A_78 = tpu.memref_slice %arg4[%arg1, %dma_wait3A_75, %dma_wait3A_76, %dma_wait3A_77] : memref<16x12x16x128xi32, #tpu.memory_space<hbm>> -> memref<1x1x16x128xi32, #tpu.memory_space<hbm>>
    %dma_wait3A_79 = tpu.memref_squeeze %dma_wait3A_78 : memref<1x1x16x128xi32, #tpu.memory_space<hbm>> -> memref<16x128xi32, #tpu.memory_space<hbm>>
    %dma_wait3A_80 = arith.constant 0 : i32
    %dma_wait3A_81 = arith.constant 0 : i32
    %dma_wait3A_82 = tpu.memref_slice %arg4[%arg1, %dma_wait3A_75, %dma_wait3A_80, %dma_wait3A_81] : memref<16x12x16x128xi32, #tpu.memory_space<hbm>> -> memref<1x1x16x128xi32, #tpu.memory_space<hbm>>
    %dma_wait3A_83 = tpu.memref_squeeze %dma_wait3A_82 : memref<1x1x16x128xi32, #tpu.memory_space<hbm>> -> memref<16x128xi32, #tpu.memory_space<hbm>>
    tpu.wait_dma2 semaphore(%arg15 : memref<!tpu.dma_semaphore, #tpu.memory_space<semaphore_mem>>) src(%dma_wait3A_83 : memref<16x128xi32, #tpu.memory_space<hbm>>) dst(%arg9 : memref<16x128xi32, #tpu.memory_space<vmem>>)
    %barrier3A_84 = arith.constant 0 : index
    tpu.barrier barrier_id(%barrier3A_84)
    %mul3A_85 = arith.constant 624 : i32
    %mul3A_86 = arith.muli %arg1, %mul3A_85 : i32
    %mul3A_87 = arith.constant 10000 : i32
    %mul3A_88 = arith.muli %arg0, %mul3A_87 : i32
    %add3A_89 = arith.addi %mul3A_88, %mul3A_86 : i32
    "tpu.region"() ({
      %run_scoped3A_95 = tpu.sem_alloc : memref<!tpu.dma_semaphore, #tpu.memory_space<semaphore_mem>>
      %dma_start3A_96 = arith.constant 0 : i32
      %dma_start3A_97 = tpu.memref_slice %arg5[%add3A_89, %dma_start3A_96] : memref<20000x128xf32, #tpu.memory_space<hbm>> -> memref<624x128xf32, #tpu.memory_space<hbm>>
      %dma_start3A_98 = arith.constant 0 : i32
      %dma_start3A_99 = tpu.memref_slice %arg12[%mul3A_86, %dma_start3A_98] : memref<10016x128xf32, #tpu.memory_space<vmem_shared>> -> memref<624x128xf32, #tpu.memory_space<vmem_shared>>
      tpu.enqueue_dma source(%dma_start3A_99 : memref<624x128xf32, #tpu.memory_space<vmem_shared>>) target(%dma_start3A_97 : memref<624x128xf32, #tpu.memory_space<hbm>>) target_semaphore(%run_scoped3A_95 : memref<!tpu.dma_semaphore, #tpu.memory_space<semaphore_mem>>)
      %dma_wait3A_100 = arith.constant 0 : i32
      %dma_wait3A_101 = tpu.memref_slice %arg5[%add3A_89, %dma_wait3A_100] : memref<20000x128xf32, #tpu.memory_space<hbm>> -> memref<624x128xf32, #tpu.memory_space<hbm>>
      %dma_wait3A_102 = arith.constant 0 : i32
      %dma_wait3A_103 = tpu.memref_slice %arg12[%mul3A_86, %dma_wait3A_102] : memref<10016x128xf32, #tpu.memory_space<vmem_shared>> -> memref<624x128xf32, #tpu.memory_space<vmem_shared>>
      tpu.wait_dma2 semaphore(%run_scoped3A_95 : memref<!tpu.dma_semaphore, #tpu.memory_space<semaphore_mem>>) src(%dma_wait3A_103 : memref<624x128xf32, #tpu.memory_space<vmem_shared>>) dst(%dma_wait3A_101 : memref<624x128xf32, #tpu.memory_space<hbm>>)
      tpu.yield
    }) : () -> ()
    %eq3A_90 = arith.constant 15 : i32
    %eq3A_91 = arith.cmpi eq, %arg1, %eq3A_90 : i32
    %convert_element_type3A_92 = arith.extui %eq3A_91 : i1 to i32
    %cond3A_93 = arith.constant 0 : i32
    %cond3A_94 = arith.cmpi ne, %convert_element_type3A_92, %cond3A_93 : i32
    scf.if %cond3A_94 {
      %mul3A_95 = arith.constant 10000 : i32
      %mul3A_96 = arith.muli %arg0, %mul3A_95 : i32
      %add3A_97 = arith.constant 9984 : i32
      %add3A_98 = arith.addi %mul3A_96, %add3A_97 : i32
      "tpu.region"() ({
        %run_scoped3A_99 = tpu.sem_alloc : memref<!tpu.dma_semaphore, #tpu.memory_space<semaphore_mem>>
        %dma_start3A_100 = arith.constant 0 : i32
        %dma_start3A_101 = tpu.memref_slice %arg5[%add3A_98, %dma_start3A_100] : memref<20000x128xf32, #tpu.memory_space<hbm>> -> memref<16x128xf32, #tpu.memory_space<hbm>>
        %dma_start3A_102 = arith.constant 9984 : i32
        %dma_start3A_103 = arith.constant 0 : i32
        %dma_start3A_104 = tpu.memref_slice %arg12[%dma_start3A_102, %dma_start3A_103] : memref<10016x128xf32, #tpu.memory_space<vmem_shared>> -> memref<16x128xf32, #tpu.memory_space<vmem_shared>>
        tpu.enqueue_dma source(%dma_start3A_104 : memref<16x128xf32, #tpu.memory_space<vmem_shared>>) target(%dma_start3A_101 : memref<16x128xf32, #tpu.memory_space<hbm>>) target_semaphore(%run_scoped3A_99 : memref<!tpu.dma_semaphore, #tpu.memory_space<semaphore_mem>>)
        %dma_wait3A_105 = arith.constant 0 : i32
        %dma_wait3A_106 = tpu.memref_slice %arg5[%add3A_98, %dma_wait3A_105] : memref<20000x128xf32, #tpu.memory_space<hbm>> -> memref<16x128xf32, #tpu.memory_space<hbm>>
        %dma_wait3A_107 = arith.constant 9984 : i32
        %dma_wait3A_108 = arith.constant 0 : i32
        %dma_wait3A_109 = tpu.memref_slice %arg12[%dma_wait3A_107, %dma_wait3A_108] : memref<10016x128xf32, #tpu.memory_space<vmem_shared>> -> memref<16x128xf32, #tpu.memory_space<vmem_shared>>
        tpu.wait_dma2 semaphore(%run_scoped3A_99 : memref<!tpu.dma_semaphore, #tpu.memory_space<semaphore_mem>>) src(%dma_wait3A_109 : memref<16x128xf32, #tpu.memory_space<vmem_shared>>) dst(%dma_wait3A_106 : memref<16x128xf32, #tpu.memory_space<hbm>>)
        tpu.yield
      }) : () -> ()
    } else {
    }
    return
  }
}

module attributes {stable_mosaic.version = 14 : i64} {
  func.func @_mm_body(%arg0: i32, %arg1: memref<1000x256xf32, #tpu.memory_space<vmem>>, %arg2: memref<1000x1xf32, #tpu.memory_space<vmem>>, %arg3: memref<256x256xf32, #tpu.memory_space<vmem>>, %arg4: memref<256x256xf32, #tpu.memory_space<vmem>>, %arg5: memref<8x256xf32, #tpu.memory_space<vmem>>, %arg6: memref<8x256xf32, #tpu.memory_space<vmem>>, %arg7: memref<1000x256xf32, #tpu.memory_space<vmem>>, %arg8: memref<2x1000x128xf32, #tpu.memory_space<vmem>>) attributes {dimension_semantics = [#tpu.dimension_semantics<arbitrary>], iteration_bounds = array<i64: 10>, scalar_prefetch = 0 : i64, scratch_operands = 0 : i64, tpu.core_type = #tpu.core_type<tc>, window_params = [{transform_indices = @transform_0, window_bounds = array<i64: 1000, 256>}, {transform_indices = @transform_1, window_bounds = array<i64: 1000, 1>}, {pipeline_mode = #tpu.pipeline_mode<synchronous>, transform_indices = @transform_2, window_bounds = array<i64: 256, 256>}, {pipeline_mode = #tpu.pipeline_mode<synchronous>, transform_indices = @transform_3, window_bounds = array<i64: 256, 256>}, {pipeline_mode = #tpu.pipeline_mode<synchronous>, transform_indices = @transform_4, window_bounds = array<i64: 8, 256>}, {pipeline_mode = #tpu.pipeline_mode<synchronous>, transform_indices = @transform_5, window_bounds = array<i64: 8, 256>}, {transform_indices = @transform_6, window_bounds = array<i64: 1000, 256>}, {transform_indices = @transform_7, window_bounds = array<i64: 2, 1000, 128>}]} {
    %get3A = arith.constant 0 : index
    %get3A_0 = arith.constant 0 : index
    %get3A_1 = vector.load %arg1[%get3A, %get3A_0] : memref<1000x256xf32, #tpu.memory_space<vmem>>, vector<1000x256xf32>
    %get3A_2 = arith.constant 0 : index
    %get3A_3 = arith.constant 0 : index
    %get3A_4 = vector.load %arg3[%get3A_2, %get3A_3] : memref<256x256xf32, #tpu.memory_space<vmem>>, vector<256x256xf32>
    %dot_general3A = arith.constant dense<0.000000e+00> : vector<1000x256xf32>
    %dot_general3A_5 = tpu.matmul %get3A_1, %get3A_4, %dot_general3A {dimension_numbers = #tpu.dot_dimension_numbers<[1], [1], [0], [0], [0, 0, 1, 0], [], []>, transpose_lhs_hint = false} : vector<1000x256xf32>, vector<256x256xf32>, vector<1000x256xf32> -> vector<1000x256xf32>
    %get3A_6 = arith.constant 0 : index
    %get3A_7 = arith.constant 0 : index
    %get3A_8 = vector.load %arg5[%get3A_6, %get3A_7] : memref<8x256xf32, #tpu.memory_space<vmem>>, vector<1x256xf32>
    %add3A = vector.broadcast %get3A_8 : vector<1x256xf32> to vector<1000x256xf32>
    %add3A_9 = arith.addf %dot_general3A_5, %add3A : vector<1000x256xf32>
    %swap3A = arith.constant 0 : index
    %swap3A_10 = arith.constant 0 : index
    %swap3A_11 = vector.load %arg7[%swap3A, %swap3A_10] : memref<1000x256xf32, #tpu.memory_space<vmem>>, vector<1000x256xf32>
    tpu.vector_store %arg7[%swap3A, %swap3A_10], %add3A_9 {strides = array<i32>} : memref<1000x256xf32, #tpu.memory_space<vmem>>, vector<1000x256xf32>,
    %get3A_12 = arith.constant 0 : index
    %get3A_13 = arith.constant 0 : index
    %get3A_14 = vector.load %arg2[%get3A_12, %get3A_13] : memref<1000x1xf32, #tpu.memory_space<vmem>>, vector<1000x1xf32>
    %mul3A = vector.broadcast %get3A_14 : vector<1000x1xf32> to vector<1000x256xf32>
    %mul3A_15 = arith.mulf %get3A_1, %mul3A : vector<1000x256xf32>
    %get3A_16 = arith.constant 0 : index
    %get3A_17 = arith.constant 0 : index
    %get3A_18 = vector.load %arg4[%get3A_16, %get3A_17] : memref<256x256xf32, #tpu.memory_space<vmem>>, vector<256x256xf32>
    %dot_general3A_19 = arith.constant dense<0.000000e+00> : vector<1000x256xf32>
    %dot_general3A_20 = tpu.matmul %mul3A_15, %get3A_18, %dot_general3A_19 {dimension_numbers = #tpu.dot_dimension_numbers<[1], [1], [0], [0], [0, 0, 1, 0], [], []>, transpose_lhs_hint = false} : vector<1000x256xf32>, vector<256x256xf32>, vector<1000x256xf32> -> vector<1000x256xf32>
    %get3A_21 = arith.constant 0 : index
    %get3A_22 = arith.constant 0 : index
    %get3A_23 = vector.load %arg6[%get3A_21, %get3A_22] : memref<8x256xf32, #tpu.memory_space<vmem>>, vector<1x256xf32>
    %add3A_24 = vector.broadcast %get3A_23 : vector<1x256xf32> to vector<1000x256xf32>
    %add3A_25 = arith.addf %dot_general3A_20, %add3A_24 : vector<1000x256xf32>
    %slice3A = vector.extract_strided_slice %add3A_25 {offsets = [0, 0], sizes = [1000, 128], strides = [1, 1]} : vector<1000x256xf32> to vector<1000x128xf32>
    %swap3A_26 = arith.constant 0 : index
    %swap3A_27 = arith.constant 0 : index
    %swap3A_28 = arith.constant 0 : index
    %swap3A_29 = vector.load %arg8[%swap3A_26, %swap3A_27, %swap3A_28] : memref<2x1000x128xf32, #tpu.memory_space<vmem>>, vector<1x1000x128xf32>
    %swap3A_30 = vector.shape_cast %swap3A_29 : vector<1x1000x128xf32> to vector<1000x128xf32>
    %swap3A_31 = vector.shape_cast %slice3A : vector<1000x128xf32> to vector<1x1000x128xf32>
    tpu.vector_store %arg8[%swap3A_26, %swap3A_27, %swap3A_28], %swap3A_31 {strides = array<i32>} : memref<2x1000x128xf32, #tpu.memory_space<vmem>>, vector<1x1000x128xf32>,
    %slice3A_32 = vector.extract_strided_slice %add3A_25 {offsets = [0, 128], sizes = [1000, 128], strides = [1, 1]} : vector<1000x256xf32> to vector<1000x128xf32>
    %swap3A_33 = arith.constant 1 : index
    %swap3A_34 = arith.constant 0 : index
    %swap3A_35 = arith.constant 0 : index
    %swap3A_36 = vector.load %arg8[%swap3A_33, %swap3A_34, %swap3A_35] : memref<2x1000x128xf32, #tpu.memory_space<vmem>>, vector<1x1000x128xf32>
    %swap3A_37 = vector.shape_cast %swap3A_36 : vector<1x1000x128xf32> to vector<1000x128xf32>
    %swap3A_38 = vector.shape_cast %slice3A_32 : vector<1000x128xf32> to vector<1x1000x128xf32>
    tpu.vector_store %arg8[%swap3A_33, %swap3A_34, %swap3A_35], %swap3A_38 {strides = array<i32>} : memref<2x1000x128xf32, #tpu.memory_space<vmem>>, vector<1x1000x128xf32>,
    return
  }
  func.func @transform_0(%arg0: i32) -> (i32, i32) {
    %c0_i32 = arith.constant 0 : i32
    %c0_i32_0 = arith.constant 0 : i32
    return %arg0, %c0_i32 : i32, i32
  }
  func.func @transform_1(%arg0: i32) -> (i32, i32) {
    %c0_i32 = arith.constant 0 : i32
    %c0_i32_0 = arith.constant 0 : i32
    return %arg0, %c0_i32 : i32, i32
  }
  func.func @transform_2(%arg0: i32) -> (i32, i32) {
    %c0_i32 = arith.constant 0 : i32
    %c0_i32_0 = arith.constant 0 : i32
    %c0_i32_1 = arith.constant 0 : i32
    return %c0_i32, %c0_i32_0 : i32, i32
  }
  func.func @transform_3(%arg0: i32) -> (i32, i32) {
    %c0_i32 = arith.constant 0 : i32
    %c0_i32_0 = arith.constant 0 : i32
    %c0_i32_1 = arith.constant 0 : i32
    return %c0_i32, %c0_i32_0 : i32, i32
  }
  func.func @transform_4(%arg0: i32) -> (i32, i32) {
    %c0_i32 = arith.constant 0 : i32
    %c0_i32_0 = arith.constant 0 : i32
    %c0_i32_1 = arith.constant 0 : i32
    return %c0_i32, %c0_i32_0 : i32, i32
  }
  func.func @transform_5(%arg0: i32) -> (i32, i32) {
    %c0_i32 = arith.constant 0 : i32
    %c0_i32_0 = arith.constant 0 : i32
    %c0_i32_1 = arith.constant 0 : i32
    return %c0_i32, %c0_i32_0 : i32, i32
  }
  func.func @transform_6(%arg0: i32) -> (i32, i32) {
    %c0_i32 = arith.constant 0 : i32
    %c0_i32_0 = arith.constant 0 : i32
    return %arg0, %c0_i32 : i32, i32
  }
  func.func @transform_7(%arg0: i32) -> (i32, i32, i32) {
    %c0_i32 = arith.constant 0 : i32
    %c0_i32_0 = arith.constant 0 : i32
    %c0_i32_1 = arith.constant 0 : i32
    return %c0_i32, %arg0, %c0_i32_0 : i32, i32, i32
  }
}

module attributes {stable_mosaic.version = 14 : i64} {
  func.func @_combine_body(%arg0: i32, %arg1: memref<1000x256xf32, #tpu.memory_space<vmem>>, %arg2: memref<2x1000x128xf32, #tpu.memory_space<vmem>>, %arg3: memref<1000x1xf32, #tpu.memory_space<vmem>>, %arg4: memref<1000x256xf32, #tpu.memory_space<vmem>>) attributes {dimension_semantics = [#tpu.dimension_semantics<arbitrary>], iteration_bounds = array<i64: 10>, scalar_prefetch = 0 : i64, scratch_operands = 0 : i64, tpu.core_type = #tpu.core_type<tc>, window_params = [{transform_indices = @transform_0, window_bounds = array<i64: 1000, 256>}, {transform_indices = @transform_1, window_bounds = array<i64: 2, 1000, 128>}, {transform_indices = @transform_2, window_bounds = array<i64: 1000, 1>}, {transform_indices = @transform_3, window_bounds = array<i64: 1000, 256>}]} {
    %get3A = arith.constant 0 : index
    %get3A_0 = arith.constant 0 : index
    %get3A_1 = arith.constant 0 : index
    %get3A_2 = vector.load %arg2[%get3A, %get3A_0, %get3A_1] : memref<2x1000x128xf32, #tpu.memory_space<vmem>>, vector<1x1000x128xf32>
    %get3A_3 = vector.shape_cast %get3A_2 : vector<1x1000x128xf32> to vector<1000x128xf32>
    %get3A_4 = arith.constant 1 : index
    %get3A_5 = arith.constant 0 : index
    %get3A_6 = arith.constant 0 : index
    %get3A_7 = vector.load %arg2[%get3A_4, %get3A_5, %get3A_6] : memref<2x1000x128xf32, #tpu.memory_space<vmem>>, vector<1x1000x128xf32>
    %get3A_8 = vector.shape_cast %get3A_7 : vector<1x1000x128xf32> to vector<1000x128xf32>
    %concatenate3A = tpu.concatenate %get3A_3, %get3A_8 in 1 : vector<1000x128xf32>, vector<1000x128xf32> -> vector<1000x256xf32>
    %get3A_9 = arith.constant 0 : index
    %get3A_10 = arith.constant 0 : index
    %get3A_11 = vector.load %arg1[%get3A_9, %get3A_10] : memref<1000x256xf32, #tpu.memory_space<vmem>>, vector<1000x256xf32>
    %get3A_12 = arith.constant 0 : index
    %get3A_13 = arith.constant 0 : index
    %get3A_14 = vector.load %arg3[%get3A_12, %get3A_13] : memref<1000x1xf32, #tpu.memory_space<vmem>>, vector<1000x1xf32>
    %mul3A = vector.broadcast %get3A_14 : vector<1000x1xf32> to vector<1000x256xf32>
    %mul3A_15 = arith.mulf %mul3A, %concatenate3A : vector<1000x256xf32>
    %add3A = arith.addf %get3A_11, %mul3A_15 : vector<1000x256xf32>
    %swap3A = arith.constant 0 : index
    %swap3A_16 = arith.constant 0 : index
    %swap3A_17 = vector.load %arg4[%swap3A, %swap3A_16] : memref<1000x256xf32, #tpu.memory_space<vmem>>, vector<1000x256xf32>
    tpu.vector_store %arg4[%swap3A, %swap3A_16], %add3A {strides = array<i32>} : memref<1000x256xf32, #tpu.memory_space<vmem>>, vector<1000x256xf32>,
    return
  }
  func.func @transform_0(%arg0: i32) -> (i32, i32) {
    %c0_i32 = arith.constant 0 : i32
    %c0_i32_0 = arith.constant 0 : i32
    return %arg0, %c0_i32 : i32, i32
  }
  func.func @transform_1(%arg0: i32) -> (i32, i32, i32) {
    %c0_i32 = arith.constant 0 : i32
    %c0_i32_0 = arith.constant 0 : i32
    %c0_i32_1 = arith.constant 0 : i32
    return %c0_i32, %arg0, %c0_i32_0 : i32, i32, i32
  }
  func.func @transform_2(%arg0: i32) -> (i32, i32) {
    %c0_i32 = arith.constant 0 : i32
    %c0_i32_0 = arith.constant 0 : i32
    return %arg0, %c0_i32 : i32, i32
  }
  func.func @transform_3(%arg0: i32) -> (i32, i32) {
    %c0_i32 = arith.constant 0 : i32
    %c0_i32_0 = arith.constant 0 : i32
    return %arg0, %c0_i32 : i32, i32
  }
}

</mosaic_0001>

<sc_bundles>
// kernel: kernel.5.cloned.1.call-start
scs
__scs_entry_jumppad:
0x0: {  	(pc) =	sbr.rel $0x88, $3  }
0x1: {  	(tag) =	ssettag $0x0;
	lr =	simm.s32 $0x1  }
0x2: {  	[smem:$0x3F9A] =	sst lr;
	_ =	strace $0xD0000000  }
0x3: {  	_ = 	snop  }
0x4: {  	_ = 	snop  }
0x5: {  	_ = 	snop  }
0x6: {  	_ = 	snop  }
0x7: {  	_ = 	snop  }
__scs_overlays_trampoline_lowered:
0x8: {  	[smem:$0x3FA9] =	sst s0  }
0x9: {  	[smem:$0x3FAA] =	sst s1  }
0xa: {  	[smem:$0x3FAB] =	sst s2  }
0xb: {  	[smem:$0x3FAC] =	sst s3  }
0xc: {  	[smem:$0x3FAD] =	sst s4  }
0xd: {  	[smem:$0x3FAE] =	sst s5  }
0xe: {  	[smem:$0x3FAF] =	sst s6  }
0xf: {  	[smem:$0x3FB0] =	sst s7  }
0x10: {  	[smem:$0x3FB1] =	sst s8  }
0x11: {  	[smem:$0x3FB2] =	sst s9;
	s0 =	simm.s32 @!p0 $0x0  }
0x12: {  	s1 =	sld [smem:$0x3F98];
	s0 =	simm.s32 @p0 $0x1  }
0x13: {  	[smem:$0x3FB3] =	sst s0;
	s0 =	simm.s32 @!p1 $0x0  }
0x14: {  	s2 =	sld [smem:$0x3F97];
	s0 =	simm.s32 @p1 $0x1  }
0x15: {  	[smem:$0x3FB4] =	sst s0;
	s0 =	simm.s32 @!p2 $0x0  }
0x16: {  	s3 =	sld [smem:$0x3FDB];
	s0 =	simm.s32 @p2 $0x1  }
0x17: {  	s4 =	simm.s32 $0x1BF5;
	[smem:$0x3FB6] =	sst s0  }
0x18: {  	s0 =	sld [smem:$0x3F99];
	_ =	swait.ge [sflag:s4], $0x0  }
0x19: {  	s7 =	sld [smem:$0x3F9A]  }
0x1a: {  	s8 =	sadd.s32 $0xFFFFE003, lr  }
0x1b: {  	s9 =	sadd.s32 $0xFFFFFEF7, lr;
	s5 =	simm.s32 $0xFFFFFFFF;
	p2 =	slt.u32 s8, $0xFFFFF086  }
0x1c: {  	p1 =	slt.u32 s9, $0xF7A;
	s5 =	simm.s32 @!p2 $0x0  }
0x1d: {  	s5 =	simm.s32 @p1 $0x1;
	p0 =	seq.s32 s7, s2  }
0x1e: {  	s7 =	smul.u32 @!p0 $0xF7A, s2;
	p2 =	seq.s32 @!p0 s5, $0x0  }
0x1f: {  	s9 =	smul.u32 $0xF7A, s1;
	s8 =	simm.s32 @!p0 $0x1BF5;
	p2 =	por !p2, p0  }
0x20: {  	[sflag:s8] =	ssyncset.s32 @!p0 $0xFFFFF086;
	s6 =	sadd.s32 @!p0 s3, s7;
	s7 =	simm.s32 @!p0 $0x108  }
0x21: {  	s3 =	sadd.s32 s3, s9;
	s6 =	sadd.s32 @!p0 $0x88, s6;
	s7 =	simm.s32 @p2 $0x1082  }
0x22: {  	[simem:s7], [sflag:s8] =	dma.local @!p0 [hbm:s6], $0xF7A  }
0x23: {  	s9 =	sor.u32 $0xD0000000, s2;
	s6 =	simm.s32 $0x108;
	_ =	swait.ge @!p0 [sflag:s8], $0x0  }
0x24: {  	s3 =	sadd.s32 $0x88, s3;
	s6 =	simm.s32 @!p1 $0x1082;
	[sflag:s4] =	ssyncset.s32 $0xFFFFF086  }
0x25: {  	[simem:s6], [sflag:s4] =	dma.local [hbm:s3], $0xF7A  }
0x26: {  	[smem:$0x3F9A] =	sst s1;
	(tag) =	ssettag s2;
	_ =	strace s9  }
0x27: {  	s1 =	sld [smem:$0x3FAA]  }
0x28: {  	s2 =	sld [smem:$0x3FAB]  }
0x29: {  	s4 =	sld [smem:$0x3FAD]  }
0x2a: {  	p0 =	seq.s32 s5, $0x0;
	s5 =	sld [smem:$0x3FAE]  }
0x2b: {  	s6 =	sld [smem:$0x3FAF]  }
0x2c: {  	s7 =	sld [smem:$0x3FB0]  }
0x2d: {  	s3 =	simm.s32 $0x108;
	s8 =	sld [smem:$0x3FB1]  }
0x2e: {  	s3 =	simm.s32 @!p0 $0x1082;
	s9 =	sld [smem:$0x3FB2]  }
0x2f: {  	lr =	sadd.s32 s0, s3;
	s0 =	sld [smem:$0x3FA9]  }
0x30: {  	s3 =	sld [smem:$0x3FAC]  }
0x31: {  	[smem:$0x3FB5] =	sst s10  }
0x32: {  	s10 =	sld [smem:$0x3FB3];
	_ =	sdelay $0x3  }
0x33: {  	p0 =	seq.s32 s10, $0x1;
	s10 =	sld [smem:$0x3FB5];
	_ =	sdelay $0x3  }
0x34: {  	[smem:$0x3FB5] =	sst s10  }
0x35: {  	s10 =	sld [smem:$0x3FB4];
	_ =	sdelay $0x3  }
0x36: {  	p1 =	seq.s32 s10, $0x1;
	s10 =	sld [smem:$0x3FB5];
	_ =	sdelay $0x3  }
0x37: {  	[smem:$0x3FB5] =	sst s10  }
0x38: {  	s10 =	sld [smem:$0x3FB6]  }
0x39: {  	_ = 	snop;
	(pc) =	sbr.ind lr, $3  }
0x3a: {  	_ = 	snop  }
0x3b: {  	_ = 	snop  }
0x3c: {  	p2 =	seq.s32 s10, $0x1;
	s10 =	sld [smem:$0x3FB5]  }
0x3d: {  	_ =	shalt  }
0x3e: {  	_ =	shalt  }
0x3f: {  	_ =	shalt  }
0x40: {  	_ =	shalt  }
0x41: {  	_ =	shalt  }
0x42: {  	_ =	shalt  }
0x43: {  	_ =	shalt  }
0x44: {  	_ =	shalt  }
0x45: {  	_ =	shalt  }
0x46: {  	_ =	shalt  }
0x47: {  	_ =	shalt  }
0x48: {  	_ =	shalt  }
0x49: {  	_ =	shalt  }
0x4a: {  	_ =	shalt  }
0x4b: {  	_ =	shalt  }
0x4c: {  	_ =	shalt  }
0x4d: {  	_ =	shalt  }
0x4e: {  	_ =	shalt  }
0x4f: {  	_ =	shalt  }
0x50: {  	_ =	shalt  }
0x51: {  	_ =	shalt  }
0x52: {  	_ =	shalt  }
0x53: {  	_ =	shalt  }
0x54: {  	_ =	shalt  }
0x55: {  	_ =	shalt  }
0x56: {  	_ =	shalt  }
0x57: {  	_ =	shalt  }
0x58: {  	_ =	shalt  }
0x59: {  	_ =	shalt  }
0x5a: {  	_ =	shalt  }
0x5b: {  	_ =	shalt  }
0x5c: {  	_ =	shalt  }
0x5d: {  	_ =	shalt  }
0x5e: {  	_ =	shalt  }
0x5f: {  	_ =	shalt  }
0x60: {  	_ =	shalt  }
0x61: {  	_ =	shalt  }
0x62: {  	_ =	shalt  }
0x63: {  	_ =	shalt  }
0x64: {  	_ =	shalt  }
0x65: {  	_ =	shalt  }
0x66: {  	_ =	shalt  }
0x67: {  	_ =	shalt  }
0x68: {  	_ =	shalt  }
0x69: {  	_ =	shalt  }
0x6a: {  	_ =	shalt  }
0x6b: {  	_ =	shalt  }
0x6c: {  	_ =	shalt  }
0x6d: {  	_ =	shalt  }
0x6e: {  	_ =	shalt  }
0x6f: {  	_ =	shalt  }
0x70: {  	_ =	shalt  }
0x71: {  	_ =	shalt  }
0x72: {  	_ =	shalt  }
0x73: {  	_ =	shalt  }
0x74: {  	_ =	shalt  }
0x75: {  	_ =	shalt  }
0x76: {  	_ =	shalt  }
0x77: {  	_ =	shalt  }
0x78: {  	_ =	shalt  }
0x79: {  	_ =	shalt  }
0x7a: {  	_ =	shalt  }
0x7b: {  	_ =	shalt  }
0x7c: {  	_ =	shalt  }
0x7d: {  	_ =	shalt  }
0x7e: {  	_ =	shalt  }
0x7f: {  	_ =	shalt  }
0x80: {  	_ =	shalt  }
0x81: {  	_ =	shalt  }
0x82: {  	_ =	shalt  }
0x83: {  	_ =	shalt  }
0x84: {  	_ =	shalt  }
0x85: {  	_ =	shalt  }
0x86: {  	_ =	shalt  }
0x87: {  	_ =	shalt  }
.Lfunc_end0:
.L_simem_size_0:
called_computation_lowered:
.L_overlay_start_0:
0x88: {  	s2 =	sld [smem:$0x3FD9]  }
0x89: {  	s3 =	sld [smem:$0x3FFE];
	_ =	sdelay $0x1  }
0x8a: {  	s1 =	srdreg.scid  }
0x8b: {  	s0 =	sand.u32 $0x1, s1  }
0x8c: {  	s17 =	sshll.u32 s0, $0xA;
	s2 =	sadd.s32 s3, s2  }
0x8d: {  	s2 =	sadd.s32 s2, s17  }
0x8e: {  	[smem:$0x3FC1] =	sst s2  }
0x8f: {  	_ = 	snop  }
0x90: {  	s2 =	sld [smem:$0x3FD0];
	(tm) =	ssettm $0x1  }
0x91: {  	s18 =	sld [smem:$0x3FFB];
	_ =	sdelay $0x3  }
0x92: {  	_ =	strace s18  }
0x93: {  	s3 =	sld [smem:$0x3FFC];
	_ =	sdelay $0x3  }
0x94: {  	_ =	strace s3  }
0x95: {  	s3 =	sld [smem:$0x3FFD];
	_ =	sdelay $0x3  }
0x96: {  	_ =	strace s3  }
0x97: {  	_ =	strace $0x8FFFFFFF  }
0x98: {  	s19 =	sld [smem:$0x3FDB];
	_ =	sdelay $0x1  }
0x99: {  	s4 =	simm.s32 $_scs_section_size  }
0x9a: {  	s5 =	simm.s32 $_size__tile_overlayer_lowered;
	s6 =	simm.s32 $_tile_overlayer_lowered  }
0x9b: {  	s22 =	simm.s32 $0x1BFF;
	s21 =	sshll.u32 s6, $0x1;
	s3 =	sadd.s32 s4, s19  }
0x9c: {  	s7 =	simm.s32 $0x0;
	s20 =	sshll.u32 s5, $0x1;
	s5 =	sadd.s32 s21, s3  }
0x9d: {  	[timem:s7], [sflag:s22] =	dma.local [hbm:s5], s20  }
0x9e: {  	_ =	swait.ge [sflag:s22], s20  }
0x9f: {  	s4 =	ssub.s32 $0x0, s20;
	[sflag:s22] =	ssyncset.done $0x0  }
0xa0: {  	[sflag:s22] =	ssyncadd.s32 s4;
	_ =	sdelay $0x1  }
0xa1: {  	s23 =	simm.s32 $0x1B8B  }
0xa2: {  	_ =	swait.ge [sflag:s23], $0x1  }
0xa3: {  	[sflag:s23] =	ssyncset.done $0x0  }
0xa4: {  	s25 =	simm.s32 $0x1B8E;
	s24 =	sld [smem:$0x3FFE];
	[sflag:s23] =	ssyncadd.s32 $0xFFFFFFFF  }
0xa5: {  	s26 =	simm.s32 $execute0_lowered;
	[smem:$0x3FD2] =	sst s25  }
0xa6: {  	s5 =	sshll.u32 s26, $0x1;
	_ =	strace $0x80000046;
	[dreg:$0x1] =	wrdreg $0xFFFFFFFF  }
0xa7: {  	s28 =	simm.s32 $_size_execute0_lowered;
	s3 =	sadd.s32 s3, s5;
	[dreg:$0x0] =	wrdreg $0x0  }
0xa8: {  	s5 =	sshll.u32 s28, $0x1;
	[dreg:$0x2] =	wrdreg s3  }
0xa9: {  	[dreg:$0x3] =	wrdreg s5  }
0xaa: {  	[dreg:$0x4] =	wrdreg $0xC0  }
0xab: {  	_ =	task [dreg:s7], $0x5FFFF  }
0xac: {  	[dreg:$0x1] =	wrdreg $0xFFFFFFFF  }
0xad: {  	[dreg:$0x0] =	wrdreg $0x60  }
0xae: {  	[dreg:$0x2] =	wrdreg s2  }
0xaf: {  	[dreg:$0x3] =	wrdreg s24  }
0xb0: {  	[dreg:$0x4] =	wrdreg $0xA0000  }
0xb1: {  	[dreg:$0x5] =	wrdreg $0x9  }
0xb2: {  	_ =	task.clear_ibuf [dreg:s7], $0x6FFFF;
	_ =	strace $0x90000046  }
0xb3: {  	s29 =	simm.s32 $0x9;
	_ =	strace $0x80000048  }
0xb4: {  	_ =	swait.ge [sflag:s29], $0x1  }
0xb5: {  	[sflag:s29] =	ssyncadd.s32 $0xFFFFFFFF  }
0xb6: {  	_ =	strace $0x90000048  }
0xb7: {  	_ =	sfence  }
0xb8: {  	s30 =	sld [smem:$0x0];
	_ =	sdelay $0x2  }
0xb9: {  	s31 =	sshll.u32 s1, $0xD;
	s1 =	sshrl.u32 s1, $0x2  }
0xba: {  	s3 =	sand.u32 $0x4000, s31;
	s1 =	sadd.s32 s1, s30  }
0xbb: {  	s0 =	sor.u32 s3, s0;
	s1 =	sshll.u32 s1, $0x11  }
0xbc: {  	s0 =	sor.u32 s1, s0  }
0xbd: {  	s0 =	sadd.s32 $0x8F2B, s0  }
0xbe: {  	[sflag:s0] =	ssyncadd.remote.s32 $0x1  }
0xbf: {  	_ =	sfence.sel $0xFFFF  }
0xc0: {  	[dreg:$0x0] =	wrdreg $0xFFFFFFFF;
	(pc) =	sbr.abs _section_cstart, $3  }
0xc1: {  	[dreg:$0x1] =	wrdreg $0xFFFFFFFF  }
0xc2: {  	_ =	task.clear_ibuf [dreg:s7], $0x2FFFF;
	_ =	strace $0x9FFFFFFF  }
0xc3: {  	(tm) =	ssettm $0x7FFFFFFF  }
tec
execute0_lowered:
.L_overlay_start_1:
0x0: {  	(tag) =	ssettag $0x1  }
0x1: {  	s0 =	rddreg [dreg:$0x0]  }
0x2: {  	s5 =	rddreg [dreg:$0x1]  }
0x3: {  	s3 =	rddreg [dreg:$0x2];
	s4 =	simm.s32 $0x0  }
0x4: {  	s26 =	simm.s32 $0x100;
	[smem:$0x7FF] =	sst s4  }
0x5: {  	s12 =	simm.s32 $0x1100;
	_ =	strace $0x80000047;
	[dreg:$0x7] =	wrdreg s26  }
0x6: {  	s13 =	simm.s32 $0x200;
	[dreg:$0xa] =	wrdreg s12  }
0x7: {  	s15 =	simm.s32 $0x1180;
	[dreg:$0xb] =	wrdreg s13  }
0x8: {  	s16 =	simm.s32 $0x280;
	[dreg:$0xc] =	wrdreg s15  }
0x9: {  	s17 =	simm.s32 $0x1200;
	[dreg:$0xd] =	wrdreg s16  }
0xa: {  	s18 =	simm.s32 $0x300;
	[dreg:$0xe] =	wrdreg s17  }
0xb: {  	s19 =	simm.s32 $0x1280;
	[dreg:$0xf] =	wrdreg s18  }
0xc: {  	s20 =	simm.s32 $0x380;
	[dreg:$0x10] =	wrdreg s19  }
0xd: {  	s21 =	simm.s32 $0x1300;
	[dreg:$0x11] =	wrdreg s20  }
0xe: {  	s22 =	simm.s32 $0x400;
	[dreg:$0x12] =	wrdreg s21  }
0xf: {  	[dreg:$0x13] =	wrdreg s22;
	s12 =	simm.s32 $0x1400  }
0x10: {  	s13 =	simm.s32 $0x500;
	[dreg:$0x16] =	wrdreg s12  }
0x11: {  	s16 =	simm.s32 $0x1480;
	[dreg:$0x17] =	wrdreg s13  }
0x12: {  	s1 =	srdreg.scid;
	s17 =	simm.s32 $0x580;
	[dreg:$0x18] =	wrdreg s16  }
0x13: {  	s14 =	stileid.u32;
	s18 =	simm.s32 $0x600;
	[dreg:$0x19] =	wrdreg s17  }
0x14: {  	s28 =	simm.s32 $0x2;
	s20 =	simm.s32 $0x1580;
	[dreg:$0x1b] =	wrdreg s18  }
0x15: {  	s1 =	sand.u32 $0x1, s1;
	s22 =	simm.s32 $0x680;
	[dreg:$0x1c] =	wrdreg s20  }
0x16: {  	s2 =	smul.u32 $0x6000, s14;
	s13 =	simm.s32 $0x1500;
	[dreg:$0x1d] =	wrdreg s22  }
0x17: {  	s9 =	smul.u32 $0xC00, s14;
	s16 =	simm.s32 $0x780;
	[dreg:$0x1a] =	wrdreg s13  }
0x18: {  	s6 =	smul.u32 $0x60000, s1;
	s20 =	simm.s32 $0x1780;
	[smem:$0x7E1] =	sst s16  }
0x19: {  	s7 =	sadd.s32 $0xCC00, s5;
	s22 =	simm.s32 $0x880;
	[smem:$0x7E3] =	sst s20  }
0x1a: {  	s8 =	sadd.s32 s2, s6;
	[smem:$0x7E6] =	sst s22;
	s13 =	simm.s32 $0xA80  }
0x1b: {  	s6 =	sadd.s32 $0xC00, s5;
	s16 =	simm.s32 $0xB00;
	[smem:$0x7F0] =	sst s13  }
0x1c: {  	s20 =	simm.s32 $0xB80;
	s22 =	simm.s32 $0xC00;
	[smem:$0x7F4] =	sst s16  }
0x1d: {  	s10 =	sor.u32 $0x1000, s8;
	s9 =	sadd.s32 s9, s6;
	[smem:$0x7F6] =	sst s20  }
0x1e: {  	s11 =	sor.u32 $0x1800, s8;
	s8 =	sshrl.u32 s8, $0x3;
	[smem:$0x7F8] =	sst s22  }
0x1f: {  	[dreg:$0x4] =	wrdreg s9;
	s24 =	sshrl.u32 s11, $0x3;
	s11 =	simm.s32 $0x180  }
0x20: {  	s29 =	simm.s32 $0x1C80;
	s18 =	sadd.s32 s7, s8;
	[dreg:$0x9] =	wrdreg s11  }
0x21: {  	s10 =	sshrl.u32 s10, $0x3;
	s8 =	simm.s32 $0xA00;
	[smem:$0x7E4] =	sst s18  }
0x22: {  	s30 =	simm.s32 $0xD80;
	s23 =	sadd.s32 s10, s7;
	[smem:$0x7EE] =	sst s8  }
0x23: {  	s31 =	simm.s32 $0x1D00;
	s25 =	sadd.s32 s24, s7;
	[dreg:$0x5] =	wrdreg s23  }
0x24: {  	p0 =	sne.s32 s14, $0xF;
	s10 =	simm.s32 $0x1080;
	[dreg:$0x6] =	wrdreg s25  }
0x25: {  	s9 =	sadd.s32 $0x24C00, s5;
	s5 =	sadd.s32 $0x100, s18;
	[dreg:$0x8] =	wrdreg s10  }
0x26: {  	s15 =	smul.u32 $0x4E000, s14;
	s7 =	simm.s32 $0x1900;
	[smem:$0x7E5] =	sst s5  }
0x27: {  	s12 =	smul.u32 $0x2700, s14;
	s23 =	simm.s32 $0x1380;
	[smem:$0x7EC] =	sst s7  }
0x28: {  	s24 =	ssub.s32 $0x2, s1;
	s25 =	simm.s32 $0x480;
	[dreg:$0x14] =	wrdreg s23  }
0x29: {  	s10 =	sshrl.u32 s15, $0x2;
	s15 =	simm.s32 $0x1680;
	[dreg:$0x15] =	wrdreg s25  }
0x2a: {  	s26 =	sshrl.u32 s24, $0x1;
	s5 =	simm.s32 $0x980;
	[smem:$0x7E0] =	sst s15  }
0x2b: {  	s11 =	ssub.s32 s24, s26;
	s24 =	simm.s32 $0x1600;
	[smem:$0x7EB] =	sst s5  }
0x2c: {  	s17 =	sadd.s32 s10, s3;
	s10 =	sadd.s32 $0x138000, s3;
	[dreg:$0x1e] =	wrdreg s24  }
0x2d: {  	s14 =	simm.s32 $0x1F00;
	s26 =	simm.s32 $0x700;
	[smem:$0x7DF] =	sst s10  }
0x2e: {  	s2 =	sshrl.u32 s2, $0x3;
	s15 =	simm.s32 $0x1A00;
	[dreg:$0x1f] =	wrdreg s26  }
0x2f: {  	s20 =	simm.s32 $0x1000;
	s22 =	simm.s32 $0x1800;
	[smem:$0x7F2] =	sst s15  }
0x30: {  	s13 =	simm.s32 $0xF80;
	s19 =	sadd.s32 $0x4000, s17;
	[smem:$0x7FD] =	sst s17  }
0x31: {  	s16 =	simm.s32 $0x0;
	s21 =	sadd.s32 $0x8000, s17;
	[smem:$0x7DB] =	sst s19  }
0x32: {  	s8 =	simm.s32 $0xF00;
	s23 =	sadd.s32 $0xC000, s17;
	[smem:$0x7DC] =	sst s21  }
0x33: {  	s7 =	simm.s32 $0x1E00;
	s25 =	sadd.s32 $0x10000, s17;
	[smem:$0x7DD] =	sst s23  }
0x34: {  	s24 =	smul.u32 $0x27100, s1;
	s18 =	smax.u32 s11, $0x1;
	[smem:$0x7DE] =	sst s25  }
0x35: {  	s1 =	smul.u32 $0x138800, s1;
	s19 =	simm.s32 $0x1700;
	[smem:$0x7F3] =	sst s18  }
0x36: {  	s15 =	simm.s32 $0x1F80;
	s23 =	simm.s32 $0x900;
	[smem:$0x7E2] =	sst s19  }
0x37: {  	s21 =	sadd.s32 s6, s2;
	s25 =	simm.s32 $0x1880;
	[smem:$0x7E7] =	sst s23  }
0x38: {  	s18 =	simm.s32 $0x2000;
	s2 =	simm.s32 $0x1D80;
	[smem:$0x7E8] =	sst s21  }
0x39: {  	s26 =	sadd.s32 $0x100, s21;
	[smem:$0x7EA] =	sst s25;
	s6 =	sadd.s32 s12, s24  }
0x3a: {  	s12 =	simm.s32 $0x1980;
	s1 =	sshrl.u32 s1, $0x3;
	[smem:$0x7E9] =	sst s26  }
0x3b: {  	s19 =	simm.s32 $0x1A80;
	s21 =	simm.s32 $0x1B00;
	[smem:$0x7EF] =	sst s12  }
0x3c: {  	s23 =	simm.s32 $0x1B80;
	s24 =	simm.s32 $0xC80;
	[smem:$0x7F5] =	sst s19  }
0x3d: {  	s25 =	simm.s32 $0x1C00;
	s10 =	sadd.s32 s9, s6;
	[smem:$0x7F7] =	sst s21  }
0x3e: {  	s1 =	sadd.s32 s9, s1;
	s19 =	simm.s32 $0x4;
	[smem:$0x7F9] =	sst s23  }
0x3f: {  	s21 =	simm.s32 $0x800;
	[smem:$0x7FA] =	sst s24;
	s23 =	simm.s32 $0x80  }
0x40: {  	[smem:$0x7FB] =	sst s25;
	s26 =	simm.s32 $0xD00;
	s24 =	simm.s32 $0x6000  }
0x41: {  	s25 =	simm.s32 $0x3;
	s6 =	simm.s32 $0xE80;
	[smem:$0x7ED] =	sst s10  }
0x42: {  	s9 =	simm.s32 $0x1E80;
	s1 =	sadd.s32 $0x27000, s1;
	[smem:$0x7FC] =	sst s26  }
0x43: {  	v0 =	vimm.f32 $0.0e+00;
	s26 =	simm.s32 $0x1;
	[smem:$0x7F1] =	sst s1;
	s1 =	simm.s32 $0xE00  }
.LBB2_1:
0x44: {  	s11 =	simm.s32 $0x0;
	s12 =	simm.s32 $0x200  }
.LBB2_2:
0x45: {  	p1 =	sne.s32 s12, $0xFE00;
	[tilespmem:s11+$0x2070] =	vst v0  }
0x46: {  	[tilespmem:s11+$0x2000] =	vst v0  }
0x47: {  	[tilespmem:s11+$0x2010] =	vst v0  }
.Ltmp0:
0x48: {  	[tilespmem:s11+$0x2020] =	vst v0;
	(pc) =	sbr.rel @p1 .LBB2_2-.Ltmp0, $4  }
0x49: {  	[tilespmem:s11+$0x2030] =	vst v0  }
0x4a: {  	[tilespmem:s11+$0x2040] =	vst v0  }
0x4b: {  	[tilespmem:s11+$0x2050] =	vst v0  }
0x4c: {  	[tilespmem:s11+$0x2060] =	vst v0;
	s11 =	sshra.s32 s12, $0x2;
	s12 =	sadd.s32 $0x200, s12  }
0x4d: {  	[tilespmem:s11+$0x2070] =	vst v0  }
0x4e: {  	[tilespmem:s11+$0x2000] =	vst v0  }
0x4f: {  	[tilespmem:s11+$0x2010] =	vst v0  }
0x50: {  	[tilespmem:s11+$0x2020] =	vst v0  }
0x51: {  	[tilespmem:s11+$0x2030] =	vst v0  }
0x52: {  	[tilespmem:s11+$0x2040] =	vst v0  }
0x53: {  	[tilespmem:s11+$0x2050] =	vst v0  }
0x54: {  	[tilespmem:s11+$0x2060] =	vst v0  }
0x55: {  	[spmem:s17] =	stream.linear.scatter [tilespmem:s18], [sflag:$0x4], $0x4000, $0x38;
	[tilespmem:$0x1D900] =	vst v63  }
0x56: {  	_ =	swait.ge [sflag:s19], $0x4000  }
0x57: {  	s5 =	sld [smem:$0x7DB]  }
0x58: {  	[sflag:s19] =	ssyncset.done $0x0  }
0x59: {  	[sflag:s19] =	ssyncadd.s32 $0xFFFFC000  }
0x5a: {  	[spmem:s5] =	stream.linear.scatter [tilespmem:s18], [sflag:$0x4], $0x4000, $0x38;
	[tilespmem:$0x1D900] =	vst v63  }
0x5b: {  	_ =	swait.ge [sflag:s19], $0x4000  }
0x5c: {  	s10 =	sld [smem:$0x7DC]  }
0x5d: {  	[sflag:s19] =	ssyncset.done $0x0  }
0x5e: {  	[sflag:s19] =	ssyncadd.s32 $0xFFFFC000  }
0x5f: {  	[spmem:s10] =	stream.linear.scatter [tilespmem:s18], [sflag:$0x4], $0x4000, $0x38;
	[tilespmem:$0x1D900] =	vst v63  }
0x60: {  	_ =	swait.ge [sflag:s19], $0x4000  }
0x61: {  	s11 =	sld [smem:$0x7DD]  }
0x62: {  	[sflag:s19] =	ssyncset.done $0x0  }
0x63: {  	[sflag:s19] =	ssyncadd.s32 $0xFFFFC000  }
0x64: {  	[spmem:s11] =	stream.linear.scatter [tilespmem:s18], [sflag:$0x4], $0x4000, $0x38;
	[tilespmem:$0x1D900] =	vst v63  }
0x65: {  	_ =	swait.ge [sflag:s19], $0x4000  }
0x66: {  	s12 =	sld [smem:$0x7DE]  }
0x67: {  	[sflag:s19] =	ssyncset.done $0x0  }
0x68: {  	[sflag:s19] =	ssyncadd.s32 $0xFFFFC000  }
0x69: {  	[spmem:s12] =	stream.linear.scatter [tilespmem:s18], [sflag:$0x4], $0x3800, $0x38;
	[tilespmem:$0x1D900] =	vst v63  }
0x6a: {  	_ =	swait.ge [sflag:s19], $0x3800  }
0x6b: {  	s5 =	sld [smem:$0x7DF]  }
0x6c: {  	[sflag:s19] =	ssyncset.done $0x0  }
0x6d: {  	s11 =	simm.s32 @!p0 $0x2000;
	[sflag:s19] =	ssyncadd.s32 $0xFFFFC800  }
0x6e: {  	[spmem:s5] =	stream.linear.scatter @!p0 [tilespmem:s11], [sflag:$0x4], $0x1000, $0x38;
	[tilespmem:$0x1D900] =	vst v63  }
0x6f: {  	s11 =	simm.s32 @!p0 $0x4  }
0x70: {  	_ =	swait.ge @!p0 [sflag:s11], $0x1000  }
0x71: {  	[sflag:s11] =	ssyncset.done @!p0 $0x0  }
0x72: {  	[sflag:s11] =	ssyncadd.s32 @!p0 $0xFFFFF000  }
0x73: {  	[bflag:$0x0] =	sbarrier.arrive $0xFFFF  }
0x74: {  	s17 =	sld [smem:$0x7E4];
	_ =	sdelay $0x1  }
0x75: {  	s11 =	simm.s32 $0x0  }
0x76: {  	[tilespmem:s11], [sflag:$0x4] =	stream.linear.gather [hbm4b:s17+s11], $0x800, $0x38;
	[tilespmem:$0x1D900] =	vst v63  }
0x77: {  	_ =	swait.ge [sflag:s19], $0x800  }
0x78: {  	s10 =	sld [smem:$0x7E8]  }
0x79: {  	[sflag:s19] =	ssyncset.done $0x0  }
0x7a: {  	[sflag:s19] =	ssyncadd.s32 $0xFFFFF800  }
0x7b: {  	[tilespmem:s20], [sflag:$0x4] =	stream.linear.gather [hbm4b:s10+s11], $0x800, $0x38;
	[tilespmem:$0x1D900] =	vst v63  }
0x7c: {  	_ =	swait.ge [sflag:s19], $0x800  }
0x7d: {  	s12 =	sld [smem:$0x7E5]  }
0x7e: {  	[sflag:s19] =	ssyncset.done $0x0  }
0x7f: {  	s17 =	sld [smem:$0x7E9];
	[sflag:s19] =	ssyncadd.s32 $0xFFFFF800  }
0x80: {  	[tilespmem:s21], [sflag:$0x3] =	stream.linear.gather [hbm4b:s12+s11], $0x800, $0x38;
	[tilespmem:$0x1D900] =	vst v63  }
0x81: {  	_ = 	snop  }
0x82: {  	[tilespmem:s22], [sflag:$0x3] =	stream.linear.gather [hbm4b:s17+s11], $0x800, $0x38;
	[tilespmem:$0x1D900] =	vst v63  }
0x83: {  	_ = 	snop  }
0x84: {  	[tilespmem:s18], [sflag:$0x1] =	stream.indirect.gather [hbm4b:s0+s23], $0x80, s11, s23, $0xb8;
	[tilespmem:$0x1D900] =	vst v63  }
0x85: {  	_ = 	snop  }
0x86: {  	[tilespmem:s24], [sflag:$0x2] =	stream.indirect.gather [hbm4b:s0+s23], $0x80, s23, s23, $0xb8;
	[tilespmem:$0x1D900] =	vst v63  }
0x87: {  	_ =	swait.ge [sflag:s25], $0x800  }
0x88: {  	[sflag:s25] =	ssyncset.done $0x0  }
0x89: {  	[sflag:s25] =	ssyncadd.s32 $0xFFFFF800  }
0x8a: {  	_ =	swait.ge [sflag:s25], $0x800  }
0x8b: {  	[sflag:s25] =	ssyncset.done $0x0  }
0x8c: {  	[sflag:s25] =	ssyncadd.s32 $0xFFFFF800  }
0x8d: {  	_ =	swait.ge [sflag:s26], $0x4000  }
0x8e: {  	[sflag:s26] =	ssyncset.done $0x0  }
0x8f: {  	[sflag:s26] =	ssyncadd.s32 $0xFFFFC000  }
0x90: {  	[spmem:s3] =	stream.indirect.scatter.add.f32 [tilespmem:s18], [sflag:$0x4], $0x80, s20, s23, $0xb8;
	[tilespmem:$0x1D900] =	vst v63  }
0x91: {  	_ =	swait.ge [sflag:s19], $0x4000  }
0x92: {  	[sflag:s19] =	ssyncset.done $0x0  }
0x93: {  	s5 =	rddreg [dreg:$0x7];
	[sflag:s19] =	ssyncadd.s32 $0xFFFFC000  }
0x94: {  	[tilespmem:s18], [sflag:$0x1] =	stream.indirect.gather [hbm4b:s0+s23], $0x80, s5, s23, $0xb8;
	[tilespmem:$0x1D900] =	vst v63  }
0x95: {  	_ =	swait.ge [sflag:s28], $0x4000  }
0x96: {  	[sflag:s28] =	ssyncset.done $0x0  }
0x97: {  	s10 =	rddreg [dreg:$0x8];
	[sflag:s28] =	ssyncadd.s32 $0xFFFFC000  }
0x98: {  	[spmem:s3] =	stream.indirect.scatter.add.f32 [tilespmem:s24], [sflag:$0x4], $0x80, s10, s23, $0xb8;
	[tilespmem:$0x1D900] =	vst v63  }
0x99: {  	_ =	swait.ge [sflag:s19], $0x4000  }
0x9a: {  	[sflag:s19] =	ssyncset.done $0x0  }
0x9b: {  	s12 =	rddreg [dreg:$0x9];
	[sflag:s19] =	ssyncadd.s32 $0xFFFFC000  }
0x9c: {  	[tilespmem:s24], [sflag:$0x2] =	stream.indirect.gather [hbm4b:s0+s23], $0x80, s12, s23, $0xb8;
	[tilespmem:$0x1D900] =	vst v63  }
0x9d: {  	_ =	swait.ge [sflag:s26], $0x4000  }
0x9e: {  	[sflag:s26] =	ssyncset.done $0x0  }
0x9f: {  	s17 =	rddreg [dreg:$0xa];
	[sflag:s26] =	ssyncadd.s32 $0xFFFFC000  }
0xa0: {  	[spmem:s3] =	stream.indirect.scatter.add.f32 [tilespmem:s18], [sflag:$0x4], $0x80, s17, s23, $0xb8;
	[tilespmem:$0x1D900] =	vst v63  }
0xa1: {  	_ =	swait.ge [sflag:s19], $0x4000  }
0xa2: {  	[sflag:s19] =	ssyncset.done $0x0  }
0xa3: {  	s5 =	rddreg [dreg:$0xb];
	[sflag:s19] =	ssyncadd.s32 $0xFFFFC000  }
0xa4: {  	[tilespmem:s18], [sflag:$0x1] =	stream.indirect.gather [hbm4b:s0+s23], $0x80, s5, s23, $0xb8;
	[tilespmem:$0x1D900] =	vst v63  }
0xa5: {  	_ =	swait.ge [sflag:s28], $0x4000  }
0xa6: {  	[sflag:s28] =	ssyncset.done $0x0  }
0xa7: {  	s10 =	rddreg [dreg:$0xc];
	[sflag:s28] =	ssyncadd.s32 $0xFFFFC000  }
0xa8: {  	[spmem:s3] =	stream.indirect.scatter.add.f32 [tilespmem:s24], [sflag:$0x4], $0x80, s10, s23, $0xb8;
	[tilespmem:$0x1D900] =	vst v63  }
0xa9: {  	_ =	swait.ge [sflag:s19], $0x4000  }
0xaa: {  	[sflag:s19] =	ssyncset.done $0x0  }
0xab: {  	s12 =	rddreg [dreg:$0xd];
	[sflag:s19] =	ssyncadd.s32 $0xFFFFC000  }
0xac: {  	[tilespmem:s24], [sflag:$0x2] =	stream.indirect.gather [hbm4b:s0+s23], $0x80, s12, s23, $0xb8;
	[tilespmem:$0x1D900] =	vst v63  }
0xad: {  	_ =	swait.ge [sflag:s26], $0x4000  }
0xae: {  	[sflag:s26] =	ssyncset.done $0x0  }
0xaf: {  	s17 =	rddreg [dreg:$0xe];
	[sflag:s26] =	ssyncadd.s32 $0xFFFFC000  }
0xb0: {  	[spmem:s3] =	stream.indirect.scatter.add.f32 [tilespmem:s18], [sflag:$0x4], $0x80, s17, s23, $0xb8;
	[tilespmem:$0x1D900] =	vst v63  }
0xb1: {  	_ =	swait.ge [sflag:s19], $0x4000  }
0xb2: {  	[sflag:s19] =	ssyncset.done $0x0  }
0xb3: {  	s5 =	rddreg [dreg:$0xf];
	[sflag:s19] =	ssyncadd.s32 $0xFFFFC000  }
0xb4: {  	[tilespmem:s18], [sflag:$0x1] =	stream.indirect.gather [hbm4b:s0+s23], $0x80, s5, s23, $0xb8;
	[tilespmem:$0x1D900] =	vst v63  }
0xb5: {  	_ =	swait.ge [sflag:s28], $0x4000  }
0xb6: {  	[sflag:s28] =	ssyncset.done $0x0  }
0xb7: {  	s10 =	rddreg [dreg:$0x10];
	[sflag:s28] =	ssyncadd.s32 $0xFFFFC000  }
0xb8: {  	[spmem:s3] =	stream.indirect.scatter.add.f32 [tilespmem:s24], [sflag:$0x4], $0x80, s10, s23, $0xb8;
	[tilespmem:$0x1D900] =	vst v63  }
0xb9: {  	_ =	swait.ge [sflag:s19], $0x4000  }
0xba: {  	[sflag:s19] =	ssyncset.done $0x0  }
0xbb: {  	s12 =	rddreg [dreg:$0x11];
	[sflag:s19] =	ssyncadd.s32 $0xFFFFC000  }
0xbc: {  	[tilespmem:s24], [sflag:$0x2] =	stream.indirect.gather [hbm4b:s0+s23], $0x80, s12, s23, $0xb8;
	[tilespmem:$0x1D900] =	vst v63  }
0xbd: {  	_ =	swait.ge [sflag:s26], $0x4000  }
0xbe: {  	[sflag:s26] =	ssyncset.done $0x0  }
0xbf: {  	s17 =	rddreg [dreg:$0x12];
	[sflag:s26] =	ssyncadd.s32 $0xFFFFC000  }
0xc0: {  	[spmem:s3] =	stream.indirect.scatter.add.f32 [tilespmem:s18], [sflag:$0x4], $0x80, s17, s23, $0xb8;
	[tilespmem:$0x1D900] =	vst v63  }
0xc1: {  	_ =	swait.ge [sflag:s19], $0x4000  }
0xc2: {  	[sflag:s19] =	ssyncset.done $0x0  }
0xc3: {  	s5 =	rddreg [dreg:$0x13];
	[sflag:s19] =	ssyncadd.s32 $0xFFFFC000  }
0xc4: {  	[tilespmem:s18], [sflag:$0x1] =	stream.indirect.gather [hbm4b:s0+s23], $0x80, s5, s23, $0xb8;
	[tilespmem:$0x1D900] =	vst v63  }
0xc5: {  	_ =	swait.ge [sflag:s28], $0x4000  }
0xc6: {  	[sflag:s28] =	ssyncset.done $0x0  }
0xc7: {  	s10 =	rddreg [dreg:$0x14];
	[sflag:s28] =	ssyncadd.s32 $0xFFFFC000  }
0xc8: {  	[spmem:s3] =	stream.indirect.scatter.add.f32 [tilespmem:s24], [sflag:$0x4], $0x80, s10, s23, $0xb8;
	[tilespmem:$0x1D900] =	vst v63  }
0xc9: {  	_ =	swait.ge [sflag:s19], $0x4000  }
0xca: {  	[sflag:s19] =	ssyncset.done $0x0  }
0xcb: {  	s12 =	rddreg [dreg:$0x15];
	[sflag:s19] =	ssyncadd.s32 $0xFFFFC000  }
0xcc: {  	[tilespmem:s24], [sflag:$0x2] =	stream.indirect.gather [hbm4b:s0+s23], $0x80, s12, s23, $0xb8;
	[tilespmem:$0x1D900] =	vst v63  }
0xcd: {  	_ =	swait.ge [sflag:s26], $0x4000  }
0xce: {  	[sflag:s26] =	ssyncset.done $0x0  }
0xcf: {  	s17 =	rddreg [dreg:$0x16];
	[sflag:s26] =	ssyncadd.s32 $0xFFFFC000  }
0xd0: {  	[spmem:s3] =	stream.indirect.scatter.add.f32 [tilespmem:s18], [sflag:$0x4], $0x80, s17, s23, $0xb8;
	[tilespmem:$0x1D900] =	vst v63  }
0xd1: {  	_ =	swait.ge [sflag:s19], $0x4000  }
0xd2: {  	[sflag:s19] =	ssyncset.done $0x0  }
0xd3: {  	s5 =	rddreg [dreg:$0x17];
	[sflag:s19] =	ssyncadd.s32 $0xFFFFC000  }
0xd4: {  	[tilespmem:s18], [sflag:$0x1] =	stream.indirect.gather [hbm4b:s0+s23], $0x80, s5, s23, $0xb8;
	[tilespmem:$0x1D900] =	vst v63  }
0xd5: {  	_ =	swait.ge [sflag:s28], $0x4000  }
0xd6: {  	[sflag:s28] =	ssyncset.done $0x0  }
0xd7: {  	s10 =	rddreg [dreg:$0x18];
	[sflag:s28] =	ssyncadd.s32 $0xFFFFC000  }
0xd8: {  	[spmem:s3] =	stream.indirect.scatter.add.f32 [tilespmem:s24], [sflag:$0x4], $0x80, s10, s23, $0xb8;
	[tilespmem:$0x1D900] =	vst v63  }
0xd9: {  	_ =	swait.ge [sflag:s19], $0x4000  }
0xda: {  	[sflag:s19] =	ssyncset.done $0x0  }
0xdb: {  	s12 =	rddreg [dreg:$0x19];
	[sflag:s19] =	ssyncadd.s32 $0xFFFFC000  }
0xdc: {  	[tilespmem:s24], [sflag:$0x2] =	stream.indirect.gather [hbm4b:s0+s23], $0x80, s12, s23, $0xb8;
	[tilespmem:$0x1D900] =	vst v63  }
0xdd: {  	_ =	swait.ge [sflag:s26], $0x4000  }
0xde: {  	[sflag:s26] =	ssyncset.done $0x0  }
0xdf: {  	s17 =	rddreg [dreg:$0x1a];
	[sflag:s26] =	ssyncadd.s32 $0xFFFFC000  }
0xe0: {  	[spmem:s3] =	stream.indirect.scatter.add.f32 [tilespmem:s18], [sflag:$0x4], $0x80, s17, s23, $0xb8;
	[tilespmem:$0x1D900] =	vst v63  }
0xe1: {  	_ =	swait.ge [sflag:s19], $0x4000  }
0xe2: {  	[sflag:s19] =	ssyncset.done $0x0  }
0xe3: {  	s5 =	rddreg [dreg:$0x1b];
	[sflag:s19] =	ssyncadd.s32 $0xFFFFC000  }
0xe4: {  	[tilespmem:s18], [sflag:$0x1] =	stream.indirect.gather [hbm4b:s0+s23], $0x80, s5, s23, $0xb8;
	[tilespmem:$0x1D900] =	vst v63  }
0xe5: {  	_ =	swait.ge [sflag:s28], $0x4000  }
0xe6: {  	[sflag:s28] =	ssyncset.done $0x0  }
0xe7: {  	s10 =	rddreg [dreg:$0x1c];
	[sflag:s28] =	ssyncadd.s32 $0xFFFFC000  }
0xe8: {  	[spmem:s3] =	stream.indirect.scatter.add.f32 [tilespmem:s24], [sflag:$0x4], $0x80, s10, s23, $0xb8;
	[tilespmem:$0x1D900] =	vst v63  }
0xe9: {  	_ =	swait.ge [sflag:s19], $0x4000  }
0xea: {  	[sflag:s19] =	ssyncset.done $0x0  }
0xeb: {  	s12 =	rddreg [dreg:$0x1d];
	[sflag:s19] =	ssyncadd.s32 $0xFFFFC000  }
0xec: {  	[tilespmem:s24], [sflag:$0x2] =	stream.indirect.gather [hbm4b:s0+s23], $0x80, s12, s23, $0xb8;
	[tilespmem:$0x1D900] =	vst v63  }
0xed: {  	_ =	swait.ge [sflag:s26], $0x4000  }
0xee: {  	[sflag:s26] =	ssyncset.done $0x0  }
0xef: {  	s17 =	rddreg [dreg:$0x1e];
	[sflag:s26] =	ssyncadd.s32 $0xFFFFC000  }
0xf0: {  	[spmem:s3] =	stream.indirect.scatter.add.f32 [tilespmem:s18], [sflag:$0x4], $0x80, s17, s23, $0xb8;
	[tilespmem:$0x1D900] =	vst v63  }
0xf1: {  	_ =	swait.ge [sflag:s19], $0x4000  }
0xf2: {  	[sflag:s19] =	ssyncset.done $0x0  }
0xf3: {  	s5 =	rddreg [dreg:$0x1f];
	[sflag:s19] =	ssyncadd.s32 $0xFFFFC000  }
0xf4: {  	[tilespmem:s18], [sflag:$0x1] =	stream.indirect.gather [hbm4b:s0+s23], $0x80, s5, s23, $0xb8;
	[tilespmem:$0x1D900] =	vst v63  }
0xf5: {  	_ =	swait.ge [sflag:s28], $0x4000  }
0xf6: {  	s10 =	sld [smem:$0x7E0]  }
0xf7: {  	[sflag:s28] =	ssyncset.done $0x0  }
0xf8: {  	[sflag:s28] =	ssyncadd.s32 $0xFFFFC000  }
0xf9: {  	[spmem:s3] =	stream.indirect.scatter.add.f32 [tilespmem:s24], [sflag:$0x4], $0x80, s10, s23, $0xb8;
	[tilespmem:$0x1D900] =	vst v63  }
0xfa: {  	_ =	swait.ge [sflag:s19], $0x4000  }
0xfb: {  	s12 =	sld [smem:$0x7E1]  }
0xfc: {  	[sflag:s19] =	ssyncset.done $0x0  }
0xfd: {  	[sflag:s19] =	ssyncadd.s32 $0xFFFFC000  }
0xfe: {  	[tilespmem:s24], [sflag:$0x2] =	stream.indirect.gather [hbm4b:s0+s23], $0x80, s12, s23, $0xb8;
	[tilespmem:$0x1D900] =	vst v63  }
0xff: {  	_ =	swait.ge [sflag:s26], $0x4000  }
0x100: {  	s17 =	sld [smem:$0x7E2]  }
0x101: {  	[sflag:s26] =	ssyncset.done $0x0  }
0x102: {  	[sflag:s26] =	ssyncadd.s32 $0xFFFFC000  }
0x103: {  	[spmem:s3] =	stream.indirect.scatter.add.f32 [tilespmem:s18], [sflag:$0x4], $0x80, s17, s23, $0xb8;
	[tilespmem:$0x1D900] =	vst v63  }
0x104: {  	_ =	swait.ge [sflag:s19], $0x4000  }
0x105: {  	[sflag:s19] =	ssyncset.done $0x0  }
0x106: {  	[sflag:s19] =	ssyncadd.s32 $0xFFFFC000  }
0x107: {  	[tilespmem:s18], [sflag:$0x1] =	stream.indirect.gather [hbm4b:s0+s23], $0x80, s21, s23, $0xb8;
	[tilespmem:$0x1D900] =	vst v63  }
0x108: {  	_ =	swait.ge [sflag:s28], $0x4000  }
0x109: {  	s5 =	sld [smem:$0x7E3]  }
0x10a: {  	[sflag:s28] =	ssyncset.done $0x0  }
0x10b: {  	[sflag:s28] =	ssyncadd.s32 $0xFFFFC000  }
0x10c: {  	[spmem:s3] =	stream.indirect.scatter.add.f32 [tilespmem:s24], [sflag:$0x4], $0x80, s5, s23, $0xb8;
	[tilespmem:$0x1D900] =	vst v63  }
0x10d: {  	_ =	swait.ge [sflag:s19], $0x4000  }
0x10e: {  	s10 =	sld [smem:$0x7E6]  }
0x10f: {  	[sflag:s19] =	ssyncset.done $0x0  }
0x110: {  	s12 =	rddreg [dreg:$0x5];
	[sflag:s19] =	ssyncadd.s32 $0xFFFFC000  }
0x111: {  	[tilespmem:s24], [sflag:$0x2] =	stream.indirect.gather [hbm4b:s0+s23], $0x80, s10, s23, $0xb8;
	[tilespmem:$0x1D900] =	vst v63  }
0x112: {  	s17 =	rddreg [dreg:$0x4];
	s12 =	sadd.s32 $0x0, s12  }
0x113: {  	[tilespmem:s4], [sflag:$0x3] =	stream.linear.gather [hbm4b:s12+s4], $0x800, $0x38;
	[tilespmem:$0x1D900] =	vst v63  }
0x114: {  	s12 =	sadd.s32 $0x0, s17  }
0x115: {  	s11 =	sadd.s32 $0x200, s12  }
0x116: {  	[tilespmem:s20], [sflag:$0x3] =	stream.linear.gather [hbm4b:s11+s4], $0x800, $0x38;
	[tilespmem:$0x1D900] =	vst v63  }
0x117: {  	_ =	swait.ge [sflag:s25], $0x800  }
0x118: {  	[sflag:s25] =	ssyncset.done $0x0  }
0x119: {  	[sflag:s25] =	ssyncadd.s32 $0xFFFFF800  }
0x11a: {  	_ =	swait.ge [sflag:s25], $0x800  }
0x11b: {  	[sflag:s25] =	ssyncset.done $0x0  }
0x11c: {  	[sflag:s25] =	ssyncadd.s32 $0xFFFFF800  }
0x11d: {  	_ =	swait.ge [sflag:s26], $0x4000  }
0x11e: {  	[sflag:s26] =	ssyncset.done $0x0  }
0x11f: {  	[sflag:s26] =	ssyncadd.s32 $0xFFFFC000  }
0x120: {  	[spmem:s3] =	stream.indirect.scatter.add.f32 [tilespmem:s18], [sflag:$0x4], $0x80, s22, s23, $0xb8;
	[tilespmem:$0x1D900] =	vst v63  }
0x121: {  	_ =	swait.ge [sflag:s19], $0x4000  }
0x122: {  	s5 =	sld [smem:$0x7E7]  }
0x123: {  	[sflag:s19] =	ssyncset.done $0x0  }
0x124: {  	[sflag:s19] =	ssyncadd.s32 $0xFFFFC000  }
0x125: {  	[tilespmem:s18], [sflag:$0x1] =	stream.indirect.gather [hbm4b:s0+s23], $0x80, s5, s23, $0xb8;
	[tilespmem:$0x1D900] =	vst v63  }
0x126: {  	_ =	swait.ge [sflag:s28], $0x4000  }
0x127: {  	s10 =	sld [smem:$0x7EA]  }
0x128: {  	[sflag:s28] =	ssyncset.done $0x0  }
0x129: {  	[sflag:s28] =	ssyncadd.s32 $0xFFFFC000  }
0x12a: {  	[spmem:s3] =	stream.indirect.scatter.add.f32 [tilespmem:s24], [sflag:$0x4], $0x80, s10, s23, $0xb8;
	[tilespmem:$0x1D900] =	vst v63  }
0x12b: {  	_ =	swait.ge [sflag:s19], $0x4000  }
0x12c: {  	s17 =	sld [smem:$0x7EB]  }
0x12d: {  	[sflag:s19] =	ssyncset.done $0x0  }
0x12e: {  	[sflag:s19] =	ssyncadd.s32 $0xFFFFC000  }
0x12f: {  	[tilespmem:s24], [sflag:$0x2] =	stream.indirect.gather [hbm4b:s0+s23], $0x80, s17, s23, $0xb8;
	[tilespmem:$0x1D900] =	vst v63  }
0x130: {  	_ =	swait.ge [sflag:s26], $0x4000  }
0x131: {  	s5 =	sld [smem:$0x7EC]  }
0x132: {  	[sflag:s26] =	ssyncset.done $0x0  }
0x133: {  	[sflag:s26] =	ssyncadd.s32 $0xFFFFC000  }
0x134: {  	[spmem:s3] =	stream.indirect.scatter.add.f32 [tilespmem:s18], [sflag:$0x4], $0x80, s5, s23, $0xb8;
	[tilespmem:$0x1D900] =	vst v63  }
0x135: {  	_ =	swait.ge [sflag:s19], $0x4000  }
0x136: {  	s10 =	sld [smem:$0x7EE]  }
0x137: {  	[sflag:s19] =	ssyncset.done $0x0  }
0x138: {  	[sflag:s19] =	ssyncadd.s32 $0xFFFFC000  }
0x139: {  	[tilespmem:s18], [sflag:$0x1] =	stream.indirect.gather [hbm4b:s0+s23], $0x80, s10, s23, $0xb8;
	[tilespmem:$0x1D900] =	vst v63  }
0x13a: {  	_ =	swait.ge [sflag:s28], $0x4000  }
0x13b: {  	s17 =	sld [smem:$0x7EF]  }
0x13c: {  	[sflag:s28] =	ssyncset.done $0x0  }
0x13d: {  	[sflag:s28] =	ssyncadd.s32 $0xFFFFC000  }
0x13e: {  	[spmem:s3] =	stream.indirect.scatter.add.f32 [tilespmem:s24], [sflag:$0x4], $0x80, s17, s23, $0xb8;
	[tilespmem:$0x1D900] =	vst v63  }
0x13f: {  	_ =	swait.ge [sflag:s19], $0x4000  }
0x140: {  	s5 =	sld [smem:$0x7F0]  }
0x141: {  	[sflag:s19] =	ssyncset.done $0x0  }
0x142: {  	[sflag:s19] =	ssyncadd.s32 $0xFFFFC000  }
0x143: {  	[tilespmem:s24], [sflag:$0x2] =	stream.indirect.gather [hbm4b:s0+s23], $0x80, s5, s23, $0xb8;
	[tilespmem:$0x1D900] =	vst v63  }
0x144: {  	_ =	swait.ge [sflag:s26], $0x4000  }
0x145: {  	s10 =	sld [smem:$0x7F2]  }
0x146: {  	[sflag:s26] =	ssyncset.done $0x0  }
0x147: {  	[sflag:s26] =	ssyncadd.s32 $0xFFFFC000  }
0x148: {  	[spmem:s3] =	stream.indirect.scatter.add.f32 [tilespmem:s18], [sflag:$0x4], $0x80, s10, s23, $0xb8;
	[tilespmem:$0x1D900] =	vst v63  }
0x149: {  	_ =	swait.ge [sflag:s19], $0x4000  }
0x14a: {  	s17 =	sld [smem:$0x7F4]  }
0x14b: {  	[sflag:s19] =	ssyncset.done $0x0  }
0x14c: {  	[sflag:s19] =	ssyncadd.s32 $0xFFFFC000  }
0x14d: {  	[tilespmem:s18], [sflag:$0x1] =	stream.indirect.gather [hbm4b:s0+s23], $0x80, s17, s23, $0xb8;
	[tilespmem:$0x1D900] =	vst v63  }
0x14e: {  	_ =	swait.ge [sflag:s28], $0x4000  }
0x14f: {  	s5 =	sld [smem:$0x7F5]  }
0x150: {  	[sflag:s28] =	ssyncset.done $0x0  }
0x151: {  	[sflag:s28] =	ssyncadd.s32 $0xFFFFC000  }
0x152: {  	[spmem:s3] =	stream.indirect.scatter.add.f32 [tilespmem:s24], [sflag:$0x4], $0x80, s5, s23, $0xb8;
	[tilespmem:$0x1D900] =	vst v63  }
0x153: {  	_ =	swait.ge [sflag:s19], $0x4000  }
0x154: {  	s10 =	sld [smem:$0x7F6]  }
0x155: {  	[sflag:s19] =	ssyncset.done $0x0  }
0x156: {  	[sflag:s19] =	ssyncadd.s32 $0xFFFFC000  }
0x157: {  	[tilespmem:s24], [sflag:$0x2] =	stream.indirect.gather [hbm4b:s0+s23], $0x80, s10, s23, $0xb8;
	[tilespmem:$0x1D900] =	vst v63  }
0x158: {  	_ =	swait.ge [sflag:s26], $0x4000  }
0x159: {  	s17 =	sld [smem:$0x7F7]  }
0x15a: {  	[sflag:s26] =	ssyncset.done $0x0  }
0x15b: {  	[sflag:s26] =	ssyncadd.s32 $0xFFFFC000  }
0x15c: {  	[spmem:s3] =	stream.indirect.scatter.add.f32 [tilespmem:s18], [sflag:$0x4], $0x80, s17, s23, $0xb8;
	[tilespmem:$0x1D900] =	vst v63  }
0x15d: {  	_ =	swait.ge [sflag:s19], $0x4000  }
0x15e: {  	s5 =	sld [smem:$0x7F8]  }
0x15f: {  	[sflag:s19] =	ssyncset.done $0x0  }
0x160: {  	[sflag:s19] =	ssyncadd.s32 $0xFFFFC000  }
0x161: {  	[tilespmem:s18], [sflag:$0x1] =	stream.indirect.gather [hbm4b:s0+s23], $0x80, s5, s23, $0xb8;
	[tilespmem:$0x1D900] =	vst v63  }
0x162: {  	_ =	swait.ge [sflag:s28], $0x4000  }
0x163: {  	s10 =	sld [smem:$0x7F9]  }
0x164: {  	[sflag:s28] =	ssyncset.done $0x0  }
0x165: {  	[sflag:s28] =	ssyncadd.s32 $0xFFFFC000  }
0x166: {  	[spmem:s3] =	stream.indirect.scatter.add.f32 [tilespmem:s24], [sflag:$0x4], $0x80, s10, s23, $0xb8;
	[tilespmem:$0x1D900] =	vst v63  }
0x167: {  	_ =	swait.ge [sflag:s19], $0x4000  }
0x168: {  	s17 =	sld [smem:$0x7FA]  }
0x169: {  	[sflag:s19] =	ssyncset.done $0x0  }
0x16a: {  	[sflag:s19] =	ssyncadd.s32 $0xFFFFC000  }
0x16b: {  	[tilespmem:s24], [sflag:$0x2] =	stream.indirect.gather [hbm4b:s0+s23], $0x80, s17, s23, $0xb8;
	[tilespmem:$0x1D900] =	vst v63  }
0x16c: {  	_ =	swait.ge [sflag:s26], $0x4000  }
0x16d: {  	s5 =	sld [smem:$0x7FB]  }
0x16e: {  	[sflag:s26] =	ssyncset.done $0x0  }
0x16f: {  	[sflag:s26] =	ssyncadd.s32 $0xFFFFC000  }
0x170: {  	[spmem:s3] =	stream.indirect.scatter.add.f32 [tilespmem:s18], [sflag:$0x4], $0x80, s5, s23, $0xb8;
	[tilespmem:$0x1D900] =	vst v63  }
0x171: {  	_ =	swait.ge [sflag:s19], $0x4000  }
0x172: {  	s10 =	sld [smem:$0x7FC]  }
0x173: {  	[sflag:s19] =	ssyncset.done $0x0  }
0x174: {  	[sflag:s19] =	ssyncadd.s32 $0xFFFFC000  }
0x175: {  	[tilespmem:s18], [sflag:$0x1] =	stream.indirect.gather [hbm4b:s0+s23], $0x80, s10, s23, $0xb8;
	[tilespmem:$0x1D900] =	vst v63  }
0x176: {  	_ =	swait.ge [sflag:s28], $0x4000  }
0x177: {  	[sflag:s28] =	ssyncset.done $0x0  }
0x178: {  	[sflag:s28] =	ssyncadd.s32 $0xFFFFC000  }
0x179: {  	[spmem:s3] =	stream.indirect.scatter.add.f32 [tilespmem:s24], [sflag:$0x4], $0x80, s29, s23, $0xb8;
	[tilespmem:$0x1D900] =	vst v63  }
0x17a: {  	_ =	swait.ge [sflag:s19], $0x4000  }
0x17b: {  	[sflag:s19] =	ssyncset.done $0x0  }
0x17c: {  	[sflag:s19] =	ssyncadd.s32 $0xFFFFC000  }
0x17d: {  	[tilespmem:s24], [sflag:$0x2] =	stream.indirect.gather [hbm4b:s0+s23], $0x80, s30, s23, $0xb8;
	[tilespmem:$0x1D900] =	vst v63  }
0x17e: {  	_ =	swait.ge [sflag:s26], $0x4000  }
0x17f: {  	[sflag:s26] =	ssyncset.done $0x0  }
0x180: {  	[sflag:s26] =	ssyncadd.s32 $0xFFFFC000  }
0x181: {  	[spmem:s3] =	stream.indirect.scatter.add.f32 [tilespmem:s18], [sflag:$0x4], $0x80, s31, s23, $0xb8;
	[tilespmem:$0x1D900] =	vst v63  }
0x182: {  	_ =	swait.ge [sflag:s19], $0x4000  }
0x183: {  	[sflag:s19] =	ssyncset.done $0x0  }
0x184: {  	[sflag:s19] =	ssyncadd.s32 $0xFFFFC000  }
0x185: {  	[tilespmem:s18], [sflag:$0x1] =	stream.indirect.gather [hbm4b:s0+s23], $0x80, s1, s23, $0xb8;
	[tilespmem:$0x1D900] =	vst v63  }
0x186: {  	_ =	swait.ge [sflag:s28], $0x4000  }
0x187: {  	[sflag:s28] =	ssyncset.done $0x0  }
0x188: {  	[sflag:s28] =	ssyncadd.s32 $0xFFFFC000  }
0x189: {  	[spmem:s3] =	stream.indirect.scatter.add.f32 [tilespmem:s24], [sflag:$0x4], $0x80, s2, s23, $0xb8;
	[tilespmem:$0x1D900] =	vst v63  }
0x18a: {  	_ =	swait.ge [sflag:s19], $0x4000  }
0x18b: {  	[sflag:s19] =	ssyncset.done $0x0  }
0x18c: {  	[sflag:s19] =	ssyncadd.s32 $0xFFFFC000  }
0x18d: {  	[tilespmem:s24], [sflag:$0x2] =	stream.indirect.gather [hbm4b:s0+s23], $0x80, s6, s23, $0xb8;
	[tilespmem:$0x1D900] =	vst v63  }
0x18e: {  	_ =	swait.ge [sflag:s26], $0x4000  }
0x18f: {  	[sflag:s26] =	ssyncset.done $0x0  }
0x190: {  	[sflag:s26] =	ssyncadd.s32 $0xFFFFC000  }
0x191: {  	[spmem:s3] =	stream.indirect.scatter.add.f32 [tilespmem:s18], [sflag:$0x4], $0x80, s7, s23, $0xb8;
	[tilespmem:$0x1D900] =	vst v63  }
0x192: {  	_ =	swait.ge [sflag:s19], $0x4000  }
0x193: {  	[sflag:s19] =	ssyncset.done $0x0  }
0x194: {  	[sflag:s19] =	ssyncadd.s32 $0xFFFFC000  }
0x195: {  	[tilespmem:s18], [sflag:$0x1] =	stream.indirect.gather [hbm4b:s0+s23], $0x80, s8, s23, $0xb8;
	[tilespmem:$0x1D900] =	vst v63  }
0x196: {  	_ =	swait.ge [sflag:s28], $0x4000  }
0x197: {  	[sflag:s28] =	ssyncset.done $0x0  }
0x198: {  	[sflag:s28] =	ssyncadd.s32 $0xFFFFC000  }
0x199: {  	[spmem:s3] =	stream.indirect.scatter.add.f32 [tilespmem:s24], [sflag:$0x4], $0x80, s9, s23, $0xb8;
	[tilespmem:$0x1D900] =	vst v63  }
0x19a: {  	_ =	swait.ge [sflag:s19], $0x4000  }
0x19b: {  	[sflag:s19] =	ssyncset.done $0x0  }
0x19c: {  	[sflag:s19] =	ssyncadd.s32 $0xFFFFC000  }
0x19d: {  	[tilespmem:s24], [sflag:$0x2] =	stream.indirect.gather [hbm4b:s0+s23], $0x80, s13, s23, $0xb8;
	[tilespmem:$0x1D900] =	vst v63  }
0x19e: {  	_ =	swait.ge [sflag:s26], $0x4000  }
0x19f: {  	[sflag:s26] =	ssyncset.done $0x0  }
0x1a0: {  	[sflag:s26] =	ssyncadd.s32 $0xFFFFC000  }
0x1a1: {  	[spmem:s3] =	stream.indirect.scatter.add.f32 [tilespmem:s18], [sflag:$0x4], $0x80, s14, s23, $0xb8;
	[tilespmem:$0x1D900] =	vst v63  }
0x1a2: {  	_ =	swait.ge [sflag:s19], $0x4000  }
0x1a3: {  	[sflag:s19] =	ssyncset.done $0x0  }
0x1a4: {  	[sflag:s19] =	ssyncadd.s32 $0xFFFFC000  }
0x1a5: {  	[tilespmem:s18], [sflag:$0x1] =	stream.indirect.gather [hbm4b:s0+s23], $0x80, s4, s23, $0xb8;
	[tilespmem:$0x1D900] =	vst v63  }
0x1a6: {  	_ =	swait.ge [sflag:s28], $0x4000  }
0x1a7: {  	[sflag:s28] =	ssyncset.done $0x0  }
0x1a8: {  	[sflag:s28] =	ssyncadd.s32 $0xFFFFC000  }
0x1a9: {  	[spmem:s3] =	stream.indirect.scatter.add.f32 [tilespmem:s24], [sflag:$0x4], $0x80, s15, s23, $0xb8;
	[tilespmem:$0x1D900] =	vst v63  }
0x1aa: {  	_ =	swait.ge [sflag:s19], $0x4000  }
0x1ab: {  	[sflag:s19] =	ssyncset.done $0x0  }
0x1ac: {  	s17 =	rddreg [dreg:$0x6];
	[sflag:s19] =	ssyncadd.s32 $0xFFFFC000  }
0x1ad: {  	[tilespmem:s24], [sflag:$0x2] =	stream.indirect.gather [hbm4b:s0+s23], $0x80, s23, s23, $0xb8;
	[tilespmem:$0x1D900] =	vst v63  }
0x1ae: {  	s11 =	sadd.s32 $0x0, s17  }
0x1af: {  	[tilespmem:s21], [sflag:$0x3] =	stream.linear.gather [hbm4b:s11+s4], $0x800, $0x38;
	[tilespmem:$0x1D900] =	vst v63  }
0x1b0: {  	s12 =	sadd.s32 $0x300, s12;
	s11 =	simm.s32 $0x200  }
.LBB2_4:
0x1b1: {  	[tilespmem:s22], [sflag:$0x3] =	stream.linear.gather [hbm4b:s12+s4], $0x800, $0x38;
	[tilespmem:$0x1D900] =	vst v63  }
0x1b2: {  	_ =	swait.ge [sflag:s25], $0x800  }
0x1b3: {  	[sflag:s25] =	ssyncset.done $0x0  }
0x1b4: {  	[sflag:s25] =	ssyncadd.s32 $0xFFFFF800  }
0x1b5: {  	_ =	swait.ge [sflag:s25], $0x800  }
0x1b6: {  	[sflag:s25] =	ssyncset.done $0x0  }
0x1b7: {  	[sflag:s25] =	ssyncadd.s32 $0xFFFFF800  }
0x1b8: {  	_ =	swait.ge [sflag:s26], $0x4000  }
0x1b9: {  	[sflag:s26] =	ssyncset.done $0x0  }
0x1ba: {  	[sflag:s26] =	ssyncadd.s32 $0xFFFFC000  }
0x1bb: {  	[spmem:s3] =	stream.indirect.scatter.add.f32 [tilespmem:s18], [sflag:$0x4], $0x80, s20, s23, $0xb8;
	[tilespmem:$0x1D900] =	vst v63  }
0x1bc: {  	_ =	swait.ge [sflag:s19], $0x4000  }
0x1bd: {  	[sflag:s19] =	ssyncset.done $0x0  }
0x1be: {  	s5 =	rddreg [dreg:$0x7];
	[sflag:s19] =	ssyncadd.s32 $0xFFFFC000  }
0x1bf: {  	[tilespmem:s18], [sflag:$0x1] =	stream.indirect.gather [hbm4b:s0+s23], $0x80, s5, s23, $0xb8;
	[tilespmem:$0x1D900] =	vst v63  }
0x1c0: {  	_ =	swait.ge [sflag:s28], $0x4000  }
0x1c1: {  	[sflag:s28] =	ssyncset.done $0x0  }
0x1c2: {  	s10 =	rddreg [dreg:$0x8];
	[sflag:s28] =	ssyncadd.s32 $0xFFFFC000  }
0x1c3: {  	[spmem:s3] =	stream.indirect.scatter.add.f32 [tilespmem:s24], [sflag:$0x4], $0x80, s10, s23, $0xb8;
	[tilespmem:$0x1D900] =	vst v63  }
0x1c4: {  	_ =	swait.ge [sflag:s19], $0x4000  }
0x1c5: {  	[sflag:s19] =	ssyncset.done $0x0  }
0x1c6: {  	s5 =	rddreg [dreg:$0x9];
	[sflag:s19] =	ssyncadd.s32 $0xFFFFC000  }
0x1c7: {  	[tilespmem:s24], [sflag:$0x2] =	stream.indirect.gather [hbm4b:s0+s23], $0x80, s5, s23, $0xb8;
	[tilespmem:$0x1D900] =	vst v63  }
0x1c8: {  	_ =	swait.ge [sflag:s26], $0x4000  }
0x1c9: {  	[sflag:s26] =	ssyncset.done $0x0  }
0x1ca: {  	s10 =	rddreg [dreg:$0xa];
	[sflag:s26] =	ssyncadd.s32 $0xFFFFC000  }
0x1cb: {  	[spmem:s3] =	stream.indirect.scatter.add.f32 [tilespmem:s18], [sflag:$0x4], $0x80, s10, s23, $0xb8;
	[tilespmem:$0x1D900] =	vst v63  }
0x1cc: {  	_ =	swait.ge [sflag:s19], $0x4000  }
0x1cd: {  	[sflag:s19] =	ssyncset.done $0x0  }
0x1ce: {  	s5 =	rddreg [dreg:$0xb];
	[sflag:s19] =	ssyncadd.s32 $0xFFFFC000  }
0x1cf: {  	[tilespmem:s18], [sflag:$0x1] =	stream.indirect.gather [hbm4b:s0+s23], $0x80, s5, s23, $0xb8;
	[tilespmem:$0x1D900] =	vst v63  }
0x1d0: {  	_ =	swait.ge [sflag:s28], $0x4000  }
0x1d1: {  	[sflag:s28] =	ssyncset.done $0x0  }
0x1d2: {  	s10 =	rddreg [dreg:$0xc];
	[sflag:s28] =	ssyncadd.s32 $0xFFFFC000  }
0x1d3: {  	[spmem:s3] =	stream.indirect.scatter.add.f32 [tilespmem:s24], [sflag:$0x4], $0x80, s10, s23, $0xb8;
	[tilespmem:$0x1D900] =	vst v63  }
0x1d4: {  	_ =	swait.ge [sflag:s19], $0x4000  }
0x1d5: {  	[sflag:s19] =	ssyncset.done $0x0  }
0x1d6: {  	s5 =	rddreg [dreg:$0xd];
	[sflag:s19] =	ssyncadd.s32 $0xFFFFC000  }
0x1d7: {  	[tilespmem:s24], [sflag:$0x2] =	stream.indirect.gather [hbm4b:s0+s23], $0x80, s5, s23, $0xb8;
	[tilespmem:$0x1D900] =	vst v63  }
0x1d8: {  	_ =	swait.ge [sflag:s26], $0x4000  }
0x1d9: {  	[sflag:s26] =	ssyncset.done $0x0  }
0x1da: {  	s10 =	rddreg [dreg:$0xe];
	[sflag:s26] =	ssyncadd.s32 $0xFFFFC000  }
0x1db: {  	[spmem:s3] =	stream.indirect.scatter.add.f32 [tilespmem:s18], [sflag:$0x4], $0x80, s10, s23, $0xb8;
	[tilespmem:$0x1D900] =	vst v63  }
0x1dc: {  	_ =	swait.ge [sflag:s19], $0x4000  }
0x1dd: {  	[sflag:s19] =	ssyncset.done $0x0  }
0x1de: {  	s5 =	rddreg [dreg:$0xf];
	[sflag:s19] =	ssyncadd.s32 $0xFFFFC000  }
0x1df: {  	[tilespmem:s18], [sflag:$0x1] =	stream.indirect.gather [hbm4b:s0+s23], $0x80, s5, s23, $0xb8;
	[tilespmem:$0x1D900] =	vst v63  }
0x1e0: {  	_ =	swait.ge [sflag:s28], $0x4000  }
0x1e1: {  	[sflag:s28] =	ssyncset.done $0x0  }
0x1e2: {  	s10 =	rddreg [dreg:$0x10];
	[sflag:s28] =	ssyncadd.s32 $0xFFFFC000  }
0x1e3: {  	[spmem:s3] =	stream.indirect.scatter.add.f32 [tilespmem:s24], [sflag:$0x4], $0x80, s10, s23, $0xb8;
	[tilespmem:$0x1D900] =	vst v63  }
0x1e4: {  	_ =	swait.ge [sflag:s19], $0x4000  }
0x1e5: {  	[sflag:s19] =	ssyncset.done $0x0  }
0x1e6: {  	s5 =	rddreg [dreg:$0x11];
	[sflag:s19] =	ssyncadd.s32 $0xFFFFC000  }
0x1e7: {  	[tilespmem:s24], [sflag:$0x2] =	stream.indirect.gather [hbm4b:s0+s23], $0x80, s5, s23, $0xb8;
	[tilespmem:$0x1D900] =	vst v63  }
0x1e8: {  	_ =	swait.ge [sflag:s26], $0x4000  }
0x1e9: {  	[sflag:s26] =	ssyncset.done $0x0  }
0x1ea: {  	s10 =	rddreg [dreg:$0x12];
	[sflag:s26] =	ssyncadd.s32 $0xFFFFC000  }
0x1eb: {  	[spmem:s3] =	stream.indirect.scatter.add.f32 [tilespmem:s18], [sflag:$0x4], $0x80, s10, s23, $0xb8;
	[tilespmem:$0x1D900] =	vst v63  }
0x1ec: {  	_ =	swait.ge [sflag:s19], $0x4000  }
0x1ed: {  	[sflag:s19] =	ssyncset.done $0x0  }
0x1ee: {  	s5 =	rddreg [dreg:$0x13];
	[sflag:s19] =	ssyncadd.s32 $0xFFFFC000  }
0x1ef: {  	[tilespmem:s18], [sflag:$0x1] =	stream.indirect.gather [hbm4b:s0+s23], $0x80, s5, s23, $0xb8;
	[tilespmem:$0x1D900] =	vst v63  }
0x1f0: {  	_ =	swait.ge [sflag:s28], $0x4000  }
0x1f1: {  	[sflag:s28] =	ssyncset.done $0x0  }
0x1f2: {  	s10 =	rddreg [dreg:$0x14];
	[sflag:s28] =	ssyncadd.s32 $0xFFFFC000  }
0x1f3: {  	[spmem:s3] =	stream.indirect.scatter.add.f32 [tilespmem:s24], [sflag:$0x4], $0x80, s10, s23, $0xb8;
	[tilespmem:$0x1D900] =	vst v63  }
0x1f4: {  	_ =	swait.ge [sflag:s19], $0x4000  }
0x1f5: {  	[sflag:s19] =	ssyncset.done $0x0  }
0x1f6: {  	s5 =	rddreg [dreg:$0x15];
	[sflag:s19] =	ssyncadd.s32 $0xFFFFC000  }
0x1f7: {  	[tilespmem:s24], [sflag:$0x2] =	stream.indirect.gather [hbm4b:s0+s23], $0x80, s5, s23, $0xb8;
	[tilespmem:$0x1D900] =	vst v63  }
0x1f8: {  	_ =	swait.ge [sflag:s26], $0x4000  }
0x1f9: {  	[sflag:s26] =	ssyncset.done $0x0  }
0x1fa: {  	s10 =	rddreg [dreg:$0x16];
	[sflag:s26] =	ssyncadd.s32 $0xFFFFC000  }
0x1fb: {  	[spmem:s3] =	stream.indirect.scatter.add.f32 [tilespmem:s18], [sflag:$0x4], $0x80, s10, s23, $0xb8;
	[tilespmem:$0x1D900] =	vst v63  }
0x1fc: {  	_ =	swait.ge [sflag:s19], $0x4000  }
0x1fd: {  	[sflag:s19] =	ssyncset.done $0x0  }
0x1fe: {  	s5 =	rddreg [dreg:$0x17];
	[sflag:s19] =	ssyncadd.s32 $0xFFFFC000  }
0x1ff: {  	[tilespmem:s18], [sflag:$0x1] =	stream.indirect.gather [hbm4b:s0+s23], $0x80, s5, s23, $0xb8;
	[tilespmem:$0x1D900] =	vst v63  }
0x200: {  	_ =	swait.ge [sflag:s28], $0x4000  }
0x201: {  	[sflag:s28] =	ssyncset.done $0x0  }
0x202: {  	s10 =	rddreg [dreg:$0x18];
	[sflag:s28] =	ssyncadd.s32 $0xFFFFC000  }
0x203: {  	[spmem:s3] =	stream.indirect.scatter.add.f32 [tilespmem:s24], [sflag:$0x4], $0x80, s10, s23, $0xb8;
	[tilespmem:$0x1D900] =	vst v63  }
0x204: {  	_ =	swait.ge [sflag:s19], $0x4000  }
0x205: {  	[sflag:s19] =	ssyncset.done $0x0  }
0x206: {  	s5 =	rddreg [dreg:$0x19];
	[sflag:s19] =	ssyncadd.s32 $0xFFFFC000  }
0x207: {  	[tilespmem:s24], [sflag:$0x2] =	stream.indirect.gather [hbm4b:s0+s23], $0x80, s5, s23, $0xb8;
	[tilespmem:$0x1D900] =	vst v63  }
0x208: {  	_ =	swait.ge [sflag:s26], $0x4000  }
0x209: {  	[sflag:s26] =	ssyncset.done $0x0  }
0x20a: {  	s10 =	rddreg [dreg:$0x1a];
	[sflag:s26] =	ssyncadd.s32 $0xFFFFC000  }
0x20b: {  	[spmem:s3] =	stream.indirect.scatter.add.f32 [tilespmem:s18], [sflag:$0x4], $0x80, s10, s23, $0xb8;
	[tilespmem:$0x1D900] =	vst v63  }
0x20c: {  	_ =	swait.ge [sflag:s19], $0x4000  }
0x20d: {  	[sflag:s19] =	ssyncset.done $0x0  }
0x20e: {  	s5 =	rddreg [dreg:$0x1b];
	[sflag:s19] =	ssyncadd.s32 $0xFFFFC000  }
0x20f: {  	[tilespmem:s18], [sflag:$0x1] =	stream.indirect.gather [hbm4b:s0+s23], $0x80, s5, s23, $0xb8;
	[tilespmem:$0x1D900] =	vst v63  }
0x210: {  	_ =	swait.ge [sflag:s28], $0x4000  }
0x211: {  	[sflag:s28] =	ssyncset.done $0x0  }
0x212: {  	s10 =	rddreg [dreg:$0x1c];
	[sflag:s28] =	ssyncadd.s32 $0xFFFFC000  }
0x213: {  	[spmem:s3] =	stream.indirect.scatter.add.f32 [tilespmem:s24], [sflag:$0x4], $0x80, s10, s23, $0xb8;
	[tilespmem:$0x1D900] =	vst v63  }
0x214: {  	_ =	swait.ge [sflag:s19], $0x4000  }
0x215: {  	[sflag:s19] =	ssyncset.done $0x0  }
0x216: {  	s5 =	rddreg [dreg:$0x1d];
	[sflag:s19] =	ssyncadd.s32 $0xFFFFC000  }
0x217: {  	[tilespmem:s24], [sflag:$0x2] =	stream.indirect.gather [hbm4b:s0+s23], $0x80, s5, s23, $0xb8;
	[tilespmem:$0x1D900] =	vst v63  }
0x218: {  	_ =	swait.ge [sflag:s26], $0x4000  }
0x219: {  	[sflag:s26] =	ssyncset.done $0x0  }
0x21a: {  	s10 =	rddreg [dreg:$0x1e];
	[sflag:s26] =	ssyncadd.s32 $0xFFFFC000  }
0x21b: {  	[spmem:s3] =	stream.indirect.scatter.add.f32 [tilespmem:s18], [sflag:$0x4], $0x80, s10, s23, $0xb8;
	[tilespmem:$0x1D900] =	vst v63  }
0x21c: {  	_ =	swait.ge [sflag:s19], $0x4000  }
0x21d: {  	[sflag:s19] =	ssyncset.done $0x0  }
0x21e: {  	s5 =	rddreg [dreg:$0x1f];
	[sflag:s19] =	ssyncadd.s32 $0xFFFFC000  }
0x21f: {  	[tilespmem:s18], [sflag:$0x1] =	stream.indirect.gather [hbm4b:s0+s23], $0x80, s5, s23, $0xb8;
	[tilespmem:$0x1D900] =	vst v63  }
0x220: {  	_ =	swait.ge [sflag:s28], $0x4000  }
0x221: {  	s10 =	sld [smem:$0x7E0]  }
0x222: {  	[sflag:s28] =	ssyncset.done $0x0  }
0x223: {  	[sflag:s28] =	ssyncadd.s32 $0xFFFFC000  }
0x224: {  	[spmem:s3] =	stream.indirect.scatter.add.f32 [tilespmem:s24], [sflag:$0x4], $0x80, s10, s23, $0xb8;
	[tilespmem:$0x1D900] =	vst v63  }
0x225: {  	_ =	swait.ge [sflag:s19], $0x4000  }
0x226: {  	s5 =	sld [smem:$0x7E1]  }
0x227: {  	[sflag:s19] =	ssyncset.done $0x0  }
0x228: {  	[sflag:s19] =	ssyncadd.s32 $0xFFFFC000  }
0x229: {  	[tilespmem:s24], [sflag:$0x2] =	stream.indirect.gather [hbm4b:s0+s23], $0x80, s5, s23, $0xb8;
	[tilespmem:$0x1D900] =	vst v63  }
0x22a: {  	_ =	swait.ge [sflag:s26], $0x4000  }
0x22b: {  	s10 =	sld [smem:$0x7E2]  }
0x22c: {  	[sflag:s26] =	ssyncset.done $0x0  }
0x22d: {  	[sflag:s26] =	ssyncadd.s32 $0xFFFFC000  }
0x22e: {  	[spmem:s3] =	stream.indirect.scatter.add.f32 [tilespmem:s18], [sflag:$0x4], $0x80, s10, s23, $0xb8;
	[tilespmem:$0x1D900] =	vst v63  }
0x22f: {  	_ =	swait.ge [sflag:s19], $0x4000  }
0x230: {  	[sflag:s19] =	ssyncset.done $0x0  }
0x231: {  	[sflag:s19] =	ssyncadd.s32 $0xFFFFC000  }
0x232: {  	[tilespmem:s18], [sflag:$0x1] =	stream.indirect.gather [hbm4b:s0+s23], $0x80, s21, s23, $0xb8;
	[tilespmem:$0x1D900] =	vst v63  }
0x233: {  	_ =	swait.ge [sflag:s28], $0x4000  }
0x234: {  	s5 =	sld [smem:$0x7E3]  }
0x235: {  	[sflag:s28] =	ssyncset.done $0x0  }
0x236: {  	[sflag:s28] =	ssyncadd.s32 $0xFFFFC000  }
0x237: {  	[spmem:s3] =	stream.indirect.scatter.add.f32 [tilespmem:s24], [sflag:$0x4], $0x80, s5, s23, $0xb8;
	[tilespmem:$0x1D900] =	vst v63  }
0x238: {  	_ =	swait.ge [sflag:s19], $0x4000  }
0x239: {  	s12 =	sld [smem:$0x7E6]  }
0x23a: {  	[sflag:s19] =	ssyncset.done $0x0;
	s10 =	rddreg [dreg:$0x5]  }
0x23b: {  	s17 =	smov.u32 s11;
	s5 =	rddreg [dreg:$0x4];
	[sflag:s19] =	ssyncadd.s32 $0xFFFFC000  }
0x23c: {  	[tilespmem:s24], [sflag:$0x2] =	stream.indirect.gather [hbm4b:s0+s23], $0x80, s12, s23, $0xb8;
	[tilespmem:$0x1D900] =	vst v63  }
0x23d: {  	s10 =	sadd.s32 s17, s10;
	s12 =	sadd.s32 s17, s5  }
0x23e: {  	[tilespmem:s4], [sflag:$0x3] =	stream.linear.gather [hbm4b:s10+s4], $0x800, $0x38;
	[tilespmem:$0x1D900] =	vst v63  }
0x23f: {  	s5 =	sadd.s32 $0x200, s12  }
0x240: {  	[tilespmem:s20], [sflag:$0x3] =	stream.linear.gather [hbm4b:s5+s4], $0x800, $0x38;
	[tilespmem:$0x1D900] =	vst v63  }
0x241: {  	_ =	swait.ge [sflag:s25], $0x800  }
0x242: {  	[sflag:s25] =	ssyncset.done $0x0  }
0x243: {  	[sflag:s25] =	ssyncadd.s32 $0xFFFFF800  }
0x244: {  	_ =	swait.ge [sflag:s25], $0x800  }
0x245: {  	[sflag:s25] =	ssyncset.done $0x0  }
0x246: {  	[sflag:s25] =	ssyncadd.s32 $0xFFFFF800  }
0x247: {  	_ =	swait.ge [sflag:s26], $0x4000  }
0x248: {  	[sflag:s26] =	ssyncset.done $0x0  }
0x249: {  	[sflag:s26] =	ssyncadd.s32 $0xFFFFC000  }
0x24a: {  	[spmem:s3] =	stream.indirect.scatter.add.f32 [tilespmem:s18], [sflag:$0x4], $0x80, s22, s23, $0xb8;
	[tilespmem:$0x1D900] =	vst v63  }
0x24b: {  	_ =	swait.ge [sflag:s19], $0x4000  }
0x24c: {  	s10 =	sld [smem:$0x7E7]  }
0x24d: {  	[sflag:s19] =	ssyncset.done $0x0  }
0x24e: {  	[sflag:s19] =	ssyncadd.s32 $0xFFFFC000  }
0x24f: {  	[tilespmem:s18], [sflag:$0x1] =	stream.indirect.gather [hbm4b:s0+s23], $0x80, s10, s23, $0xb8;
	[tilespmem:$0x1D900] =	vst v63  }
0x250: {  	_ =	swait.ge [sflag:s28], $0x4000  }
0x251: {  	s10 =	sld [smem:$0x7EA]  }
0x252: {  	[sflag:s28] =	ssyncset.done $0x0  }
0x253: {  	[sflag:s28] =	ssyncadd.s32 $0xFFFFC000  }
0x254: {  	[spmem:s3] =	stream.indirect.scatter.add.f32 [tilespmem:s24], [sflag:$0x4], $0x80, s10, s23, $0xb8;
	[tilespmem:$0x1D900] =	vst v63  }
0x255: {  	_ =	swait.ge [sflag:s19], $0x4000  }
0x256: {  	s10 =	sld [smem:$0x7EB]  }
0x257: {  	[sflag:s19] =	ssyncset.done $0x0  }
0x258: {  	[sflag:s19] =	ssyncadd.s32 $0xFFFFC000  }
0x259: {  	[tilespmem:s24], [sflag:$0x2] =	stream.indirect.gather [hbm4b:s0+s23], $0x80, s10, s23, $0xb8;
	[tilespmem:$0x1D900] =	vst v63  }
0x25a: {  	_ =	swait.ge [sflag:s26], $0x4000  }
0x25b: {  	s10 =	sld [smem:$0x7EC]  }
0x25c: {  	[sflag:s26] =	ssyncset.done $0x0  }
0x25d: {  	[sflag:s26] =	ssyncadd.s32 $0xFFFFC000  }
0x25e: {  	[spmem:s3] =	stream.indirect.scatter.add.f32 [tilespmem:s18], [sflag:$0x4], $0x80, s10, s23, $0xb8;
	[tilespmem:$0x1D900] =	vst v63  }
0x25f: {  	_ =	swait.ge [sflag:s19], $0x4000  }
0x260: {  	s10 =	sld [smem:$0x7EE]  }
0x261: {  	[sflag:s19] =	ssyncset.done $0x0  }
0x262: {  	[sflag:s19] =	ssyncadd.s32 $0xFFFFC000  }
0x263: {  	[tilespmem:s18], [sflag:$0x1] =	stream.indirect.gather [hbm4b:s0+s23], $0x80, s10, s23, $0xb8;
	[tilespmem:$0x1D900] =	vst v63  }
0x264: {  	_ =	swait.ge [sflag:s28], $0x4000  }
0x265: {  	s10 =	sld [smem:$0x7EF]  }
0x266: {  	[sflag:s28] =	ssyncset.done $0x0  }
0x267: {  	[sflag:s28] =	ssyncadd.s32 $0xFFFFC000  }
0x268: {  	[spmem:s3] =	stream.indirect.scatter.add.f32 [tilespmem:s24], [sflag:$0x4], $0x80, s10, s23, $0xb8;
	[tilespmem:$0x1D900] =	vst v63  }
0x269: {  	_ =	swait.ge [sflag:s19], $0x4000  }
0x26a: {  	s10 =	sld [smem:$0x7F0]  }
0x26b: {  	[sflag:s19] =	ssyncset.done $0x0  }
0x26c: {  	[sflag:s19] =	ssyncadd.s32 $0xFFFFC000  }
0x26d: {  	[tilespmem:s24], [sflag:$0x2] =	stream.indirect.gather [hbm4b:s0+s23], $0x80, s10, s23, $0xb8;
	[tilespmem:$0x1D900] =	vst v63  }
0x26e: {  	_ =	swait.ge [sflag:s26], $0x4000  }
0x26f: {  	s10 =	sld [smem:$0x7F2]  }
0x270: {  	[sflag:s26] =	ssyncset.done $0x0  }
0x271: {  	[sflag:s26] =	ssyncadd.s32 $0xFFFFC000  }
0x272: {  	[spmem:s3] =	stream.indirect.scatter.add.f32 [tilespmem:s18], [sflag:$0x4], $0x80, s10, s23, $0xb8;
	[tilespmem:$0x1D900] =	vst v63  }
0x273: {  	_ =	swait.ge [sflag:s19], $0x4000  }
0x274: {  	s10 =	sld [smem:$0x7F4]  }
0x275: {  	[sflag:s19] =	ssyncset.done $0x0  }
0x276: {  	[sflag:s19] =	ssyncadd.s32 $0xFFFFC000  }
0x277: {  	[tilespmem:s18], [sflag:$0x1] =	stream.indirect.gather [hbm4b:s0+s23], $0x80, s10, s23, $0xb8;
	[tilespmem:$0x1D900] =	vst v63  }
0x278: {  	_ =	swait.ge [sflag:s28], $0x4000  }
0x279: {  	s10 =	sld [smem:$0x7F5]  }
0x27a: {  	[sflag:s28] =	ssyncset.done $0x0  }
0x27b: {  	[sflag:s28] =	ssyncadd.s32 $0xFFFFC000  }
0x27c: {  	[spmem:s3] =	stream.indirect.scatter.add.f32 [tilespmem:s24], [sflag:$0x4], $0x80, s10, s23, $0xb8;
	[tilespmem:$0x1D900] =	vst v63  }
0x27d: {  	_ =	swait.ge [sflag:s19], $0x4000  }
0x27e: {  	s10 =	sld [smem:$0x7F6]  }
0x27f: {  	[sflag:s19] =	ssyncset.done $0x0  }
0x280: {  	[sflag:s19] =	ssyncadd.s32 $0xFFFFC000  }
0x281: {  	[tilespmem:s24], [sflag:$0x2] =	stream.indirect.gather [hbm4b:s0+s23], $0x80, s10, s23, $0xb8;
	[tilespmem:$0x1D900] =	vst v63  }
0x282: {  	_ =	swait.ge [sflag:s26], $0x4000  }
0x283: {  	s10 =	sld [smem:$0x7F7]  }
0x284: {  	[sflag:s26] =	ssyncset.done $0x0  }
0x285: {  	[sflag:s26] =	ssyncadd.s32 $0xFFFFC000  }
0x286: {  	[spmem:s3] =	stream.indirect.scatter.add.f32 [tilespmem:s18], [sflag:$0x4], $0x80, s10, s23, $0xb8;
	[tilespmem:$0x1D900] =	vst v63  }
0x287: {  	_ =	swait.ge [sflag:s19], $0x4000  }
0x288: {  	s10 =	sld [smem:$0x7F8]  }
0x289: {  	[sflag:s19] =	ssyncset.done $0x0  }
0x28a: {  	[sflag:s19] =	ssyncadd.s32 $0xFFFFC000  }
0x28b: {  	[tilespmem:s18], [sflag:$0x1] =	stream.indirect.gather [hbm4b:s0+s23], $0x80, s10, s23, $0xb8;
	[tilespmem:$0x1D900] =	vst v63  }
0x28c: {  	_ =	swait.ge [sflag:s28], $0x4000  }
0x28d: {  	s10 =	sld [smem:$0x7F9]  }
0x28e: {  	[sflag:s28] =	ssyncset.done $0x0  }
0x28f: {  	[sflag:s28] =	ssyncadd.s32 $0xFFFFC000  }
0x290: {  	[spmem:s3] =	stream.indirect.scatter.add.f32 [tilespmem:s24], [sflag:$0x4], $0x80, s10, s23, $0xb8;
	[tilespmem:$0x1D900] =	vst v63  }
0x291: {  	_ =	swait.ge [sflag:s19], $0x4000  }
0x292: {  	s10 =	sld [smem:$0x7FA]  }
0x293: {  	[sflag:s19] =	ssyncset.done $0x0  }
0x294: {  	[sflag:s19] =	ssyncadd.s32 $0xFFFFC000  }
0x295: {  	[tilespmem:s24], [sflag:$0x2] =	stream.indirect.gather [hbm4b:s0+s23], $0x80, s10, s23, $0xb8;
	[tilespmem:$0x1D900] =	vst v63  }
0x296: {  	_ =	swait.ge [sflag:s26], $0x4000  }
0x297: {  	s10 =	sld [smem:$0x7FB]  }
0x298: {  	[sflag:s26] =	ssyncset.done $0x0  }
0x299: {  	[sflag:s26] =	ssyncadd.s32 $0xFFFFC000  }
0x29a: {  	[spmem:s3] =	stream.indirect.scatter.add.f32 [tilespmem:s18], [sflag:$0x4], $0x80, s10, s23, $0xb8;
	[tilespmem:$0x1D900] =	vst v63  }
0x29b: {  	_ =	swait.ge [sflag:s19], $0x4000  }
0x29c: {  	s10 =	sld [smem:$0x7FC]  }
0x29d: {  	[sflag:s19] =	ssyncset.done $0x0  }
0x29e: {  	[sflag:s19] =	ssyncadd.s32 $0xFFFFC000  }
0x29f: {  	[tilespmem:s18], [sflag:$0x1] =	stream.indirect.gather [hbm4b:s0+s23], $0x80, s10, s23, $0xb8;
	[tilespmem:$0x1D900] =	vst v63  }
0x2a0: {  	_ =	swait.ge [sflag:s28], $0x4000  }
0x2a1: {  	[sflag:s28] =	ssyncset.done $0x0  }
0x2a2: {  	[sflag:s28] =	ssyncadd.s32 $0xFFFFC000  }
0x2a3: {  	[spmem:s3] =	stream.indirect.scatter.add.f32 [tilespmem:s24], [sflag:$0x4], $0x80, s29, s23, $0xb8;
	[tilespmem:$0x1D900] =	vst v63  }
0x2a4: {  	_ =	swait.ge [sflag:s19], $0x4000  }
0x2a5: {  	[sflag:s19] =	ssyncset.done $0x0  }
0x2a6: {  	[sflag:s19] =	ssyncadd.s32 $0xFFFFC000  }
0x2a7: {  	[tilespmem:s24], [sflag:$0x2] =	stream.indirect.gather [hbm4b:s0+s23], $0x80, s30, s23, $0xb8;
	[tilespmem:$0x1D900] =	vst v63  }
0x2a8: {  	_ =	swait.ge [sflag:s26], $0x4000  }
0x2a9: {  	[sflag:s26] =	ssyncset.done $0x0  }
0x2aa: {  	[sflag:s26] =	ssyncadd.s32 $0xFFFFC000  }
0x2ab: {  	[spmem:s3] =	stream.indirect.scatter.add.f32 [tilespmem:s18], [sflag:$0x4], $0x80, s31, s23, $0xb8;
	[tilespmem:$0x1D900] =	vst v63  }
0x2ac: {  	_ =	swait.ge [sflag:s19], $0x4000  }
0x2ad: {  	[sflag:s19] =	ssyncset.done $0x0  }
0x2ae: {  	[sflag:s19] =	ssyncadd.s32 $0xFFFFC000  }
0x2af: {  	[tilespmem:s18], [sflag:$0x1] =	stream.indirect.gather [hbm4b:s0+s23], $0x80, s1, s23, $0xb8;
	[tilespmem:$0x1D900] =	vst v63  }
0x2b0: {  	_ =	swait.ge [sflag:s28], $0x4000  }
0x2b1: {  	[sflag:s28] =	ssyncset.done $0x0  }
0x2b2: {  	[sflag:s28] =	ssyncadd.s32 $0xFFFFC000  }
0x2b3: {  	[spmem:s3] =	stream.indirect.scatter.add.f32 [tilespmem:s24], [sflag:$0x4], $0x80, s2, s23, $0xb8;
	[tilespmem:$0x1D900] =	vst v63  }
0x2b4: {  	_ =	swait.ge [sflag:s19], $0x4000  }
0x2b5: {  	[sflag:s19] =	ssyncset.done $0x0  }
0x2b6: {  	[sflag:s19] =	ssyncadd.s32 $0xFFFFC000  }
0x2b7: {  	[tilespmem:s24], [sflag:$0x2] =	stream.indirect.gather [hbm4b:s0+s23], $0x80, s6, s23, $0xb8;
	[tilespmem:$0x1D900] =	vst v63  }
0x2b8: {  	_ =	swait.ge [sflag:s26], $0x4000  }
0x2b9: {  	[sflag:s26] =	ssyncset.done $0x0  }
0x2ba: {  	[sflag:s26] =	ssyncadd.s32 $0xFFFFC000  }
0x2bb: {  	[spmem:s3] =	stream.indirect.scatter.add.f32 [tilespmem:s18], [sflag:$0x4], $0x80, s7, s23, $0xb8;
	[tilespmem:$0x1D900] =	vst v63  }
0x2bc: {  	_ =	swait.ge [sflag:s19], $0x4000  }
0x2bd: {  	[sflag:s19] =	ssyncset.done $0x0  }
0x2be: {  	[sflag:s19] =	ssyncadd.s32 $0xFFFFC000  }
0x2bf: {  	[tilespmem:s18], [sflag:$0x1] =	stream.indirect.gather [hbm4b:s0+s23], $0x80, s8, s23, $0xb8;
	[tilespmem:$0x1D900] =	vst v63  }
0x2c0: {  	_ =	swait.ge [sflag:s28], $0x4000  }
0x2c1: {  	[sflag:s28] =	ssyncset.done $0x0  }
0x2c2: {  	[sflag:s28] =	ssyncadd.s32 $0xFFFFC000  }
0x2c3: {  	[spmem:s3] =	stream.indirect.scatter.add.f32 [tilespmem:s24], [sflag:$0x4], $0x80, s9, s23, $0xb8;
	[tilespmem:$0x1D900] =	vst v63  }
0x2c4: {  	_ =	swait.ge [sflag:s19], $0x4000  }
0x2c5: {  	[sflag:s19] =	ssyncset.done $0x0  }
0x2c6: {  	[sflag:s19] =	ssyncadd.s32 $0xFFFFC000  }
0x2c7: {  	[tilespmem:s24], [sflag:$0x2] =	stream.indirect.gather [hbm4b:s0+s23], $0x80, s13, s23, $0xb8;
	[tilespmem:$0x1D900] =	vst v63  }
0x2c8: {  	_ =	swait.ge [sflag:s26], $0x4000  }
0x2c9: {  	[sflag:s26] =	ssyncset.done $0x0  }
0x2ca: {  	[sflag:s26] =	ssyncadd.s32 $0xFFFFC000  }
0x2cb: {  	[spmem:s3] =	stream.indirect.scatter.add.f32 [tilespmem:s18], [sflag:$0x4], $0x80, s14, s23, $0xb8;
	[tilespmem:$0x1D900] =	vst v63  }
0x2cc: {  	_ =	swait.ge [sflag:s19], $0x4000  }
0x2cd: {  	[sflag:s19] =	ssyncset.done $0x0  }
0x2ce: {  	[sflag:s19] =	ssyncadd.s32 $0xFFFFC000  }
0x2cf: {  	[tilespmem:s18], [sflag:$0x1] =	stream.indirect.gather [hbm4b:s0+s23], $0x80, s4, s23, $0xb8;
	[tilespmem:$0x1D900] =	vst v63  }
0x2d0: {  	_ =	swait.ge [sflag:s28], $0x4000  }
0x2d1: {  	[sflag:s28] =	ssyncset.done $0x0  }
0x2d2: {  	[sflag:s28] =	ssyncadd.s32 $0xFFFFC000  }
0x2d3: {  	[spmem:s3] =	stream.indirect.scatter.add.f32 [tilespmem:s24], [sflag:$0x4], $0x80, s15, s23, $0xb8;
	[tilespmem:$0x1D900] =	vst v63  }
0x2d4: {  	p1 =	sne.s32 s11, $0x800;
	_ =	swait.ge [sflag:s19], $0x4000  }
.Ltmp1:
0x2d5: {  	[sflag:s19] =	ssyncset.done $0x0;
	(pc) =	sbr.rel @p1 .LBB2_4-.Ltmp1, $4  }
0x2d6: {  	s10 =	rddreg [dreg:$0x6];
	[sflag:s19] =	ssyncadd.s32 $0xFFFFC000  }
0x2d7: {  	[tilespmem:s24], [sflag:$0x2] =	stream.indirect.gather [hbm4b:s0+s23], $0x80, s23, s23, $0xb8;
	[tilespmem:$0x1D900] =	vst v63  }
0x2d8: {  	s11 =	sadd.s32 $0x200, s11;
	s12 =	sadd.s32 $0x300, s12;
	s5 =	sadd.s32 s17, s10  }
0x2d9: {  	[tilespmem:s21], [sflag:$0x3] =	stream.linear.gather [hbm4b:s5+s4], $0x800, $0x38;
	[tilespmem:$0x1D900] =	vst v63  }
0x2da: {  	[tilespmem:s22], [sflag:$0x3] =	stream.linear.gather [hbm4b:s12+s4], $0x800, $0x38;
	[tilespmem:$0x1D900] =	vst v63  }
0x2db: {  	_ =	swait.ge [sflag:s26], $0x4000  }
0x2dc: {  	[sflag:s26] =	ssyncset.done $0x0  }
0x2dd: {  	[sflag:s26] =	ssyncadd.s32 $0xFFFFC000  }
0x2de: {  	_ =	swait.ge [sflag:s28], $0x4000  }
0x2df: {  	[sflag:s28] =	ssyncset.done $0x0  }
0x2e0: {  	[sflag:s28] =	ssyncadd.s32 $0xFFFFC000  }
0x2e1: {  	_ =	swait.ge [sflag:s25], $0x800  }
0x2e2: {  	[sflag:s25] =	ssyncset.done $0x0  }
0x2e3: {  	[sflag:s25] =	ssyncadd.s32 $0xFFFFF800  }
0x2e4: {  	_ =	swait.ge [sflag:s25], $0x800  }
0x2e5: {  	[sflag:s25] =	ssyncset.done $0x0  }
0x2e6: {  	[sflag:s25] =	ssyncadd.s32 $0xFFFFF800  }
0x2e7: {  	[bflag:$0x0] =	sbarrier.arrive $0xFFFF  }
0x2e8: {  	s17 =	sld [smem:$0x7FD]  }
0x2e9: {  	s5 =	stileid.u32;
	s11 =	sld [smem:$0x7ED]  }
0x2ea: {  	s5 =	sshll.u32 s5, $0x6  }
0x2eb: {  	s5 =	sor.u32 $0x1C04, s5;
	s10 =	sshrl.u32 s17, $0x3  }
0x2ec: {  	[hbm:s11], [sflag:s5] =	dma.local [spmem:s10], $0x2700  }
0x2ed: {  	_ =	swait.ge [sflag:s19], $0x2700  }
0x2ee: {  	s10 =	sld [smem:$0x7DF]  }
0x2ef: {  	s11 =	sld [smem:$0x7F1]  }
0x2f0: {  	[sflag:s19] =	ssyncset.done $0x0  }
0x2f1: {  	[sflag:s19] =	ssyncadd.s32 $0xFFFFD900;
	s10 =	sshrl.u32 @!p0 s10, $0x3  }
0x2f2: {  	[hbm:s11], [sflag:s5] =	dma.local @!p0 [spmem:s10], $0x100  }
0x2f3: {  	s5 =	simm.s32 @!p0 $0x4  }
0x2f4: {  	_ =	swait.ge @!p0 [sflag:s5], $0x100  }
0x2f5: {  	s12 =	sld [smem:$0x7F3];
	_ =	sdelay $0x1  }
0x2f6: {  	s16 =	sadd.s32 $0x1, s16  }
0x2f7: {  	p1 =	sne.s32 s16, s12  }
.Ltmp2:
0x2f8: {  	_ = 	snop;
	(pc) =	sbr.rel @p1 .LBB2_1-.Ltmp2, $3  }
0x2f9: {  	_ =	sdelay $0x1  }
0x2fa: {  	[sflag:s5] =	ssyncset.done @!p0 $0x0  }
0x2fb: {  	[sflag:s5] =	ssyncadd.s32 @!p0 $0xFFFFFF00  }
0x2fc: {  	_ =	sfence.sel $0x180000  }
0x2fd: {  	[bflag:$0x0] =	sbarrier.arrive $0xFFFF  }
0x2fe: {  	_ =	strace $0x90000047  }
0x2ff: {  	s0 =	stileid.u32;
	[bflag:$0x2] =	sbarrier.arrive $0xFFFF  }
0x300: {  	p0 =	sne.s32 s0, $0x0;
	s0 =	rddreg [dreg:$0x3]  }
0x301: {  	s0 =	sadd.s32 @!p0 $0x100000, s0  }
0x302: {  	[sflag:s0] =	ssyncadd.tile.s32 @!p0 $0x1;
	_ =	shalt  }
.Lfunc_end2:
_tile_overlayer_lowered:
.L_overlay_start_2:
0x303: {  	(tag) =	ssettag $0x2  }
0x304: {  	s0 =	rddreg [dreg:$0x0];
	s2 =	stileid.u32  }
0x305: {  	s1 =	rddreg [dreg:$0x1];
	p0 =	sne.s32 s2, $0x0  }
0x306: {  	s3 =	rddreg [dreg:$0x2];
	[bflag:$0x3] =	sbarrier.arrive $0xFFFF;
	s2 =	simm.s32 @!p0 $0x1C04  }
0x307: {  	[timem:s3], [sflag:s2] =	dma.local @!p0 [hbm:s0], s1  }
0x308: {  	s0 =	simm.s32 @!p0 $0x4  }
0x309: {  	_ =	swait.ge @!p0 [sflag:s0], s1  }
0x30a: {  	s1 =	ssub.s32 @!p0 $0x0, s1;
	[sflag:s0] =	ssyncset.done @!p0 $0x0  }
0x30b: {  	[sflag:s0] =	ssyncadd.s32 @!p0 s1  }
0x30c: {  	[bflag:$0x3] =	sbarrier.arrive $0xFFFF  }
0x30d: {  	_ =	shalt  }

</sc_bundles>
